<compile_context>
chip_gen: v7x
topology: tpu7x:2x2x1
jax: 0.10.2.dev20260603
libtpu: 0.0.44.dev20260713+nightly
codegen_flags: <defaults>
</compile_context>

<pallas_src>
import functools

import jax
import jax.numpy as jnp
from jax import lax
from jax.experimental import pallas as pl
from jax.experimental.pallas import tpu as pltpu
from jax.experimental.pallas import tpu_sc as plsc

S = 32
D = 144
NW = 32
NC = 2
L = 16


def _table_body(f_ref, p_ref, o_ref):
    f = f_ref[0]
    p = p_ref[0]
    o_ref[0, :, 0:128] = f.T
    o_ref[0, :, 128:131] = p.T


def _dist_body(p_ref, q_ref, o_ref, *, n, nc):
    q = q_ref[0]
    yy = jnp.sum(q * q, axis=0)

    def chunk(i, c):
        pc = p_ref[0, :, pl.ds(i * nc, nc)]
        inner = lax.dot_general(pc, q, (((0,), (0,)), ((), ())),
                                preferred_element_type=jnp.float32)
        xx = jnp.sum(pc * pc, axis=0)
        d = xx[:, None] - 2.0 * inner + yy[None, :]
        o_ref[0, :, pl.ds(i * nc, nc)] = d.T
        return c

    lax.fori_loop(0, n // nc, chunk, 0, unroll=False)


def _xreduce(v, op):
    vals = [v[i] for i in range(L)]
    while len(vals) > 1:
        vals = [op(vals[i], vals[i + 1]) if i + 1 < len(vals) else vals[i]
                for i in range(0, len(vals), 2)]
    return vals[0]


def _sctopk_body(dist_ref, idx_ref, row2, smin_ref, obuf, sem0, sem1,
                 *, n, m, qpw):
    wid = lax.axis_index("s") * NC + lax.axis_index("c")
    qbase = wid * qpw
    inf = jnp.float32(jnp.inf)
    nch = n // L

    iot0 = lax.iota(jnp.int32, L)
    inf16 = jnp.full((L,), inf, jnp.float32)
    big = jnp.int32(1 << 30)
    big16 = jnp.full((L,), big, jnp.int32)
    G = 16
    nst = nch // G

    pltpu.async_copy(dist_ref.at[qbase], row2.at[pl.ds(0, n)], sem0)

    def per_query(j, carry0):
        qid = qbase + j
        b = qid // m
        par = (j & 1) * n
        nxt = ((j + 1) & 1) * n

        @pl.when(((j & 1) == 0) & (j + 1 < qpw))
        def _():
            pltpu.async_copy(dist_ref.at[qid + 1], row2.at[pl.ds(nxt, n)],
                             sem1)

        @pl.when(((j & 1) == 1) & (j + 1 < qpw))
        def _():
            pltpu.async_copy(dist_ref.at[qid + 1], row2.at[pl.ds(nxt, n)],
                             sem0)

        @pl.when((j & 1) == 0)
        def _():
            pltpu.make_async_copy(dist_ref.at[qid], row2.at[pl.ds(par, n)],
                                  sem0).wait()

        @pl.when((j & 1) == 1)
        def _():
            pltpu.make_async_copy(dist_ref.at[qid], row2.at[pl.ds(par, n)],
                                  sem1).wait()

        def p1(s, c):
            def inner(i, acc):
                return jnp.minimum(acc, row2[pl.ds(par + (s * G + i) * L, L)])
            smin_ref[pl.ds(s * L, L)] = lax.fori_loop(0, G, inner, inf16,
                                                      unroll=16)
            return c

        lax.fori_loop(0, nst, p1, 0, unroll=4)

        def extract(si, carry):
            def l12(s, c):
                macc, sarg = c
                v = smin_ref[pl.ds(s * L, L)]
                upd = v < macc
                sarg = jnp.where(upd, s, sarg)
                macc = jnp.minimum(macc, v)
                return macc, sarg

            macc, sarg = lax.fori_loop(0, nst, l12, (inf16, big16), unroll=8)
            gmin = _xreduce(macc, jnp.minimum)
            sstar = _xreduce(jnp.where(macc == gmin, sarg, big16),
                             jnp.minimum)

            def l34(i, c):
                nmin, m1, m2 = c
                base_n = (sstar * G + i) * L
                v = row2[pl.ds(par + base_n, L)]
                eq = v == gmin
                nmin = jnp.minimum(nmin, jnp.where(eq, base_n + iot0, big))
                m2 = jnp.minimum(m2, jnp.maximum(m1, v))
                m1 = jnp.minimum(m1, v)
                return nmin, m1, m2

            nminv, m1, m2 = lax.fori_loop(0, G, l34, (big16, inf16, inf16),
                                          unroll=16)
            nsel = _xreduce(nminv, jnp.minimum)
            lane_sel = iot0 == (nsel & (L - 1))

            cbase = (nsel >> 4) * L
            v = row2[pl.ds(par + cbase, L)]
            row2[pl.ds(par + cbase, L)] = jnp.where(lane_sel, inf, v)

            smin_ref[pl.ds(sstar * L, L)] = jnp.where(lane_sel, m2, m1)

            ob = obuf[pl.ds((si >> 4) * L, L)]
            obuf[pl.ds((si >> 4) * L, L)] = jnp.where(
                iot0 == (si & (L - 1)), b * n + nsel, ob)
            return carry

        lax.fori_loop(0, S, extract, 0, unroll=False)
        pltpu.sync_copy(obuf, idx_ref.at[pl.ds(qid * S, S)])
        return carry0

    lax.fori_loop(0, qpw, per_query, 0, unroll=False)


def _gather_body(tab_ref, idx_ref, out_ref, idx_v, rows_v, sem,
                 *, rows_per_w, chunk):
    wid = lax.axis_index("s") * NC + lax.axis_index("c")
    base = wid * rows_per_w

    def step(i, carry):
        off = base + i * chunk
        pltpu.sync_copy(idx_ref.at[pl.ds(off, chunk)], idx_v)
        pltpu.async_copy(tab_ref.at[idx_v], rows_v, sem).wait()
        pltpu.sync_copy(rows_v, out_ref.at[pl.ds(off, chunk)])
        return carry

    lax.fori_loop(0, rows_per_w // chunk, step, 0)


def _finish_body(r_ref, q_ref, o_ref):
    t = r_ref[0].T
    o_ref[0, 0:3, :] = t[128:131, :] - q_ref[0]
    o_ref[0, 3:131, :] = t[0:128, :]


def kernel(points, new_points, features):
    B, three, N = points.shape
    M = new_points.shape[2]
    C = features.shape[1]

    NB = 1024
    table = pl.pallas_call(
        _table_body,
        grid=(B, N // NB),
        in_specs=[
            pl.BlockSpec((1, C, NB), lambda b, j: (b, 0, j)),
            pl.BlockSpec((1, three, NB), lambda b, j: (b, 0, j)),
        ],
        out_specs=pl.BlockSpec((1, NB, D), lambda b, j: (b, j, 0)),
        out_shape=jax.ShapeDtypeStruct((B, N, D), jnp.float32),
    )(features, points)
    table = table.reshape(B * N, D)

    BM = 256
    NCHUNK = 256
    dist_t = pl.pallas_call(
        functools.partial(_dist_body, n=N, nc=NCHUNK),
        grid=(B, M // BM),
        in_specs=[
            pl.BlockSpec((1, three, N), lambda b, j: (b, 0, 0)),
            pl.BlockSpec((1, three, BM), lambda b, j: (b, 0, j)),
        ],
        out_specs=pl.BlockSpec((1, BM, N), lambda b, j: (b, j, 0)),
        out_shape=jax.ShapeDtypeStruct((B, M, N), jnp.float32),
    )(points, new_points)
    dist_flat = dist_t.reshape(B * M, N)

    QT = B * M
    mesh = plsc.VectorSubcoreMesh(core_axis_name="c", subcore_axis_name="s")
    idx_flat = pl.kernel(
        functools.partial(_sctopk_body, n=N, m=M, qpw=QT // NW),
        out_type=jax.ShapeDtypeStruct((QT * S,), jnp.int32),
        mesh=mesh,
        scratch_types=[
            pltpu.VMEM((2 * N,), jnp.float32),
            pltpu.VMEM((N // 16,), jnp.float32),
            pltpu.VMEM((S,), jnp.int32),
            pltpu.SemaphoreType.DMA,
            pltpu.SemaphoreType.DMA,
        ],
    )(dist_flat)

    RT = B * M * S
    rows_per_w = RT // NW
    chunk = 128
    rows = pl.kernel(
        functools.partial(_gather_body, rows_per_w=rows_per_w, chunk=chunk),
        out_type=jax.ShapeDtypeStruct((RT, D), jnp.float32),
        mesh=mesh,
        scratch_types=[
            pltpu.VMEM((chunk,), jnp.int32),
            pltpu.VMEM((chunk, D), jnp.float32),
            pltpu.SemaphoreType.DMA,
        ],
        compiler_params=pltpu.CompilerParams(use_tc_tiling_on_sc=False),
    )(table, idx_flat)

    BMC = 128
    BMS = BMC * S
    qrep = jnp.broadcast_to(new_points[:, :, :, None],
                            (B, three, M, S)).reshape(B, three, M * S)
    rows3 = rows.reshape(B, M * S, D)
    out = pl.pallas_call(
        _finish_body,
        grid=(B, (M * S) // BMS),
        in_specs=[
            pl.BlockSpec((1, BMS, D), lambda b, j: (b, j, 0)),
            pl.BlockSpec((1, three, BMS), lambda b, j: (b, 0, j)),
        ],
        out_specs=pl.BlockSpec((1, C + three, BMS), lambda b, j: (b, 0, j)),
        out_shape=jax.ShapeDtypeStruct((B, C + three, M * S), jnp.float32),
    )(rows3, qrep)
    return out.reshape(B, C + three, M, S)

# --- scband reference (transcript-rebuilt; emitter-appended) ---
"""Pipeline reference for scband-group-51058571215371 (READ-ONLY COPY).

The authoritative reference and input builder live on the scoring server;
editing this copy changes nothing except your own understanding.
"""

import jax, jax.numpy as jnp
import numpy as np

NUM_SAMPLES = 32


def setup_inputs(seed: int = 0) -> dict:
    key = jax.random.key(seed)
    k1, k2, k3 = jax.random.split(key, 3)
    points = jax.random.normal(k1, (4, 3, 8192), dtype=jnp.float32)
    new_points = jax.random.normal(k2, (4, 3, 2048), dtype=jnp.float32)
    features = jax.random.normal(k3, (4, 128, 8192), dtype=jnp.float32)
    return {"points": points, "new_points": new_points, "features": features}


def _pdist2squared(x, y):
    # x: [B, 3, N], y: [B, 3, M] -> squared distances [B, N, M]
    xx = jnp.sum(x ** 2, axis=1)  # [B, N]
    yy = jnp.sum(y ** 2, axis=1)  # [B, M]
    inner = jnp.einsum('bdn,bdm->bnm', x, y)  # [B, N, M]
    return xx[:, :, None] - 2.0 * inner + yy[:, None, :]


def _group_gather_by_index(t, ind):
    # t: [B, C, N], ind: [B, M, S] -> [B, C, M, S]
    return jax.vmap(lambda p, i: p[:, i])(t, ind)


def reference(points, new_points, features):
    # knn=True path of Group.forward
    dist = _pdist2squared(points, new_points)  # [B, N, M]
    dist_t = jnp.transpose(dist, (0, 2, 1))  # [B, M, N]
    # topk smallest over N -> indices [B, M, S] (matches torch permute(0,2,1))
    _, ind = jax.lax.top_k(-dist_t, NUM_SAMPLES)
    grouped_points = _group_gather_by_index(points, ind)  # [B, 3, M, S]
    grouped_points_new = grouped_points - new_points[:, :, :, None]
    grouped_features = _group_gather_by_index(features, ind)  # [B, C, M, S]
    new_features = jnp.concatenate([grouped_points_new, grouped_features], axis=1)
    return new_features

if __name__ == "__main__":
    import jax
    _d = setup_inputs()
    print(jax.jit(kernel)(*tuple(_d.values())))

</pallas_src>

<mosaic_0001>
#map = affine_map<(d0, d1) -> (0, 0)>
#map1 = affine_map<(d0, d1) -> (0)>
module attributes {stable_mosaic.version = 14 : i64} {
  func.func @_sctopk_body(%arg0: i32, %arg1: i32, %arg2: memref<8192x8192xf32, #tpu.memory_space<hbm>>, %arg3: memref<262144xi32, #tpu.memory_space<hbm>>, %arg4: memref<16384xf32, #tpu.memory_space<vmem>>, %arg5: memref<512xf32, #tpu.memory_space<vmem>>, %arg6: memref<32xi32, #tpu.memory_space<vmem>>, %arg7: memref<!tpu.dma_semaphore, #tpu.memory_space<semaphore_mem>>, %arg8: memref<!tpu.dma_semaphore, #tpu.memory_space<semaphore_mem>>) attributes {dimension_semantics = [#tpu.dimension_semantics<core_parallel>, #tpu.dimension_semantics<subcore_parallel>], iteration_bounds = array<i64: 2, 16>, scalar_prefetch = 0 : i64, scratch_operands = 5 : i64, tpu.core_type = #tpu.core_type<sc_vector_subcore>, window_params = [{transform_indices = #map}, {transform_indices = #map1}]} {
    %mul3A = arith.constant 2 : i32
    %mul3A_0 = arith.muli %arg1, %mul3A : i32
    %add3A = arith.addi %mul3A_0, %arg0 : i32
    %mul3A_1 = arith.constant 256 : i32
    %mul3A_2 = arith.muli %add3A, %mul3A_1 : i32
    %iota3A = tpu.iota {dimensions = array<i32: 0>} : vector<16xi32>
    %broadcast_in_dim3A = arith.constant 0x7F800000 : f32
    %broadcast_in_dim3A_3 = vector.broadcast %broadcast_in_dim3A : f32 to vector<16xf32>
    %broadcast_in_dim3A_4 = arith.constant 1073741824 : i32
    %broadcast_in_dim3A_5 = vector.broadcast %broadcast_in_dim3A_4 : i32 to vector<16xi32>
    %dma_start3A = arith.constant 0 : i32
    %dma_start3A_6 = tpu.memref_slice %arg4[%dma_start3A] : memref<16384xf32, #tpu.memory_space<vmem>> -> memref<8192xf32, #tpu.memory_space<vmem>>
    %dma_start3A_7 = arith.constant 0 : i32
    %dma_start3A_8 = tpu.memref_slice %arg2[%mul3A_2, %dma_start3A_7] : memref<8192x8192xf32, #tpu.memory_space<hbm>> -> memref<1x8192xf32, #tpu.memory_space<hbm>>
    %dma_start3A_9 = tpu.memref_squeeze %dma_start3A_8 : memref<1x8192xf32, #tpu.memory_space<hbm>> -> memref<8192xf32, #tpu.memory_space<hbm>>
    %dma_start3A_10 = arith.constant 0 : i32
    %dma_start3A_11 = tpu.memref_slice %arg4[%dma_start3A_10] : memref<16384xf32, #tpu.memory_space<vmem>> -> memref<8192xf32, #tpu.memory_space<vmem>>
    %dma_start3A_12 = arith.constant 0 : i32
    %dma_start3A_13 = tpu.memref_slice %arg2[%mul3A_2, %dma_start3A_12] : memref<8192x8192xf32, #tpu.memory_space<hbm>> -> memref<1x8192xf32, #tpu.memory_space<hbm>>
    %dma_start3A_14 = tpu.memref_squeeze %dma_start3A_13 : memref<1x8192xf32, #tpu.memory_space<hbm>> -> memref<8192xf32, #tpu.memory_space<hbm>>
    tpu.enqueue_dma source(%dma_start3A_14 : memref<8192xf32, #tpu.memory_space<hbm>>) target(%dma_start3A_11 : memref<8192xf32, #tpu.memory_space<vmem>>) target_semaphore(%arg7 : memref<!tpu.dma_semaphore, #tpu.memory_space<semaphore_mem>>)
    %scan3A = arith.constant 0 : i32
    %scan3A_15 = arith.constant 1073741824 : i32
    %scan3A_16 = arith.constant 0x7F800000 : f32
    %scan3A_17 = arith.constant 0 : i32
    %scan3A_18 = arith.constant 256 : i32
    %scan3A_19 = arith.addi %scan3A_17, %scan3A_18 : i32
    %scan3A_20 = arith.constant 1 : i32
    scf.for %scan3A_22 = %scan3A_17 to %scan3A_19 step %scan3A_20  : i32 {
      %add3A_23 = arith.addi %mul3A_2, %scan3A_22 : i32
      %jit3A = arith.constant 2048 : i32
      %div3A = arith.divsi %add3A_23, %jit3A : i32
      %sign3A = arith.constant 0 : i32
      %sign3A_24 = arith.cmpi sgt, %add3A_23, %sign3A : i32
      %sign3A_25 = arith.extui %sign3A_24 : i1 to i32
      %sign3A_26 = arith.constant 0 : i32
      %sign3A_27 = arith.cmpi slt, %add3A_23, %sign3A_26 : i32
      %sign3A_28 = arith.extui %sign3A_27 : i1 to i32
      %sign3A_29 = arith.subi %sign3A_25, %sign3A_28 : i32
      %sign3A_30 = arith.constant 0 : i32
      %sign3A_31 = arith.cmpi sgt, %jit3A, %sign3A_30 : i32
      %sign3A_32 = arith.extui %sign3A_31 : i1 to i32
      %sign3A_33 = arith.constant 0 : i32
      %sign3A_34 = arith.cmpi slt, %jit3A, %sign3A_33 : i32
      %sign3A_35 = arith.extui %sign3A_34 : i1 to i32
      %sign3A_36 = arith.subi %sign3A_32, %sign3A_35 : i32
      %ne3A = arith.cmpi ne, %sign3A_29, %sign3A_36 : i32
      %rem3A = arith.remsi %add3A_23, %jit3A : i32
      %ne3A_37 = arith.constant 0 : i32
      %ne3A_38 = arith.cmpi ne, %rem3A, %ne3A_37 : i32
      %and3A = arith.andi %ne3A, %ne3A_38 : i1
      %sub3A = arith.constant 1 : i32
      %sub3A_39 = arith.subi %div3A, %sub3A : i32
      %select_n3A = arith.select %and3A, %sub3A_39, %div3A : i32
      %and3A_40 = arith.constant 1 : i32
      %and3A_41 = arith.andi %scan3A_22, %and3A_40 : i32
      %mul3A_42 = arith.constant 8192 : i32
      %mul3A_43 = arith.muli %and3A_41, %mul3A_42 : i32
      %add3A_44 = arith.constant 1 : i32
      %add3A_45 = arith.addi %scan3A_22, %add3A_44 : i32
      %and3A_46 = arith.constant 1 : i32
      %and3A_47 = arith.andi %add3A_45, %and3A_46 : i32
      %mul3A_48 = arith.constant 8192 : i32
      %mul3A_49 = arith.muli %and3A_47, %mul3A_48 : i32
      %and3A_50 = arith.constant 1 : i32
      %and3A_51 = arith.andi %scan3A_22, %and3A_50 : i32
      %eq3A = arith.constant 0 : i32
      %eq3A_52 = arith.cmpi eq, %and3A_51, %eq3A : i32
      %add3A_53 = arith.constant 1 : i32
      %add3A_54 = arith.addi %scan3A_22, %add3A_53 : i32
      %lt3A = arith.constant 256 : i32
      %lt3A_55 = arith.cmpi slt, %add3A_54, %lt3A : i32
      %and3A_56 = arith.andi %eq3A_52, %lt3A_55 : i1
      %convert_element_type3A = arith.extui %and3A_56 : i1 to i32
      %cond3A = arith.constant 0 : i32
      %cond3A_57 = arith.cmpi ne, %convert_element_type3A, %cond3A : i32
      scf.if %cond3A_57 {
        %add3A_98 = arith.constant 1 : i32
        %add3A_99 = arith.addi %add3A_23, %add3A_98 : i32
        %dma_start3A_100 = tpu.memref_slice %arg4[%mul3A_49] : memref<16384xf32, #tpu.memory_space<vmem>> -> memref<8192xf32, #tpu.memory_space<vmem>>
        %dma_start3A_101 = arith.constant 0 : i32
        %dma_start3A_102 = tpu.memref_slice %arg2[%add3A_99, %dma_start3A_101] : memref<8192x8192xf32, #tpu.memory_space<hbm>> -> memref<1x8192xf32, #tpu.memory_space<hbm>>
        %dma_start3A_103 = tpu.memref_squeeze %dma_start3A_102 : memref<1x8192xf32, #tpu.memory_space<hbm>> -> memref<8192xf32, #tpu.memory_space<hbm>>
        %dma_start3A_104 = tpu.memref_slice %arg4[%mul3A_49] : memref<16384xf32, #tpu.memory_space<vmem>> -> memref<8192xf32, #tpu.memory_space<vmem>>
        %dma_start3A_105 = arith.constant 0 : i32
        %dma_start3A_106 = tpu.memref_slice %arg2[%add3A_99, %dma_start3A_105] : memref<8192x8192xf32, #tpu.memory_space<hbm>> -> memref<1x8192xf32, #tpu.memory_space<hbm>>
        %dma_start3A_107 = tpu.memref_squeeze %dma_start3A_106 : memref<1x8192xf32, #tpu.memory_space<hbm>> -> memref<8192xf32, #tpu.memory_space<hbm>>
        tpu.enqueue_dma source(%dma_start3A_107 : memref<8192xf32, #tpu.memory_space<hbm>>) target(%dma_start3A_104 : memref<8192xf32, #tpu.memory_space<vmem>>) target_semaphore(%arg8 : memref<!tpu.dma_semaphore, #tpu.memory_space<semaphore_mem>>)
      } else {
      }
      %and3A_58 = arith.constant 1 : i32
      %and3A_59 = arith.andi %scan3A_22, %and3A_58 : i32
      %eq3A_60 = arith.constant 1 : i32
      %eq3A_61 = arith.cmpi eq, %and3A_59, %eq3A_60 : i32
      %add3A_62 = arith.constant 1 : i32
      %add3A_63 = arith.addi %scan3A_22, %add3A_62 : i32
      %lt3A_64 = arith.constant 256 : i32
      %lt3A_65 = arith.cmpi slt, %add3A_63, %lt3A_64 : i32
      %and3A_66 = arith.andi %eq3A_61, %lt3A_65 : i1
      %convert_element_type3A_67 = arith.extui %and3A_66 : i1 to i32
      %cond3A_68 = arith.constant 0 : i32
      %cond3A_69 = arith.cmpi ne, %convert_element_type3A_67, %cond3A_68 : i32
      scf.if %cond3A_69 {
        %add3A_98 = arith.constant 1 : i32
        %add3A_99 = arith.addi %add3A_23, %add3A_98 : i32
        %dma_start3A_100 = tpu.memref_slice %arg4[%mul3A_49] : memref<16384xf32, #tpu.memory_space<vmem>> -> memref<8192xf32, #tpu.memory_space<vmem>>
        %dma_start3A_101 = arith.constant 0 : i32
        %dma_start3A_102 = tpu.memref_slice %arg2[%add3A_99, %dma_start3A_101] : memref<8192x8192xf32, #tpu.memory_space<hbm>> -> memref<1x8192xf32, #tpu.memory_space<hbm>>
        %dma_start3A_103 = tpu.memref_squeeze %dma_start3A_102 : memref<1x8192xf32, #tpu.memory_space<hbm>> -> memref<8192xf32, #tpu.memory_space<hbm>>
        %dma_start3A_104 = tpu.memref_slice %arg4[%mul3A_49] : memref<16384xf32, #tpu.memory_space<vmem>> -> memref<8192xf32, #tpu.memory_space<vmem>>
        %dma_start3A_105 = arith.constant 0 : i32
        %dma_start3A_106 = tpu.memref_slice %arg2[%add3A_99, %dma_start3A_105] : memref<8192x8192xf32, #tpu.memory_space<hbm>> -> memref<1x8192xf32, #tpu.memory_space<hbm>>
        %dma_start3A_107 = tpu.memref_squeeze %dma_start3A_106 : memref<1x8192xf32, #tpu.memory_space<hbm>> -> memref<8192xf32, #tpu.memory_space<hbm>>
        tpu.enqueue_dma source(%dma_start3A_107 : memref<8192xf32, #tpu.memory_space<hbm>>) target(%dma_start3A_104 : memref<8192xf32, #tpu.memory_space<vmem>>) target_semaphore(%arg7 : memref<!tpu.dma_semaphore, #tpu.memory_space<semaphore_mem>>)
      } else {
      }
      %and3A_70 = arith.constant 1 : i32
      %and3A_71 = arith.andi %scan3A_22, %and3A_70 : i32
      %eq3A_72 = arith.constant 0 : i32
      %eq3A_73 = arith.cmpi eq, %and3A_71, %eq3A_72 : i32
      %convert_element_type3A_74 = arith.extui %eq3A_73 : i1 to i32
      %cond3A_75 = arith.constant 0 : i32
      %cond3A_76 = arith.cmpi ne, %convert_element_type3A_74, %cond3A_75 : i32
      scf.if %cond3A_76 {
        %dma_wait3A = tpu.memref_slice %arg4[%mul3A_43] : memref<16384xf32, #tpu.memory_space<vmem>> -> memref<8192xf32, #tpu.memory_space<vmem>>
        %dma_wait3A_98 = arith.constant 0 : i32
        %dma_wait3A_99 = tpu.memref_slice %arg2[%add3A_23, %dma_wait3A_98] : memref<8192x8192xf32, #tpu.memory_space<hbm>> -> memref<1x8192xf32, #tpu.memory_space<hbm>>
        %dma_wait3A_100 = tpu.memref_squeeze %dma_wait3A_99 : memref<1x8192xf32, #tpu.memory_space<hbm>> -> memref<8192xf32, #tpu.memory_space<hbm>>
        %dma_wait3A_101 = tpu.memref_slice %arg4[%mul3A_43] : memref<16384xf32, #tpu.memory_space<vmem>> -> memref<8192xf32, #tpu.memory_space<vmem>>
        %dma_wait3A_102 = arith.constant 0 : i32
        %dma_wait3A_103 = tpu.memref_slice %arg2[%add3A_23, %dma_wait3A_102] : memref<8192x8192xf32, #tpu.memory_space<hbm>> -> memref<1x8192xf32, #tpu.memory_space<hbm>>
        %dma_wait3A_104 = tpu.memref_squeeze %dma_wait3A_103 : memref<1x8192xf32, #tpu.memory_space<hbm>> -> memref<8192xf32, #tpu.memory_space<hbm>>
        tpu.wait_dma2 semaphore(%arg7 : memref<!tpu.dma_semaphore, #tpu.memory_space<semaphore_mem>>) src(%dma_wait3A_104 : memref<8192xf32, #tpu.memory_space<hbm>>) dst(%dma_wait3A_101 : memref<8192xf32, #tpu.memory_space<vmem>>)
      } else {
      }
      %and3A_77 = arith.constant 1 : i32
      %and3A_78 = arith.andi %scan3A_22, %and3A_77 : i32
      %eq3A_79 = arith.constant 1 : i32
      %eq3A_80 = arith.cmpi eq, %and3A_78, %eq3A_79 : i32
      %convert_element_type3A_81 = arith.extui %eq3A_80 : i1 to i32
      %cond3A_82 = arith.constant 0 : i32
      %cond3A_83 = arith.cmpi ne, %convert_element_type3A_81, %cond3A_82 : i32
      scf.if %cond3A_83 {
        %dma_wait3A = tpu.memref_slice %arg4[%mul3A_43] : memref<16384xf32, #tpu.memory_space<vmem>> -> memref<8192xf32, #tpu.memory_space<vmem>>
        %dma_wait3A_98 = arith.constant 0 : i32
        %dma_wait3A_99 = tpu.memref_slice %arg2[%add3A_23, %dma_wait3A_98] : memref<8192x8192xf32, #tpu.memory_space<hbm>> -> memref<1x8192xf32, #tpu.memory_space<hbm>>
        %dma_wait3A_100 = tpu.memref_squeeze %dma_wait3A_99 : memref<1x8192xf32, #tpu.memory_space<hbm>> -> memref<8192xf32, #tpu.memory_space<hbm>>
        %dma_wait3A_101 = tpu.memref_slice %arg4[%mul3A_43] : memref<16384xf32, #tpu.memory_space<vmem>> -> memref<8192xf32, #tpu.memory_space<vmem>>
        %dma_wait3A_102 = arith.constant 0 : i32
        %dma_wait3A_103 = tpu.memref_slice %arg2[%add3A_23, %dma_wait3A_102] : memref<8192x8192xf32, #tpu.memory_space<hbm>> -> memref<1x8192xf32, #tpu.memory_space<hbm>>
        %dma_wait3A_104 = tpu.memref_squeeze %dma_wait3A_103 : memref<1x8192xf32, #tpu.memory_space<hbm>> -> memref<8192xf32, #tpu.memory_space<hbm>>
        tpu.wait_dma2 semaphore(%arg8 : memref<!tpu.dma_semaphore, #tpu.memory_space<semaphore_mem>>) src(%dma_wait3A_104 : memref<8192xf32, #tpu.memory_space<hbm>>) dst(%dma_wait3A_101 : memref<8192xf32, #tpu.memory_space<vmem>>)
      } else {
      }
      %scan3A_84 = arith.constant 0 : i32
      %scan3A_85 = arith.constant 0 : i32
      %scan3A_86 = arith.constant 32 : i32
      %scan3A_87 = arith.addi %scan3A_85, %scan3A_86 : i32
      %scan3A_88 = arith.constant 4 : i32
      scf.for %scan3A_98 = %scan3A_85 to %scan3A_87 step %scan3A_88  : i32 {
        %scan3A_99 = arith.constant 0 : i32
        %mul3A_100 = arith.constant 16 : i32
        %mul3A_101 = arith.muli %scan3A_98, %mul3A_100 : i32
        %add3A_102 = arith.addi %mul3A_101, %scan3A_99 : i32
        %mul3A_103 = arith.constant 16 : i32
        %mul3A_104 = arith.muli %add3A_102, %mul3A_103 : i32
        %add3A_105 = arith.addi %mul3A_43, %mul3A_104 : i32
        %get3A = arith.index_cast %add3A_105 : i32 to index
        %get3A_106 = tpu.vector_load %arg4[%get3A] {strides = array<i32>} : memref<16384xf32, #tpu.memory_space<vmem>>, vector<16xf32>,
        %get3A_107 = vector.shape_cast %get3A_106 : vector<16xf32> to vector<16xf32>
        %min3A = arith.minimumf %broadcast_in_dim3A_3, %get3A_107 : vector<16xf32>
        %scan3A_108 = arith.constant 1 : i32
        %mul3A_109 = arith.constant 16 : i32
        %mul3A_110 = arith.muli %scan3A_98, %mul3A_109 : i32
        %add3A_111 = arith.addi %mul3A_110, %scan3A_108 : i32
        %mul3A_112 = arith.constant 16 : i32
        %mul3A_113 = arith.muli %add3A_111, %mul3A_112 : i32
        %add3A_114 = arith.addi %mul3A_43, %mul3A_113 : i32
        %get3A_115 = arith.index_cast %add3A_114 : i32 to index
        %get3A_116 = tpu.vector_load %arg4[%get3A_115] {strides = array<i32>} : memref<16384xf32, #tpu.memory_space<vmem>>, vector<16xf32>,
        %get3A_117 = vector.shape_cast %get3A_116 : vector<16xf32> to vector<16xf32>
        %min3A_118 = arith.minimumf %min3A, %get3A_117 : vector<16xf32>
        %scan3A_119 = arith.constant 2 : i32
        %mul3A_120 = arith.constant 16 : i32
        %mul3A_121 = arith.muli %scan3A_98, %mul3A_120 : i32
        %add3A_122 = arith.addi %mul3A_121, %scan3A_119 : i32
        %mul3A_123 = arith.constant 16 : i32
        %mul3A_124 = arith.muli %add3A_122, %mul3A_123 : i32
        %add3A_125 = arith.addi %mul3A_43, %mul3A_124 : i32
        %get3A_126 = arith.index_cast %add3A_125 : i32 to index
        %get3A_127 = tpu.vector_load %arg4[%get3A_126] {strides = array<i32>} : memref<16384xf32, #tpu.memory_space<vmem>>, vector<16xf32>,
        %get3A_128 = vector.shape_cast %get3A_127 : vector<16xf32> to vector<16xf32>
        %min3A_129 = arith.minimumf %min3A_118, %get3A_128 : vector<16xf32>
        %scan3A_130 = arith.constant 3 : i32
        %mul3A_131 = arith.constant 16 : i32
        %mul3A_132 = arith.muli %scan3A_98, %mul3A_131 : i32
        %add3A_133 = arith.addi %mul3A_132, %scan3A_130 : i32
        %mul3A_134 = arith.constant 16 : i32
        %mul3A_135 = arith.muli %add3A_133, %mul3A_134 : i32
        %add3A_136 = arith.addi %mul3A_43, %mul3A_135 : i32
        %get3A_137 = arith.index_cast %add3A_136 : i32 to index
        %get3A_138 = tpu.vector_load %arg4[%get3A_137] {strides = array<i32>} : memref<16384xf32, #tpu.memory_space<vmem>>, vector<16xf32>,
        %get3A_139 = vector.shape_cast %get3A_138 : vector<16xf32> to vector<16xf32>
        %min3A_140 = arith.minimumf %min3A_129, %get3A_139 : vector<16xf32>
        %scan3A_141 = arith.constant 4 : i32
        %mul3A_142 = arith.constant 16 : i32
        %mul3A_143 = arith.muli %scan3A_98, %mul3A_142 : i32
        %add3A_144 = arith.addi %mul3A_143, %scan3A_141 : i32
        %mul3A_145 = arith.constant 16 : i32
        %mul3A_146 = arith.muli %add3A_144, %mul3A_145 : i32
        %add3A_147 = arith.addi %mul3A_43, %mul3A_146 : i32
        %get3A_148 = arith.index_cast %add3A_147 : i32 to index
        %get3A_149 = tpu.vector_load %arg4[%get3A_148] {strides = array<i32>} : memref<16384xf32, #tpu.memory_space<vmem>>, vector<16xf32>,
        %get3A_150 = vector.shape_cast %get3A_149 : vector<16xf32> to vector<16xf32>
        %min3A_151 = arith.minimumf %min3A_140, %get3A_150 : vector<16xf32>
        %scan3A_152 = arith.constant 5 : i32
        %mul3A_153 = arith.constant 16 : i32
        %mul3A_154 = arith.muli %scan3A_98, %mul3A_153 : i32
        %add3A_155 = arith.addi %mul3A_154, %scan3A_152 : i32
        %mul3A_156 = arith.constant 16 : i32
        %mul3A_157 = arith.muli %add3A_155, %mul3A_156 : i32
        %add3A_158 = arith.addi %mul3A_43, %mul3A_157 : i32
        %get3A_159 = arith.index_cast %add3A_158 : i32 to index
        %get3A_160 = tpu.vector_load %arg4[%get3A_159] {strides = array<i32>} : memref<16384xf32, #tpu.memory_space<vmem>>, vector<16xf32>,
        %get3A_161 = vector.shape_cast %get3A_160 : vector<16xf32> to vector<16xf32>
        %min3A_162 = arith.minimumf %min3A_151, %get3A_161 : vector<16xf32>
        %scan3A_163 = arith.constant 6 : i32
        %mul3A_164 = arith.constant 16 : i32
        %mul3A_165 = arith.muli %scan3A_98, %mul3A_164 : i32
        %add3A_166 = arith.addi %mul3A_165, %scan3A_163 : i32
        %mul3A_167 = arith.constant 16 : i32
        %mul3A_168 = arith.muli %add3A_166, %mul3A_167 : i32
        %add3A_169 = arith.addi %mul3A_43, %mul3A_168 : i32
        %get3A_170 = arith.index_cast %add3A_169 : i32 to index
        %get3A_171 = tpu.vector_load %arg4[%get3A_170] {strides = array<i32>} : memref<16384xf32, #tpu.memory_space<vmem>>, vector<16xf32>,
        %get3A_172 = vector.shape_cast %get3A_171 : vector<16xf32> to vector<16xf32>
        %min3A_173 = arith.minimumf %min3A_162, %get3A_172 : vector<16xf32>
        %scan3A_174 = arith.constant 7 : i32
        %mul3A_175 = arith.constant 16 : i32
        %mul3A_176 = arith.muli %scan3A_98, %mul3A_175 : i32
        %add3A_177 = arith.addi %mul3A_176, %scan3A_174 : i32
        %mul3A_178 = arith.constant 16 : i32
        %mul3A_179 = arith.muli %add3A_177, %mul3A_178 : i32
        %add3A_180 = arith.addi %mul3A_43, %mul3A_179 : i32
        %get3A_181 = arith.index_cast %add3A_180 : i32 to index
        %get3A_182 = tpu.vector_load %arg4[%get3A_181] {strides = array<i32>} : memref<16384xf32, #tpu.memory_space<vmem>>, vector<16xf32>,
        %get3A_183 = vector.shape_cast %get3A_182 : vector<16xf32> to vector<16xf32>
        %min3A_184 = arith.minimumf %min3A_173, %get3A_183 : vector<16xf32>
        %scan3A_185 = arith.constant 8 : i32
        %mul3A_186 = arith.constant 16 : i32
        %mul3A_187 = arith.muli %scan3A_98, %mul3A_186 : i32
        %add3A_188 = arith.addi %mul3A_187, %scan3A_185 : i32
        %mul3A_189 = arith.constant 16 : i32
        %mul3A_190 = arith.muli %add3A_188, %mul3A_189 : i32
        %add3A_191 = arith.addi %mul3A_43, %mul3A_190 : i32
        %get3A_192 = arith.index_cast %add3A_191 : i32 to index
        %get3A_193 = tpu.vector_load %arg4[%get3A_192] {strides = array<i32>} : memref<16384xf32, #tpu.memory_space<vmem>>, vector<16xf32>,
        %get3A_194 = vector.shape_cast %get3A_193 : vector<16xf32> to vector<16xf32>
        %min3A_195 = arith.minimumf %min3A_184, %get3A_194 : vector<16xf32>
        %scan3A_196 = arith.constant 9 : i32
        %mul3A_197 = arith.constant 16 : i32
        %mul3A_198 = arith.muli %scan3A_98, %mul3A_197 : i32
        %add3A_199 = arith.addi %mul3A_198, %scan3A_196 : i32
        %mul3A_200 = arith.constant 16 : i32
        %mul3A_201 = arith.muli %add3A_199, %mul3A_200 : i32
        %add3A_202 = arith.addi %mul3A_43, %mul3A_201 : i32
        %get3A_203 = arith.index_cast %add3A_202 : i32 to index
        %get3A_204 = tpu.vector_load %arg4[%get3A_203] {strides = array<i32>} : memref<16384xf32, #tpu.memory_space<vmem>>, vector<16xf32>,
        %get3A_205 = vector.shape_cast %get3A_204 : vector<16xf32> to vector<16xf32>
        %min3A_206 = arith.minimumf %min3A_195, %get3A_205 : vector<16xf32>
        %scan3A_207 = arith.constant 10 : i32
        %mul3A_208 = arith.constant 16 : i32
        %mul3A_209 = arith.muli %scan3A_98, %mul3A_208 : i32
        %add3A_210 = arith.addi %mul3A_209, %scan3A_207 : i32
        %mul3A_211 = arith.constant 16 : i32
        %mul3A_212 = arith.muli %add3A_210, %mul3A_211 : i32
        %add3A_213 = arith.addi %mul3A_43, %mul3A_212 : i32
        %get3A_214 = arith.index_cast %add3A_213 : i32 to index
        %get3A_215 = tpu.vector_load %arg4[%get3A_214] {strides = array<i32>} : memref<16384xf32, #tpu.memory_space<vmem>>, vector<16xf32>,
        %get3A_216 = vector.shape_cast %get3A_215 : vector<16xf32> to vector<16xf32>
        %min3A_217 = arith.minimumf %min3A_206, %get3A_216 : vector<16xf32>
        %scan3A_218 = arith.constant 11 : i32
        %mul3A_219 = arith.constant 16 : i32
        %mul3A_220 = arith.muli %scan3A_98, %mul3A_219 : i32
        %add3A_221 = arith.addi %mul3A_220, %scan3A_218 : i32
        %mul3A_222 = arith.constant 16 : i32
        %mul3A_223 = arith.muli %add3A_221, %mul3A_222 : i32
        %add3A_224 = arith.addi %mul3A_43, %mul3A_223 : i32
        %get3A_225 = arith.index_cast %add3A_224 : i32 to index
        %get3A_226 = tpu.vector_load %arg4[%get3A_225] {strides = array<i32>} : memref<16384xf32, #tpu.memory_space<vmem>>, vector<16xf32>,
        %get3A_227 = vector.shape_cast %get3A_226 : vector<16xf32> to vector<16xf32>
        %min3A_228 = arith.minimumf %min3A_217, %get3A_227 : vector<16xf32>
        %scan3A_229 = arith.constant 12 : i32
        %mul3A_230 = arith.constant 16 : i32
        %mul3A_231 = arith.muli %scan3A_98, %mul3A_230 : i32
        %add3A_232 = arith.addi %mul3A_231, %scan3A_229 : i32
        %mul3A_233 = arith.constant 16 : i32
        %mul3A_234 = arith.muli %add3A_232, %mul3A_233 : i32
        %add3A_235 = arith.addi %mul3A_43, %mul3A_234 : i32
        %get3A_236 = arith.index_cast %add3A_235 : i32 to index
        %get3A_237 = tpu.vector_load %arg4[%get3A_236] {strides = array<i32>} : memref<16384xf32, #tpu.memory_space<vmem>>, vector<16xf32>,
        %get3A_238 = vector.shape_cast %get3A_237 : vector<16xf32> to vector<16xf32>
        %min3A_239 = arith.minimumf %min3A_228, %get3A_238 : vector<16xf32>
        %scan3A_240 = arith.constant 13 : i32
        %mul3A_241 = arith.constant 16 : i32
        %mul3A_242 = arith.muli %scan3A_98, %mul3A_241 : i32
        %add3A_243 = arith.addi %mul3A_242, %scan3A_240 : i32
        %mul3A_244 = arith.constant 16 : i32
        %mul3A_245 = arith.muli %add3A_243, %mul3A_244 : i32
        %add3A_246 = arith.addi %mul3A_43, %mul3A_245 : i32
        %get3A_247 = arith.index_cast %add3A_246 : i32 to index
        %get3A_248 = tpu.vector_load %arg4[%get3A_247] {strides = array<i32>} : memref<16384xf32, #tpu.memory_space<vmem>>, vector<16xf32>,
        %get3A_249 = vector.shape_cast %get3A_248 : vector<16xf32> to vector<16xf32>
        %min3A_250 = arith.minimumf %min3A_239, %get3A_249 : vector<16xf32>
        %scan3A_251 = arith.constant 14 : i32
        %mul3A_252 = arith.constant 16 : i32
        %mul3A_253 = arith.muli %scan3A_98, %mul3A_252 : i32
        %add3A_254 = arith.addi %mul3A_253, %scan3A_251 : i32
        %mul3A_255 = arith.constant 16 : i32
        %mul3A_256 = arith.muli %add3A_254, %mul3A_255 : i32
        %add3A_257 = arith.addi %mul3A_43, %mul3A_256 : i32
        %get3A_258 = arith.index_cast %add3A_257 : i32 to index
        %get3A_259 = tpu.vector_load %arg4[%get3A_258] {strides = array<i32>} : memref<16384xf32, #tpu.memory_space<vmem>>, vector<16xf32>,
        %get3A_260 = vector.shape_cast %get3A_259 : vector<16xf32> to vector<16xf32>
        %min3A_261 = arith.minimumf %min3A_250, %get3A_260 : vector<16xf32>
        %scan3A_262 = arith.constant 15 : i32
        %mul3A_263 = arith.constant 16 : i32
        %mul3A_264 = arith.muli %scan3A_98, %mul3A_263 : i32
        %add3A_265 = arith.addi %mul3A_264, %scan3A_262 : i32
        %mul3A_266 = arith.constant 16 : i32
        %mul3A_267 = arith.muli %add3A_265, %mul3A_266 : i32
        %add3A_268 = arith.addi %mul3A_43, %mul3A_267 : i32
        %get3A_269 = arith.index_cast %add3A_268 : i32 to index
        %get3A_270 = tpu.vector_load %arg4[%get3A_269] {strides = array<i32>} : memref<16384xf32, #tpu.memory_space<vmem>>, vector<16xf32>,
        %get3A_271 = vector.shape_cast %get3A_270 : vector<16xf32> to vector<16xf32>
        %min3A_272 = arith.minimumf %min3A_261, %get3A_271 : vector<16xf32>
        %scan3A_273 = arith.constant 16 : i32
        %mul3A_274 = arith.constant 16 : i32
        %mul3A_275 = arith.muli %scan3A_98, %mul3A_274 : i32
        %swap3A = arith.index_cast %mul3A_275 : i32 to index
        %swap3A_276 = tpu.vector_load %arg5[%swap3A] {strides = array<i32>} : memref<512xf32, #tpu.memory_space<vmem>>, vector<16xf32>,
        %swap3A_277 = vector.shape_cast %swap3A_276 : vector<16xf32> to vector<16xf32>
        %swap3A_278 = vector.shape_cast %min3A_272 : vector<16xf32> to vector<16xf32>
        tpu.vector_store %arg5[%swap3A], %swap3A_278 {strides = array<i32>} : memref<512xf32, #tpu.memory_space<vmem>>, vector<16xf32>,
        %scan3A_279 = arith.constant 1 : i32
        %scan3A_280 = arith.addi %scan3A_98, %scan3A_279 : i32
        %scan3A_281 = arith.constant 0 : i32
        %mul3A_282 = arith.constant 16 : i32
        %mul3A_283 = arith.muli %scan3A_280, %mul3A_282 : i32
        %add3A_284 = arith.addi %mul3A_283, %scan3A_281 : i32
        %mul3A_285 = arith.constant 16 : i32
        %mul3A_286 = arith.muli %add3A_284, %mul3A_285 : i32
        %add3A_287 = arith.addi %mul3A_43, %mul3A_286 : i32
        %get3A_288 = arith.index_cast %add3A_287 : i32 to index
        %get3A_289 = tpu.vector_load %arg4[%get3A_288] {strides = array<i32>} : memref<16384xf32, #tpu.memory_space<vmem>>, vector<16xf32>,
        %get3A_290 = vector.shape_cast %get3A_289 : vector<16xf32> to vector<16xf32>
        %min3A_291 = arith.minimumf %broadcast_in_dim3A_3, %get3A_290 : vector<16xf32>
        %scan3A_292 = arith.constant 1 : i32
        %mul3A_293 = arith.constant 16 : i32
        %mul3A_294 = arith.muli %scan3A_280, %mul3A_293 : i32
        %add3A_295 = arith.addi %mul3A_294, %scan3A_292 : i32
        %mul3A_296 = arith.constant 16 : i32
        %mul3A_297 = arith.muli %add3A_295, %mul3A_296 : i32
        %add3A_298 = arith.addi %mul3A_43, %mul3A_297 : i32
        %get3A_299 = arith.index_cast %add3A_298 : i32 to index
        %get3A_300 = tpu.vector_load %arg4[%get3A_299] {strides = array<i32>} : memref<16384xf32, #tpu.memory_space<vmem>>, vector<16xf32>,
        %get3A_301 = vector.shape_cast %get3A_300 : vector<16xf32> to vector<16xf32>
        %min3A_302 = arith.minimumf %min3A_291, %get3A_301 : vector<16xf32>
        %scan3A_303 = arith.constant 2 : i32
        %mul3A_304 = arith.constant 16 : i32
        %mul3A_305 = arith.muli %scan3A_280, %mul3A_304 : i32
        %add3A_306 = arith.addi %mul3A_305, %scan3A_303 : i32
        %mul3A_307 = arith.constant 16 : i32
        %mul3A_308 = arith.muli %add3A_306, %mul3A_307 : i32
        %add3A_309 = arith.addi %mul3A_43, %mul3A_308 : i32
        %get3A_310 = arith.index_cast %add3A_309 : i32 to index
        %get3A_311 = tpu.vector_load %arg4[%get3A_310] {strides = array<i32>} : memref<16384xf32, #tpu.memory_space<vmem>>, vector<16xf32>,
        %get3A_312 = vector.shape_cast %get3A_311 : vector<16xf32> to vector<16xf32>
        %min3A_313 = arith.minimumf %min3A_302, %get3A_312 : vector<16xf32>
        %scan3A_314 = arith.constant 3 : i32
        %mul3A_315 = arith.constant 16 : i32
        %mul3A_316 = arith.muli %scan3A_280, %mul3A_315 : i32
        %add3A_317 = arith.addi %mul3A_316, %scan3A_314 : i32
        %mul3A_318 = arith.constant 16 : i32
        %mul3A_319 = arith.muli %add3A_317, %mul3A_318 : i32
        %add3A_320 = arith.addi %mul3A_43, %mul3A_319 : i32
        %get3A_321 = arith.index_cast %add3A_320 : i32 to index
        %get3A_322 = tpu.vector_load %arg4[%get3A_321] {strides = array<i32>} : memref<16384xf32, #tpu.memory_space<vmem>>, vector<16xf32>,
        %get3A_323 = vector.shape_cast %get3A_322 : vector<16xf32> to vector<16xf32>
        %min3A_324 = arith.minimumf %min3A_313, %get3A_323 : vector<16xf32>
        %scan3A_325 = arith.constant 4 : i32
        %mul3A_326 = arith.constant 16 : i32
        %mul3A_327 = arith.muli %scan3A_280, %mul3A_326 : i32
        %add3A_328 = arith.addi %mul3A_327, %scan3A_325 : i32
        %mul3A_329 = arith.constant 16 : i32
        %mul3A_330 = arith.muli %add3A_328, %mul3A_329 : i32
        %add3A_331 = arith.addi %mul3A_43, %mul3A_330 : i32
        %get3A_332 = arith.index_cast %add3A_331 : i32 to index
        %get3A_333 = tpu.vector_load %arg4[%get3A_332] {strides = array<i32>} : memref<16384xf32, #tpu.memory_space<vmem>>, vector<16xf32>,
        %get3A_334 = vector.shape_cast %get3A_333 : vector<16xf32> to vector<16xf32>
        %min3A_335 = arith.minimumf %min3A_324, %get3A_334 : vector<16xf32>
        %scan3A_336 = arith.constant 5 : i32
        %mul3A_337 = arith.constant 16 : i32
        %mul3A_338 = arith.muli %scan3A_280, %mul3A_337 : i32
        %add3A_339 = arith.addi %mul3A_338, %scan3A_336 : i32
        %mul3A_340 = arith.constant 16 : i32
        %mul3A_341 = arith.muli %add3A_339, %mul3A_340 : i32
        %add3A_342 = arith.addi %mul3A_43, %mul3A_341 : i32
        %get3A_343 = arith.index_cast %add3A_342 : i32 to index
        %get3A_344 = tpu.vector_load %arg4[%get3A_343] {strides = array<i32>} : memref<16384xf32, #tpu.memory_space<vmem>>, vector<16xf32>,
        %get3A_345 = vector.shape_cast %get3A_344 : vector<16xf32> to vector<16xf32>
        %min3A_346 = arith.minimumf %min3A_335, %get3A_345 : vector<16xf32>
        %scan3A_347 = arith.constant 6 : i32
        %mul3A_348 = arith.constant 16 : i32
        %mul3A_349 = arith.muli %scan3A_280, %mul3A_348 : i32
        %add3A_350 = arith.addi %mul3A_349, %scan3A_347 : i32
        %mul3A_351 = arith.constant 16 : i32
        %mul3A_352 = arith.muli %add3A_350, %mul3A_351 : i32
        %add3A_353 = arith.addi %mul3A_43, %mul3A_352 : i32
        %get3A_354 = arith.index_cast %add3A_353 : i32 to index
        %get3A_355 = tpu.vector_load %arg4[%get3A_354] {strides = array<i32>} : memref<16384xf32, #tpu.memory_space<vmem>>, vector<16xf32>,
        %get3A_356 = vector.shape_cast %get3A_355 : vector<16xf32> to vector<16xf32>
        %min3A_357 = arith.minimumf %min3A_346, %get3A_356 : vector<16xf32>
        %scan3A_358 = arith.constant 7 : i32
        %mul3A_359 = arith.constant 16 : i32
        %mul3A_360 = arith.muli %scan3A_280, %mul3A_359 : i32
        %add3A_361 = arith.addi %mul3A_360, %scan3A_358 : i32
        %mul3A_362 = arith.constant 16 : i32
        %mul3A_363 = arith.muli %add3A_361, %mul3A_362 : i32
        %add3A_364 = arith.addi %mul3A_43, %mul3A_363 : i32
        %get3A_365 = arith.index_cast %add3A_364 : i32 to index
        %get3A_366 = tpu.vector_load %arg4[%get3A_365] {strides = array<i32>} : memref<16384xf32, #tpu.memory_space<vmem>>, vector<16xf32>,
        %get3A_367 = vector.shape_cast %get3A_366 : vector<16xf32> to vector<16xf32>
        %min3A_368 = arith.minimumf %min3A_357, %get3A_367 : vector<16xf32>
        %scan3A_369 = arith.constant 8 : i32
        %mul3A_370 = arith.constant 16 : i32
        %mul3A_371 = arith.muli %scan3A_280, %mul3A_370 : i32
        %add3A_372 = arith.addi %mul3A_371, %scan3A_369 : i32
        %mul3A_373 = arith.constant 16 : i32
        %mul3A_374 = arith.muli %add3A_372, %mul3A_373 : i32
        %add3A_375 = arith.addi %mul3A_43, %mul3A_374 : i32
        %get3A_376 = arith.index_cast %add3A_375 : i32 to index
        %get3A_377 = tpu.vector_load %arg4[%get3A_376] {strides = array<i32>} : memref<16384xf32, #tpu.memory_space<vmem>>, vector<16xf32>,
        %get3A_378 = vector.shape_cast %get3A_377 : vector<16xf32> to vector<16xf32>
        %min3A_379 = arith.minimumf %min3A_368, %get3A_378 : vector<16xf32>
        %scan3A_380 = arith.constant 9 : i32
        %mul3A_381 = arith.constant 16 : i32
        %mul3A_382 = arith.muli %scan3A_280, %mul3A_381 : i32
        %add3A_383 = arith.addi %mul3A_382, %scan3A_380 : i32
        %mul3A_384 = arith.constant 16 : i32
        %mul3A_385 = arith.muli %add3A_383, %mul3A_384 : i32
        %add3A_386 = arith.addi %mul3A_43, %mul3A_385 : i32
        %get3A_387 = arith.index_cast %add3A_386 : i32 to index
        %get3A_388 = tpu.vector_load %arg4[%get3A_387] {strides = array<i32>} : memref<16384xf32, #tpu.memory_space<vmem>>, vector<16xf32>,
        %get3A_389 = vector.shape_cast %get3A_388 : vector<16xf32> to vector<16xf32>
        %min3A_390 = arith.minimumf %min3A_379, %get3A_389 : vector<16xf32>
        %scan3A_391 = arith.constant 10 : i32
        %mul3A_392 = arith.constant 16 : i32
        %mul3A_393 = arith.muli %scan3A_280, %mul3A_392 : i32
        %add3A_394 = arith.addi %mul3A_393, %scan3A_391 : i32
        %mul3A_395 = arith.constant 16 : i32
        %mul3A_396 = arith.muli %add3A_394, %mul3A_395 : i32
        %add3A_397 = arith.addi %mul3A_43, %mul3A_396 : i32
        %get3A_398 = arith.index_cast %add3A_397 : i32 to index
        %get3A_399 = tpu.vector_load %arg4[%get3A_398] {strides = array<i32>} : memref<16384xf32, #tpu.memory_space<vmem>>, vector<16xf32>,
        %get3A_400 = vector.shape_cast %get3A_399 : vector<16xf32> to vector<16xf32>
        %min3A_401 = arith.minimumf %min3A_390, %get3A_400 : vector<16xf32>
        %scan3A_402 = arith.constant 11 : i32
        %mul3A_403 = arith.constant 16 : i32
        %mul3A_404 = arith.muli %scan3A_280, %mul3A_403 : i32
        %add3A_405 = arith.addi %mul3A_404, %scan3A_402 : i32
        %mul3A_406 = arith.constant 16 : i32
        %mul3A_407 = arith.muli %add3A_405, %mul3A_406 : i32
        %add3A_408 = arith.addi %mul3A_43, %mul3A_407 : i32
        %get3A_409 = arith.index_cast %add3A_408 : i32 to index
        %get3A_410 = tpu.vector_load %arg4[%get3A_409] {strides = array<i32>} : memref<16384xf32, #tpu.memory_space<vmem>>, vector<16xf32>,
        %get3A_411 = vector.shape_cast %get3A_410 : vector<16xf32> to vector<16xf32>
        %min3A_412 = arith.minimumf %min3A_401, %get3A_411 : vector<16xf32>
        %scan3A_413 = arith.constant 12 : i32
        %mul3A_414 = arith.constant 16 : i32
        %mul3A_415 = arith.muli %scan3A_280, %mul3A_414 : i32
        %add3A_416 = arith.addi %mul3A_415, %scan3A_413 : i32
        %mul3A_417 = arith.constant 16 : i32
        %mul3A_418 = arith.muli %add3A_416, %mul3A_417 : i32
        %add3A_419 = arith.addi %mul3A_43, %mul3A_418 : i32
        %get3A_420 = arith.index_cast %add3A_419 : i32 to index
        %get3A_421 = tpu.vector_load %arg4[%get3A_420] {strides = array<i32>} : memref<16384xf32, #tpu.memory_space<vmem>>, vector<16xf32>,
        %get3A_422 = vector.shape_cast %get3A_421 : vector<16xf32> to vector<16xf32>
        %min3A_423 = arith.minimumf %min3A_412, %get3A_422 : vector<16xf32>
        %scan3A_424 = arith.constant 13 : i32
        %mul3A_425 = arith.constant 16 : i32
        %mul3A_426 = arith.muli %scan3A_280, %mul3A_425 : i32
        %add3A_427 = arith.addi %mul3A_426, %scan3A_424 : i32
        %mul3A_428 = arith.constant 16 : i32
        %mul3A_429 = arith.muli %add3A_427, %mul3A_428 : i32
        %add3A_430 = arith.addi %mul3A_43, %mul3A_429 : i32
        %get3A_431 = arith.index_cast %add3A_430 : i32 to index
        %get3A_432 = tpu.vector_load %arg4[%get3A_431] {strides = array<i32>} : memref<16384xf32, #tpu.memory_space<vmem>>, vector<16xf32>,
        %get3A_433 = vector.shape_cast %get3A_432 : vector<16xf32> to vector<16xf32>
        %min3A_434 = arith.minimumf %min3A_423, %get3A_433 : vector<16xf32>
        %scan3A_435 = arith.constant 14 : i32
        %mul3A_436 = arith.constant 16 : i32
        %mul3A_437 = arith.muli %scan3A_280, %mul3A_436 : i32
        %add3A_438 = arith.addi %mul3A_437, %scan3A_435 : i32
        %mul3A_439 = arith.constant 16 : i32
        %mul3A_440 = arith.muli %add3A_438, %mul3A_439 : i32
        %add3A_441 = arith.addi %mul3A_43, %mul3A_440 : i32
        %get3A_442 = arith.index_cast %add3A_441 : i32 to index
        %get3A_443 = tpu.vector_load %arg4[%get3A_442] {strides = array<i32>} : memref<16384xf32, #tpu.memory_space<vmem>>, vector<16xf32>,
        %get3A_444 = vector.shape_cast %get3A_443 : vector<16xf32> to vector<16xf32>
        %min3A_445 = arith.minimumf %min3A_434, %get3A_444 : vector<16xf32>
        %scan3A_446 = arith.constant 15 : i32
        %mul3A_447 = arith.constant 16 : i32
        %mul3A_448 = arith.muli %scan3A_280, %mul3A_447 : i32
        %add3A_449 = arith.addi %mul3A_448, %scan3A_446 : i32
        %mul3A_450 = arith.constant 16 : i32
        %mul3A_451 = arith.muli %add3A_449, %mul3A_450 : i32
        %add3A_452 = arith.addi %mul3A_43, %mul3A_451 : i32
        %get3A_453 = arith.index_cast %add3A_452 : i32 to index
        %get3A_454 = tpu.vector_load %arg4[%get3A_453] {strides = array<i32>} : memref<16384xf32, #tpu.memory_space<vmem>>, vector<16xf32>,
        %get3A_455 = vector.shape_cast %get3A_454 : vector<16xf32> to vector<16xf32>
        %min3A_456 = arith.minimumf %min3A_445, %get3A_455 : vector<16xf32>
        %scan3A_457 = arith.constant 16 : i32
        %mul3A_458 = arith.constant 16 : i32
        %mul3A_459 = arith.muli %scan3A_280, %mul3A_458 : i32
        %swap3A_460 = arith.index_cast %mul3A_459 : i32 to index
        %swap3A_461 = tpu.vector_load %arg5[%swap3A_460] {strides = array<i32>} : memref<512xf32, #tpu.memory_space<vmem>>, vector<16xf32>,
        %swap3A_462 = vector.shape_cast %swap3A_461 : vector<16xf32> to vector<16xf32>
        %swap3A_463 = vector.shape_cast %min3A_456 : vector<16xf32> to vector<16xf32>
        tpu.vector_store %arg5[%swap3A_460], %swap3A_463 {strides = array<i32>} : memref<512xf32, #tpu.memory_space<vmem>>, vector<16xf32>,
        %scan3A_464 = arith.constant 2 : i32
        %scan3A_465 = arith.addi %scan3A_98, %scan3A_464 : i32
        %scan3A_466 = arith.constant 0 : i32
        %mul3A_467 = arith.constant 16 : i32
        %mul3A_468 = arith.muli %scan3A_465, %mul3A_467 : i32
        %add3A_469 = arith.addi %mul3A_468, %scan3A_466 : i32
        %mul3A_470 = arith.constant 16 : i32
        %mul3A_471 = arith.muli %add3A_469, %mul3A_470 : i32
        %add3A_472 = arith.addi %mul3A_43, %mul3A_471 : i32
        %get3A_473 = arith.index_cast %add3A_472 : i32 to index
        %get3A_474 = tpu.vector_load %arg4[%get3A_473] {strides = array<i32>} : memref<16384xf32, #tpu.memory_space<vmem>>, vector<16xf32>,
        %get3A_475 = vector.shape_cast %get3A_474 : vector<16xf32> to vector<16xf32>
        %min3A_476 = arith.minimumf %broadcast_in_dim3A_3, %get3A_475 : vector<16xf32>
        %scan3A_477 = arith.constant 1 : i32
        %mul3A_478 = arith.constant 16 : i32
        %mul3A_479 = arith.muli %scan3A_465, %mul3A_478 : i32
        %add3A_480 = arith.addi %mul3A_479, %scan3A_477 : i32
        %mul3A_481 = arith.constant 16 : i32
        %mul3A_482 = arith.muli %add3A_480, %mul3A_481 : i32
        %add3A_483 = arith.addi %mul3A_43, %mul3A_482 : i32
        %get3A_484 = arith.index_cast %add3A_483 : i32 to index
        %get3A_485 = tpu.vector_load %arg4[%get3A_484] {strides = array<i32>} : memref<16384xf32, #tpu.memory_space<vmem>>, vector<16xf32>,
        %get3A_486 = vector.shape_cast %get3A_485 : vector<16xf32> to vector<16xf32>
        %min3A_487 = arith.minimumf %min3A_476, %get3A_486 : vector<16xf32>
        %scan3A_488 = arith.constant 2 : i32
        %mul3A_489 = arith.constant 16 : i32
        %mul3A_490 = arith.muli %scan3A_465, %mul3A_489 : i32
        %add3A_491 = arith.addi %mul3A_490, %scan3A_488 : i32
        %mul3A_492 = arith.constant 16 : i32
        %mul3A_493 = arith.muli %add3A_491, %mul3A_492 : i32
        %add3A_494 = arith.addi %mul3A_43, %mul3A_493 : i32
        %get3A_495 = arith.index_cast %add3A_494 : i32 to index
        %get3A_496 = tpu.vector_load %arg4[%get3A_495] {strides = array<i32>} : memref<16384xf32, #tpu.memory_space<vmem>>, vector<16xf32>,
        %get3A_497 = vector.shape_cast %get3A_496 : vector<16xf32> to vector<16xf32>
        %min3A_498 = arith.minimumf %min3A_487, %get3A_497 : vector<16xf32>
        %scan3A_499 = arith.constant 3 : i32
        %mul3A_500 = arith.constant 16 : i32
        %mul3A_501 = arith.muli %scan3A_465, %mul3A_500 : i32
        %add3A_502 = arith.addi %mul3A_501, %scan3A_499 : i32
        %mul3A_503 = arith.constant 16 : i32
        %mul3A_504 = arith.muli %add3A_502, %mul3A_503 : i32
        %add3A_505 = arith.addi %mul3A_43, %mul3A_504 : i32
        %get3A_506 = arith.index_cast %add3A_505 : i32 to index
        %get3A_507 = tpu.vector_load %arg4[%get3A_506] {strides = array<i32>} : memref<16384xf32, #tpu.memory_space<vmem>>, vector<16xf32>,
        %get3A_508 = vector.shape_cast %get3A_507 : vector<16xf32> to vector<16xf32>
        %min3A_509 = arith.minimumf %min3A_498, %get3A_508 : vector<16xf32>
        %scan3A_510 = arith.constant 4 : i32
        %mul3A_511 = arith.constant 16 : i32
        %mul3A_512 = arith.muli %scan3A_465, %mul3A_511 : i32
        %add3A_513 = arith.addi %mul3A_512, %scan3A_510 : i32
        %mul3A_514 = arith.constant 16 : i32
        %mul3A_515 = arith.muli %add3A_513, %mul3A_514 : i32
        %add3A_516 = arith.addi %mul3A_43, %mul3A_515 : i32
        %get3A_517 = arith.index_cast %add3A_516 : i32 to index
        %get3A_518 = tpu.vector_load %arg4[%get3A_517] {strides = array<i32>} : memref<16384xf32, #tpu.memory_space<vmem>>, vector<16xf32>,
        %get3A_519 = vector.shape_cast %get3A_518 : vector<16xf32> to vector<16xf32>
        %min3A_520 = arith.minimumf %min3A_509, %get3A_519 : vector<16xf32>
        %scan3A_521 = arith.constant 5 : i32
        %mul3A_522 = arith.constant 16 : i32
        %mul3A_523 = arith.muli %scan3A_465, %mul3A_522 : i32
        %add3A_524 = arith.addi %mul3A_523, %scan3A_521 : i32
        %mul3A_525 = arith.constant 16 : i32
        %mul3A_526 = arith.muli %add3A_524, %mul3A_525 : i32
        %add3A_527 = arith.addi %mul3A_43, %mul3A_526 : i32
        %get3A_528 = arith.index_cast %add3A_527 : i32 to index
        %get3A_529 = tpu.vector_load %arg4[%get3A_528] {strides = array<i32>} : memref<16384xf32, #tpu.memory_space<vmem>>, vector<16xf32>,
        %get3A_530 = vector.shape_cast %get3A_529 : vector<16xf32> to vector<16xf32>
        %min3A_531 = arith.minimumf %min3A_520, %get3A_530 : vector<16xf32>
        %scan3A_532 = arith.constant 6 : i32
        %mul3A_533 = arith.constant 16 : i32
        %mul3A_534 = arith.muli %scan3A_465, %mul3A_533 : i32
        %add3A_535 = arith.addi %mul3A_534, %scan3A_532 : i32
        %mul3A_536 = arith.constant 16 : i32
        %mul3A_537 = arith.muli %add3A_535, %mul3A_536 : i32
        %add3A_538 = arith.addi %mul3A_43, %mul3A_537 : i32
        %get3A_539 = arith.index_cast %add3A_538 : i32 to index
        %get3A_540 = tpu.vector_load %arg4[%get3A_539] {strides = array<i32>} : memref<16384xf32, #tpu.memory_space<vmem>>, vector<16xf32>,
        %get3A_541 = vector.shape_cast %get3A_540 : vector<16xf32> to vector<16xf32>
        %min3A_542 = arith.minimumf %min3A_531, %get3A_541 : vector<16xf32>
        %scan3A_543 = arith.constant 7 : i32
        %mul3A_544 = arith.constant 16 : i32
        %mul3A_545 = arith.muli %scan3A_465, %mul3A_544 : i32
        %add3A_546 = arith.addi %mul3A_545, %scan3A_543 : i32
        %mul3A_547 = arith.constant 16 : i32
        %mul3A_548 = arith.muli %add3A_546, %mul3A_547 : i32
        %add3A_549 = arith.addi %mul3A_43, %mul3A_548 : i32
        %get3A_550 = arith.index_cast %add3A_549 : i32 to index
        %get3A_551 = tpu.vector_load %arg4[%get3A_550] {strides = array<i32>} : memref<16384xf32, #tpu.memory_space<vmem>>, vector<16xf32>,
        %get3A_552 = vector.shape_cast %get3A_551 : vector<16xf32> to vector<16xf32>
        %min3A_553 = arith.minimumf %min3A_542, %get3A_552 : vector<16xf32>
        %scan3A_554 = arith.constant 8 : i32
        %mul3A_555 = arith.constant 16 : i32
        %mul3A_556 = arith.muli %scan3A_465, %mul3A_555 : i32
        %add3A_557 = arith.addi %mul3A_556, %scan3A_554 : i32
        %mul3A_558 = arith.constant 16 : i32
        %mul3A_559 = arith.muli %add3A_557, %mul3A_558 : i32
        %add3A_560 = arith.addi %mul3A_43, %mul3A_559 : i32
        %get3A_561 = arith.index_cast %add3A_560 : i32 to index
        %get3A_562 = tpu.vector_load %arg4[%get3A_561] {strides = array<i32>} : memref<16384xf32, #tpu.memory_space<vmem>>, vector<16xf32>,
        %get3A_563 = vector.shape_cast %get3A_562 : vector<16xf32> to vector<16xf32>
        %min3A_564 = arith.minimumf %min3A_553, %get3A_563 : vector<16xf32>
        %scan3A_565 = arith.constant 9 : i32
        %mul3A_566 = arith.constant 16 : i32
        %mul3A_567 = arith.muli %scan3A_465, %mul3A_566 : i32
        %add3A_568 = arith.addi %mul3A_567, %scan3A_565 : i32
        %mul3A_569 = arith.constant 16 : i32
        %mul3A_570 = arith.muli %add3A_568, %mul3A_569 : i32
        %add3A_571 = arith.addi %mul3A_43, %mul3A_570 : i32
        %get3A_572 = arith.index_cast %add3A_571 : i32 to index
        %get3A_573 = tpu.vector_load %arg4[%get3A_572] {strides = array<i32>} : memref<16384xf32, #tpu.memory_space<vmem>>, vector<16xf32>,
        %get3A_574 = vector.shape_cast %get3A_573 : vector<16xf32> to vector<16xf32>
        %min3A_575 = arith.minimumf %min3A_564, %get3A_574 : vector<16xf32>
        %scan3A_576 = arith.constant 10 : i32
        %mul3A_577 = arith.constant 16 : i32
        %mul3A_578 = arith.muli %scan3A_465, %mul3A_577 : i32
        %add3A_579 = arith.addi %mul3A_578, %scan3A_576 : i32
        %mul3A_580 = arith.constant 16 : i32
        %mul3A_581 = arith.muli %add3A_579, %mul3A_580 : i32
        %add3A_582 = arith.addi %mul3A_43, %mul3A_581 : i32
        %get3A_583 = arith.index_cast %add3A_582 : i32 to index
        %get3A_584 = tpu.vector_load %arg4[%get3A_583] {strides = array<i32>} : memref<16384xf32, #tpu.memory_space<vmem>>, vector<16xf32>,
        %get3A_585 = vector.shape_cast %get3A_584 : vector<16xf32> to vector<16xf32>
        %min3A_586 = arith.minimumf %min3A_575, %get3A_585 : vector<16xf32>
        %scan3A_587 = arith.constant 11 : i32
        %mul3A_588 = arith.constant 16 : i32
        %mul3A_589 = arith.muli %scan3A_465, %mul3A_588 : i32
        %add3A_590 = arith.addi %mul3A_589, %scan3A_587 : i32
        %mul3A_591 = arith.constant 16 : i32
        %mul3A_592 = arith.muli %add3A_590, %mul3A_591 : i32
        %add3A_593 = arith.addi %mul3A_43, %mul3A_592 : i32
        %get3A_594 = arith.index_cast %add3A_593 : i32 to index
        %get3A_595 = tpu.vector_load %arg4[%get3A_594] {strides = array<i32>} : memref<16384xf32, #tpu.memory_space<vmem>>, vector<16xf32>,
        %get3A_596 = vector.shape_cast %get3A_595 : vector<16xf32> to vector<16xf32>
        %min3A_597 = arith.minimumf %min3A_586, %get3A_596 : vector<16xf32>
        %scan3A_598 = arith.constant 12 : i32
        %mul3A_599 = arith.constant 16 : i32
        %mul3A_600 = arith.muli %scan3A_465, %mul3A_599 : i32
        %add3A_601 = arith.addi %mul3A_600, %scan3A_598 : i32
        %mul3A_602 = arith.constant 16 : i32
        %mul3A_603 = arith.muli %add3A_601, %mul3A_602 : i32
        %add3A_604 = arith.addi %mul3A_43, %mul3A_603 : i32
        %get3A_605 = arith.index_cast %add3A_604 : i32 to index
        %get3A_606 = tpu.vector_load %arg4[%get3A_605] {strides = array<i32>} : memref<16384xf32, #tpu.memory_space<vmem>>, vector<16xf32>,
        %get3A_607 = vector.shape_cast %get3A_606 : vector<16xf32> to vector<16xf32>
        %min3A_608 = arith.minimumf %min3A_597, %get3A_607 : vector<16xf32>
        %scan3A_609 = arith.constant 13 : i32
        %mul3A_610 = arith.constant 16 : i32
        %mul3A_611 = arith.muli %scan3A_465, %mul3A_610 : i32
        %add3A_612 = arith.addi %mul3A_611, %scan3A_609 : i32
        %mul3A_613 = arith.constant 16 : i32
        %mul3A_614 = arith.muli %add3A_612, %mul3A_613 : i32
        %add3A_615 = arith.addi %mul3A_43, %mul3A_614 : i32
        %get3A_616 = arith.index_cast %add3A_615 : i32 to index
        %get3A_617 = tpu.vector_load %arg4[%get3A_616] {strides = array<i32>} : memref<16384xf32, #tpu.memory_space<vmem>>, vector<16xf32>,
        %get3A_618 = vector.shape_cast %get3A_617 : vector<16xf32> to vector<16xf32>
        %min3A_619 = arith.minimumf %min3A_608, %get3A_618 : vector<16xf32>
        %scan3A_620 = arith.constant 14 : i32
        %mul3A_621 = arith.constant 16 : i32
        %mul3A_622 = arith.muli %scan3A_465, %mul3A_621 : i32
        %add3A_623 = arith.addi %mul3A_622, %scan3A_620 : i32
        %mul3A_624 = arith.constant 16 : i32
        %mul3A_625 = arith.muli %add3A_623, %mul3A_624 : i32
        %add3A_626 = arith.addi %mul3A_43, %mul3A_625 : i32
        %get3A_627 = arith.index_cast %add3A_626 : i32 to index
        %get3A_628 = tpu.vector_load %arg4[%get3A_627] {strides = array<i32>} : memref<16384xf32, #tpu.memory_space<vmem>>, vector<16xf32>,
        %get3A_629 = vector.shape_cast %get3A_628 : vector<16xf32> to vector<16xf32>
        %min3A_630 = arith.minimumf %min3A_619, %get3A_629 : vector<16xf32>
        %scan3A_631 = arith.constant 15 : i32
        %mul3A_632 = arith.constant 16 : i32
        %mul3A_633 = arith.muli %scan3A_465, %mul3A_632 : i32
        %add3A_634 = arith.addi %mul3A_633, %scan3A_631 : i32
        %mul3A_635 = arith.constant 16 : i32
        %mul3A_636 = arith.muli %add3A_634, %mul3A_635 : i32
        %add3A_637 = arith.addi %mul3A_43, %mul3A_636 : i32
        %get3A_638 = arith.index_cast %add3A_637 : i32 to index
        %get3A_639 = tpu.vector_load %arg4[%get3A_638] {strides = array<i32>} : memref<16384xf32, #tpu.memory_space<vmem>>, vector<16xf32>,
        %get3A_640 = vector.shape_cast %get3A_639 : vector<16xf32> to vector<16xf32>
        %min3A_641 = arith.minimumf %min3A_630, %get3A_640 : vector<16xf32>
        %scan3A_642 = arith.constant 16 : i32
        %mul3A_643 = arith.constant 16 : i32
        %mul3A_644 = arith.muli %scan3A_465, %mul3A_643 : i32
        %swap3A_645 = arith.index_cast %mul3A_644 : i32 to index
        %swap3A_646 = tpu.vector_load %arg5[%swap3A_645] {strides = array<i32>} : memref<512xf32, #tpu.memory_space<vmem>>, vector<16xf32>,
        %swap3A_647 = vector.shape_cast %swap3A_646 : vector<16xf32> to vector<16xf32>
        %swap3A_648 = vector.shape_cast %min3A_641 : vector<16xf32> to vector<16xf32>
        tpu.vector_store %arg5[%swap3A_645], %swap3A_648 {strides = array<i32>} : memref<512xf32, #tpu.memory_space<vmem>>, vector<16xf32>,
        %scan3A_649 = arith.constant 3 : i32
        %scan3A_650 = arith.addi %scan3A_98, %scan3A_649 : i32
        %scan3A_651 = arith.constant 0 : i32
        %mul3A_652 = arith.constant 16 : i32
        %mul3A_653 = arith.muli %scan3A_650, %mul3A_652 : i32
        %add3A_654 = arith.addi %mul3A_653, %scan3A_651 : i32
        %mul3A_655 = arith.constant 16 : i32
        %mul3A_656 = arith.muli %add3A_654, %mul3A_655 : i32
        %add3A_657 = arith.addi %mul3A_43, %mul3A_656 : i32
        %get3A_658 = arith.index_cast %add3A_657 : i32 to index
        %get3A_659 = tpu.vector_load %arg4[%get3A_658] {strides = array<i32>} : memref<16384xf32, #tpu.memory_space<vmem>>, vector<16xf32>,
        %get3A_660 = vector.shape_cast %get3A_659 : vector<16xf32> to vector<16xf32>
        %min3A_661 = arith.minimumf %broadcast_in_dim3A_3, %get3A_660 : vector<16xf32>
        %scan3A_662 = arith.constant 1 : i32
        %mul3A_663 = arith.constant 16 : i32
        %mul3A_664 = arith.muli %scan3A_650, %mul3A_663 : i32
        %add3A_665 = arith.addi %mul3A_664, %scan3A_662 : i32
        %mul3A_666 = arith.constant 16 : i32
        %mul3A_667 = arith.muli %add3A_665, %mul3A_666 : i32
        %add3A_668 = arith.addi %mul3A_43, %mul3A_667 : i32
        %get3A_669 = arith.index_cast %add3A_668 : i32 to index
        %get3A_670 = tpu.vector_load %arg4[%get3A_669] {strides = array<i32>} : memref<16384xf32, #tpu.memory_space<vmem>>, vector<16xf32>,
        %get3A_671 = vector.shape_cast %get3A_670 : vector<16xf32> to vector<16xf32>
        %min3A_672 = arith.minimumf %min3A_661, %get3A_671 : vector<16xf32>
        %scan3A_673 = arith.constant 2 : i32
        %mul3A_674 = arith.constant 16 : i32
        %mul3A_675 = arith.muli %scan3A_650, %mul3A_674 : i32
        %add3A_676 = arith.addi %mul3A_675, %scan3A_673 : i32
        %mul3A_677 = arith.constant 16 : i32
        %mul3A_678 = arith.muli %add3A_676, %mul3A_677 : i32
        %add3A_679 = arith.addi %mul3A_43, %mul3A_678 : i32
        %get3A_680 = arith.index_cast %add3A_679 : i32 to index
        %get3A_681 = tpu.vector_load %arg4[%get3A_680] {strides = array<i32>} : memref<16384xf32, #tpu.memory_space<vmem>>, vector<16xf32>,
        %get3A_682 = vector.shape_cast %get3A_681 : vector<16xf32> to vector<16xf32>
        %min3A_683 = arith.minimumf %min3A_672, %get3A_682 : vector<16xf32>
        %scan3A_684 = arith.constant 3 : i32
        %mul3A_685 = arith.constant 16 : i32
        %mul3A_686 = arith.muli %scan3A_650, %mul3A_685 : i32
        %add3A_687 = arith.addi %mul3A_686, %scan3A_684 : i32
        %mul3A_688 = arith.constant 16 : i32
        %mul3A_689 = arith.muli %add3A_687, %mul3A_688 : i32
        %add3A_690 = arith.addi %mul3A_43, %mul3A_689 : i32
        %get3A_691 = arith.index_cast %add3A_690 : i32 to index
        %get3A_692 = tpu.vector_load %arg4[%get3A_691] {strides = array<i32>} : memref<16384xf32, #tpu.memory_space<vmem>>, vector<16xf32>,
        %get3A_693 = vector.shape_cast %get3A_692 : vector<16xf32> to vector<16xf32>
        %min3A_694 = arith.minimumf %min3A_683, %get3A_693 : vector<16xf32>
        %scan3A_695 = arith.constant 4 : i32
        %mul3A_696 = arith.constant 16 : i32
        %mul3A_697 = arith.muli %scan3A_650, %mul3A_696 : i32
        %add3A_698 = arith.addi %mul3A_697, %scan3A_695 : i32
        %mul3A_699 = arith.constant 16 : i32
        %mul3A_700 = arith.muli %add3A_698, %mul3A_699 : i32
        %add3A_701 = arith.addi %mul3A_43, %mul3A_700 : i32
        %get3A_702 = arith.index_cast %add3A_701 : i32 to index
        %get3A_703 = tpu.vector_load %arg4[%get3A_702] {strides = array<i32>} : memref<16384xf32, #tpu.memory_space<vmem>>, vector<16xf32>,
        %get3A_704 = vector.shape_cast %get3A_703 : vector<16xf32> to vector<16xf32>
        %min3A_705 = arith.minimumf %min3A_694, %get3A_704 : vector<16xf32>
        %scan3A_706 = arith.constant 5 : i32
        %mul3A_707 = arith.constant 16 : i32
        %mul3A_708 = arith.muli %scan3A_650, %mul3A_707 : i32
        %add3A_709 = arith.addi %mul3A_708, %scan3A_706 : i32
        %mul3A_710 = arith.constant 16 : i32
        %mul3A_711 = arith.muli %add3A_709, %mul3A_710 : i32
        %add3A_712 = arith.addi %mul3A_43, %mul3A_711 : i32
        %get3A_713 = arith.index_cast %add3A_712 : i32 to index
        %get3A_714 = tpu.vector_load %arg4[%get3A_713] {strides = array<i32>} : memref<16384xf32, #tpu.memory_space<vmem>>, vector<16xf32>,
        %get3A_715 = vector.shape_cast %get3A_714 : vector<16xf32> to vector<16xf32>
        %min3A_716 = arith.minimumf %min3A_705, %get3A_715 : vector<16xf32>
        %scan3A_717 = arith.constant 6 : i32
        %mul3A_718 = arith.constant 16 : i32
        %mul3A_719 = arith.muli %scan3A_650, %mul3A_718 : i32
        %add3A_720 = arith.addi %mul3A_719, %scan3A_717 : i32
        %mul3A_721 = arith.constant 16 : i32
        %mul3A_722 = arith.muli %add3A_720, %mul3A_721 : i32
        %add3A_723 = arith.addi %mul3A_43, %mul3A_722 : i32
        %get3A_724 = arith.index_cast %add3A_723 : i32 to index
        %get3A_725 = tpu.vector_load %arg4[%get3A_724] {strides = array<i32>} : memref<16384xf32, #tpu.memory_space<vmem>>, vector<16xf32>,
        %get3A_726 = vector.shape_cast %get3A_725 : vector<16xf32> to vector<16xf32>
        %min3A_727 = arith.minimumf %min3A_716, %get3A_726 : vector<16xf32>
        %scan3A_728 = arith.constant 7 : i32
        %mul3A_729 = arith.constant 16 : i32
        %mul3A_730 = arith.muli %scan3A_650, %mul3A_729 : i32
        %add3A_731 = arith.addi %mul3A_730, %scan3A_728 : i32
        %mul3A_732 = arith.constant 16 : i32
        %mul3A_733 = arith.muli %add3A_731, %mul3A_732 : i32
        %add3A_734 = arith.addi %mul3A_43, %mul3A_733 : i32
        %get3A_735 = arith.index_cast %add3A_734 : i32 to index
        %get3A_736 = tpu.vector_load %arg4[%get3A_735] {strides = array<i32>} : memref<16384xf32, #tpu.memory_space<vmem>>, vector<16xf32>,
        %get3A_737 = vector.shape_cast %get3A_736 : vector<16xf32> to vector<16xf32>
        %min3A_738 = arith.minimumf %min3A_727, %get3A_737 : vector<16xf32>
        %scan3A_739 = arith.constant 8 : i32
        %mul3A_740 = arith.constant 16 : i32
        %mul3A_741 = arith.muli %scan3A_650, %mul3A_740 : i32
        %add3A_742 = arith.addi %mul3A_741, %scan3A_739 : i32
        %mul3A_743 = arith.constant 16 : i32
        %mul3A_744 = arith.muli %add3A_742, %mul3A_743 : i32
        %add3A_745 = arith.addi %mul3A_43, %mul3A_744 : i32
        %get3A_746 = arith.index_cast %add3A_745 : i32 to index
        %get3A_747 = tpu.vector_load %arg4[%get3A_746] {strides = array<i32>} : memref<16384xf32, #tpu.memory_space<vmem>>, vector<16xf32>,
        %get3A_748 = vector.shape_cast %get3A_747 : vector<16xf32> to vector<16xf32>
        %min3A_749 = arith.minimumf %min3A_738, %get3A_748 : vector<16xf32>
        %scan3A_750 = arith.constant 9 : i32
        %mul3A_751 = arith.constant 16 : i32
        %mul3A_752 = arith.muli %scan3A_650, %mul3A_751 : i32
        %add3A_753 = arith.addi %mul3A_752, %scan3A_750 : i32
        %mul3A_754 = arith.constant 16 : i32
        %mul3A_755 = arith.muli %add3A_753, %mul3A_754 : i32
        %add3A_756 = arith.addi %mul3A_43, %mul3A_755 : i32
        %get3A_757 = arith.index_cast %add3A_756 : i32 to index
        %get3A_758 = tpu.vector_load %arg4[%get3A_757] {strides = array<i32>} : memref<16384xf32, #tpu.memory_space<vmem>>, vector<16xf32>,
        %get3A_759 = vector.shape_cast %get3A_758 : vector<16xf32> to vector<16xf32>
        %min3A_760 = arith.minimumf %min3A_749, %get3A_759 : vector<16xf32>
        %scan3A_761 = arith.constant 10 : i32
        %mul3A_762 = arith.constant 16 : i32
        %mul3A_763 = arith.muli %scan3A_650, %mul3A_762 : i32
        %add3A_764 = arith.addi %mul3A_763, %scan3A_761 : i32
        %mul3A_765 = arith.constant 16 : i32
        %mul3A_766 = arith.muli %add3A_764, %mul3A_765 : i32
        %add3A_767 = arith.addi %mul3A_43, %mul3A_766 : i32
        %get3A_768 = arith.index_cast %add3A_767 : i32 to index
        %get3A_769 = tpu.vector_load %arg4[%get3A_768] {strides = array<i32>} : memref<16384xf32, #tpu.memory_space<vmem>>, vector<16xf32>,
        %get3A_770 = vector.shape_cast %get3A_769 : vector<16xf32> to vector<16xf32>
        %min3A_771 = arith.minimumf %min3A_760, %get3A_770 : vector<16xf32>
        %scan3A_772 = arith.constant 11 : i32
        %mul3A_773 = arith.constant 16 : i32
        %mul3A_774 = arith.muli %scan3A_650, %mul3A_773 : i32
        %add3A_775 = arith.addi %mul3A_774, %scan3A_772 : i32
        %mul3A_776 = arith.constant 16 : i32
        %mul3A_777 = arith.muli %add3A_775, %mul3A_776 : i32
        %add3A_778 = arith.addi %mul3A_43, %mul3A_777 : i32
        %get3A_779 = arith.index_cast %add3A_778 : i32 to index
        %get3A_780 = tpu.vector_load %arg4[%get3A_779] {strides = array<i32>} : memref<16384xf32, #tpu.memory_space<vmem>>, vector<16xf32>,
        %get3A_781 = vector.shape_cast %get3A_780 : vector<16xf32> to vector<16xf32>
        %min3A_782 = arith.minimumf %min3A_771, %get3A_781 : vector<16xf32>
        %scan3A_783 = arith.constant 12 : i32
        %mul3A_784 = arith.constant 16 : i32
        %mul3A_785 = arith.muli %scan3A_650, %mul3A_784 : i32
        %add3A_786 = arith.addi %mul3A_785, %scan3A_783 : i32
        %mul3A_787 = arith.constant 16 : i32
        %mul3A_788 = arith.muli %add3A_786, %mul3A_787 : i32
        %add3A_789 = arith.addi %mul3A_43, %mul3A_788 : i32
        %get3A_790 = arith.index_cast %add3A_789 : i32 to index
        %get3A_791 = tpu.vector_load %arg4[%get3A_790] {strides = array<i32>} : memref<16384xf32, #tpu.memory_space<vmem>>, vector<16xf32>,
        %get3A_792 = vector.shape_cast %get3A_791 : vector<16xf32> to vector<16xf32>
        %min3A_793 = arith.minimumf %min3A_782, %get3A_792 : vector<16xf32>
        %scan3A_794 = arith.constant 13 : i32
        %mul3A_795 = arith.constant 16 : i32
        %mul3A_796 = arith.muli %scan3A_650, %mul3A_795 : i32
        %add3A_797 = arith.addi %mul3A_796, %scan3A_794 : i32
        %mul3A_798 = arith.constant 16 : i32
        %mul3A_799 = arith.muli %add3A_797, %mul3A_798 : i32
        %add3A_800 = arith.addi %mul3A_43, %mul3A_799 : i32
        %get3A_801 = arith.index_cast %add3A_800 : i32 to index
        %get3A_802 = tpu.vector_load %arg4[%get3A_801] {strides = array<i32>} : memref<16384xf32, #tpu.memory_space<vmem>>, vector<16xf32>,
        %get3A_803 = vector.shape_cast %get3A_802 : vector<16xf32> to vector<16xf32>
        %min3A_804 = arith.minimumf %min3A_793, %get3A_803 : vector<16xf32>
        %scan3A_805 = arith.constant 14 : i32
        %mul3A_806 = arith.constant 16 : i32
        %mul3A_807 = arith.muli %scan3A_650, %mul3A_806 : i32
        %add3A_808 = arith.addi %mul3A_807, %scan3A_805 : i32
        %mul3A_809 = arith.constant 16 : i32
        %mul3A_810 = arith.muli %add3A_808, %mul3A_809 : i32
        %add3A_811 = arith.addi %mul3A_43, %mul3A_810 : i32
        %get3A_812 = arith.index_cast %add3A_811 : i32 to index
        %get3A_813 = tpu.vector_load %arg4[%get3A_812] {strides = array<i32>} : memref<16384xf32, #tpu.memory_space<vmem>>, vector<16xf32>,
        %get3A_814 = vector.shape_cast %get3A_813 : vector<16xf32> to vector<16xf32>
        %min3A_815 = arith.minimumf %min3A_804, %get3A_814 : vector<16xf32>
        %scan3A_816 = arith.constant 15 : i32
        %mul3A_817 = arith.constant 16 : i32
        %mul3A_818 = arith.muli %scan3A_650, %mul3A_817 : i32
        %add3A_819 = arith.addi %mul3A_818, %scan3A_816 : i32
        %mul3A_820 = arith.constant 16 : i32
        %mul3A_821 = arith.muli %add3A_819, %mul3A_820 : i32
        %add3A_822 = arith.addi %mul3A_43, %mul3A_821 : i32
        %get3A_823 = arith.index_cast %add3A_822 : i32 to index
        %get3A_824 = tpu.vector_load %arg4[%get3A_823] {strides = array<i32>} : memref<16384xf32, #tpu.memory_space<vmem>>, vector<16xf32>,
        %get3A_825 = vector.shape_cast %get3A_824 : vector<16xf32> to vector<16xf32>
        %min3A_826 = arith.minimumf %min3A_815, %get3A_825 : vector<16xf32>
        %scan3A_827 = arith.constant 16 : i32
        %mul3A_828 = arith.constant 16 : i32
        %mul3A_829 = arith.muli %scan3A_650, %mul3A_828 : i32
        %swap3A_830 = arith.index_cast %mul3A_829 : i32 to index
        %swap3A_831 = tpu.vector_load %arg5[%swap3A_830] {strides = array<i32>} : memref<512xf32, #tpu.memory_space<vmem>>, vector<16xf32>,
        %swap3A_832 = vector.shape_cast %swap3A_831 : vector<16xf32> to vector<16xf32>
        %swap3A_833 = vector.shape_cast %min3A_826 : vector<16xf32> to vector<16xf32>
        tpu.vector_store %arg5[%swap3A_830], %swap3A_833 {strides = array<i32>} : memref<512xf32, #tpu.memory_space<vmem>>, vector<16xf32>,
      }
      %scan3A_89 = arith.constant 32 : i32
      %scan3A_90 = arith.constant 0 : i32
      %scan3A_91 = arith.constant 0 : i32
      %scan3A_92 = arith.constant 32 : i32
      %scan3A_93 = arith.addi %scan3A_91, %scan3A_92 : i32
      %scan3A_94 = arith.constant 1 : i32
      scf.for %scan3A_98 = %scan3A_91 to %scan3A_93 step %scan3A_94  : i32 {
        %scan3A_99 = arith.constant 0 : i32
        %scan3A_100 = arith.constant 32 : i32
        %scan3A_101 = arith.addi %scan3A_99, %scan3A_100 : i32
        %scan3A_102 = arith.constant 8 : i32
        %scan3A_103:2 = scf.for %scan3A_613 = %scan3A_99 to %scan3A_101 step %scan3A_102 iter_args(%scan3A_614 = %broadcast_in_dim3A_3, %scan3A_615 = %broadcast_in_dim3A_5) -> (vector<16xf32>, vector<16xi32>)  : i32 {
          %mul3A_616 = arith.constant 16 : i32
          %mul3A_617 = arith.muli %scan3A_613, %mul3A_616 : i32
          %get3A_618 = arith.index_cast %mul3A_617 : i32 to index
          %get3A_619 = tpu.vector_load %arg5[%get3A_618] {strides = array<i32>} : memref<512xf32, #tpu.memory_space<vmem>>, vector<16xf32>,
          %get3A_620 = vector.shape_cast %get3A_619 : vector<16xf32> to vector<16xf32>
          %lt3A_621 = arith.cmpf olt, %get3A_620, %scan3A_614 : vector<16xf32>
          %broadcast_in_dim3A_622 = vector.broadcast %scan3A_613 : i32 to vector<16xi32>
          %select_n3A_623 = arith.select %lt3A_621, %broadcast_in_dim3A_622, %scan3A_615 : vector<16xi1>, vector<16xi32>
          %min3A_624 = arith.minimumf %scan3A_614, %get3A_620 : vector<16xf32>
          %scan3A_625 = arith.constant 1 : i32
          %scan3A_626 = arith.addi %scan3A_613, %scan3A_625 : i32
          %mul3A_627 = arith.constant 16 : i32
          %mul3A_628 = arith.muli %scan3A_626, %mul3A_627 : i32
          %get3A_629 = arith.index_cast %mul3A_628 : i32 to index
          %get3A_630 = tpu.vector_load %arg5[%get3A_629] {strides = array<i32>} : memref<512xf32, #tpu.memory_space<vmem>>, vector<16xf32>,
          %get3A_631 = vector.shape_cast %get3A_630 : vector<16xf32> to vector<16xf32>
          %lt3A_632 = arith.cmpf olt, %get3A_631, %min3A_624 : vector<16xf32>
          %broadcast_in_dim3A_633 = vector.broadcast %scan3A_626 : i32 to vector<16xi32>
          %select_n3A_634 = arith.select %lt3A_632, %broadcast_in_dim3A_633, %select_n3A_623 : vector<16xi1>, vector<16xi32>
          %min3A_635 = arith.minimumf %min3A_624, %get3A_631 : vector<16xf32>
          %scan3A_636 = arith.constant 2 : i32
          %scan3A_637 = arith.addi %scan3A_613, %scan3A_636 : i32
          %mul3A_638 = arith.constant 16 : i32
          %mul3A_639 = arith.muli %scan3A_637, %mul3A_638 : i32
          %get3A_640 = arith.index_cast %mul3A_639 : i32 to index
          %get3A_641 = tpu.vector_load %arg5[%get3A_640] {strides = array<i32>} : memref<512xf32, #tpu.memory_space<vmem>>, vector<16xf32>,
          %get3A_642 = vector.shape_cast %get3A_641 : vector<16xf32> to vector<16xf32>
          %lt3A_643 = arith.cmpf olt, %get3A_642, %min3A_635 : vector<16xf32>
          %broadcast_in_dim3A_644 = vector.broadcast %scan3A_637 : i32 to vector<16xi32>
          %select_n3A_645 = arith.select %lt3A_643, %broadcast_in_dim3A_644, %select_n3A_634 : vector<16xi1>, vector<16xi32>
          %min3A_646 = arith.minimumf %min3A_635, %get3A_642 : vector<16xf32>
          %scan3A_647 = arith.constant 3 : i32
          %scan3A_648 = arith.addi %scan3A_613, %scan3A_647 : i32
          %mul3A_649 = arith.constant 16 : i32
          %mul3A_650 = arith.muli %scan3A_648, %mul3A_649 : i32
          %get3A_651 = arith.index_cast %mul3A_650 : i32 to index
          %get3A_652 = tpu.vector_load %arg5[%get3A_651] {strides = array<i32>} : memref<512xf32, #tpu.memory_space<vmem>>, vector<16xf32>,
          %get3A_653 = vector.shape_cast %get3A_652 : vector<16xf32> to vector<16xf32>
          %lt3A_654 = arith.cmpf olt, %get3A_653, %min3A_646 : vector<16xf32>
          %broadcast_in_dim3A_655 = vector.broadcast %scan3A_648 : i32 to vector<16xi32>
          %select_n3A_656 = arith.select %lt3A_654, %broadcast_in_dim3A_655, %select_n3A_645 : vector<16xi1>, vector<16xi32>
          %min3A_657 = arith.minimumf %min3A_646, %get3A_653 : vector<16xf32>
          %scan3A_658 = arith.constant 4 : i32
          %scan3A_659 = arith.addi %scan3A_613, %scan3A_658 : i32
          %mul3A_660 = arith.constant 16 : i32
          %mul3A_661 = arith.muli %scan3A_659, %mul3A_660 : i32
          %get3A_662 = arith.index_cast %mul3A_661 : i32 to index
          %get3A_663 = tpu.vector_load %arg5[%get3A_662] {strides = array<i32>} : memref<512xf32, #tpu.memory_space<vmem>>, vector<16xf32>,
          %get3A_664 = vector.shape_cast %get3A_663 : vector<16xf32> to vector<16xf32>
          %lt3A_665 = arith.cmpf olt, %get3A_664, %min3A_657 : vector<16xf32>
          %broadcast_in_dim3A_666 = vector.broadcast %scan3A_659 : i32 to vector<16xi32>
          %select_n3A_667 = arith.select %lt3A_665, %broadcast_in_dim3A_666, %select_n3A_656 : vector<16xi1>, vector<16xi32>
          %min3A_668 = arith.minimumf %min3A_657, %get3A_664 : vector<16xf32>
          %scan3A_669 = arith.constant 5 : i32
          %scan3A_670 = arith.addi %scan3A_613, %scan3A_669 : i32
          %mul3A_671 = arith.constant 16 : i32
          %mul3A_672 = arith.muli %scan3A_670, %mul3A_671 : i32
          %get3A_673 = arith.index_cast %mul3A_672 : i32 to index
          %get3A_674 = tpu.vector_load %arg5[%get3A_673] {strides = array<i32>} : memref<512xf32, #tpu.memory_space<vmem>>, vector<16xf32>,
          %get3A_675 = vector.shape_cast %get3A_674 : vector<16xf32> to vector<16xf32>
          %lt3A_676 = arith.cmpf olt, %get3A_675, %min3A_668 : vector<16xf32>
          %broadcast_in_dim3A_677 = vector.broadcast %scan3A_670 : i32 to vector<16xi32>
          %select_n3A_678 = arith.select %lt3A_676, %broadcast_in_dim3A_677, %select_n3A_667 : vector<16xi1>, vector<16xi32>
          %min3A_679 = arith.minimumf %min3A_668, %get3A_675 : vector<16xf32>
          %scan3A_680 = arith.constant 6 : i32
          %scan3A_681 = arith.addi %scan3A_613, %scan3A_680 : i32
          %mul3A_682 = arith.constant 16 : i32
          %mul3A_683 = arith.muli %scan3A_681, %mul3A_682 : i32
          %get3A_684 = arith.index_cast %mul3A_683 : i32 to index
          %get3A_685 = tpu.vector_load %arg5[%get3A_684] {strides = array<i32>} : memref<512xf32, #tpu.memory_space<vmem>>, vector<16xf32>,
          %get3A_686 = vector.shape_cast %get3A_685 : vector<16xf32> to vector<16xf32>
          %lt3A_687 = arith.cmpf olt, %get3A_686, %min3A_679 : vector<16xf32>
          %broadcast_in_dim3A_688 = vector.broadcast %scan3A_681 : i32 to vector<16xi32>
          %select_n3A_689 = arith.select %lt3A_687, %broadcast_in_dim3A_688, %select_n3A_678 : vector<16xi1>, vector<16xi32>
          %min3A_690 = arith.minimumf %min3A_679, %get3A_686 : vector<16xf32>
          %scan3A_691 = arith.constant 7 : i32
          %scan3A_692 = arith.addi %scan3A_613, %scan3A_691 : i32
          %mul3A_693 = arith.constant 16 : i32
          %mul3A_694 = arith.muli %scan3A_692, %mul3A_693 : i32
          %get3A_695 = arith.index_cast %mul3A_694 : i32 to index
          %get3A_696 = tpu.vector_load %arg5[%get3A_695] {strides = array<i32>} : memref<512xf32, #tpu.memory_space<vmem>>, vector<16xf32>,
          %get3A_697 = vector.shape_cast %get3A_696 : vector<16xf32> to vector<16xf32>
          %lt3A_698 = arith.cmpf olt, %get3A_697, %min3A_690 : vector<16xf32>
          %broadcast_in_dim3A_699 = vector.broadcast %scan3A_692 : i32 to vector<16xi32>
          %select_n3A_700 = arith.select %lt3A_698, %broadcast_in_dim3A_699, %select_n3A_689 : vector<16xi1>, vector<16xi32>
          %min3A_701 = arith.minimumf %min3A_690, %get3A_697 : vector<16xf32>
          scf.yield %min3A_701, %select_n3A_700 : vector<16xf32>, vector<16xi32>
        }
        %scan3A_104 = arith.constant 32 : i32
        %slice3A = vector.extract_strided_slice %scan3A_103#0 {offsets = [0], sizes = [1], strides = [1]} : vector<16xf32> to vector<1xf32>
        %squeeze3A = vector.extract %slice3A[0] : f32 from vector<1xf32>
        %slice3A_105 = vector.extract_strided_slice %scan3A_103#0 {offsets = [1], sizes = [1], strides = [1]} : vector<16xf32> to vector<1xf32>
        %squeeze3A_106 = vector.extract %slice3A_105[0] : f32 from vector<1xf32>
        %slice3A_107 = vector.extract_strided_slice %scan3A_103#0 {offsets = [2], sizes = [1], strides = [1]} : vector<16xf32> to vector<1xf32>
        %squeeze3A_108 = vector.extract %slice3A_107[0] : f32 from vector<1xf32>
        %slice3A_109 = vector.extract_strided_slice %scan3A_103#0 {offsets = [3], sizes = [1], strides = [1]} : vector<16xf32> to vector<1xf32>
        %squeeze3A_110 = vector.extract %slice3A_109[0] : f32 from vector<1xf32>
        %slice3A_111 = vector.extract_strided_slice %scan3A_103#0 {offsets = [4], sizes = [1], strides = [1]} : vector<16xf32> to vector<1xf32>
        %squeeze3A_112 = vector.extract %slice3A_111[0] : f32 from vector<1xf32>
        %slice3A_113 = vector.extract_strided_slice %scan3A_103#0 {offsets = [5], sizes = [1], strides = [1]} : vector<16xf32> to vector<1xf32>
        %squeeze3A_114 = vector.extract %slice3A_113[0] : f32 from vector<1xf32>
        %slice3A_115 = vector.extract_strided_slice %scan3A_103#0 {offsets = [6], sizes = [1], strides = [1]} : vector<16xf32> to vector<1xf32>
        %squeeze3A_116 = vector.extract %slice3A_115[0] : f32 from vector<1xf32>
        %slice3A_117 = vector.extract_strided_slice %scan3A_103#0 {offsets = [7], sizes = [1], strides = [1]} : vector<16xf32> to vector<1xf32>
        %squeeze3A_118 = vector.extract %slice3A_117[0] : f32 from vector<1xf32>
        %slice3A_119 = vector.extract_strided_slice %scan3A_103#0 {offsets = [8], sizes = [1], strides = [1]} : vector<16xf32> to vector<1xf32>
        %squeeze3A_120 = vector.extract %slice3A_119[0] : f32 from vector<1xf32>
        %slice3A_121 = vector.extract_strided_slice %scan3A_103#0 {offsets = [9], sizes = [1], strides = [1]} : vector<16xf32> to vector<1xf32>
        %squeeze3A_122 = vector.extract %slice3A_121[0] : f32 from vector<1xf32>
        %slice3A_123 = vector.extract_strided_slice %scan3A_103#0 {offsets = [10], sizes = [1], strides = [1]} : vector<16xf32> to vector<1xf32>
        %squeeze3A_124 = vector.extract %slice3A_123[0] : f32 from vector<1xf32>
        %slice3A_125 = vector.extract_strided_slice %scan3A_103#0 {offsets = [11], sizes = [1], strides = [1]} : vector<16xf32> to vector<1xf32>
        %squeeze3A_126 = vector.extract %slice3A_125[0] : f32 from vector<1xf32>
        %slice3A_127 = vector.extract_strided_slice %scan3A_103#0 {offsets = [12], sizes = [1], strides = [1]} : vector<16xf32> to vector<1xf32>
        %squeeze3A_128 = vector.extract %slice3A_127[0] : f32 from vector<1xf32>
        %slice3A_129 = vector.extract_strided_slice %scan3A_103#0 {offsets = [13], sizes = [1], strides = [1]} : vector<16xf32> to vector<1xf32>
        %squeeze3A_130 = vector.extract %slice3A_129[0] : f32 from vector<1xf32>
        %slice3A_131 = vector.extract_strided_slice %scan3A_103#0 {offsets = [14], sizes = [1], strides = [1]} : vector<16xf32> to vector<1xf32>
        %squeeze3A_132 = vector.extract %slice3A_131[0] : f32 from vector<1xf32>
        %slice3A_133 = vector.extract_strided_slice %scan3A_103#0 {offsets = [15], sizes = [1], strides = [1]} : vector<16xf32> to vector<1xf32>
        %squeeze3A_134 = vector.extract %slice3A_133[0] : f32 from vector<1xf32>
        %min3A = arith.minimumf %squeeze3A, %squeeze3A_106 : f32
        %min3A_135 = arith.minimumf %squeeze3A_108, %squeeze3A_110 : f32
        %min3A_136 = arith.minimumf %squeeze3A_112, %squeeze3A_114 : f32
        %min3A_137 = arith.minimumf %squeeze3A_116, %squeeze3A_118 : f32
        %min3A_138 = arith.minimumf %squeeze3A_120, %squeeze3A_122 : f32
        %min3A_139 = arith.minimumf %squeeze3A_124, %squeeze3A_126 : f32
        %min3A_140 = arith.minimumf %squeeze3A_128, %squeeze3A_130 : f32
        %min3A_141 = arith.minimumf %squeeze3A_132, %squeeze3A_134 : f32
        %min3A_142 = arith.minimumf %min3A, %min3A_135 : f32
        %min3A_143 = arith.minimumf %min3A_136, %min3A_137 : f32
        %min3A_144 = arith.minimumf %min3A_138, %min3A_139 : f32
        %min3A_145 = arith.minimumf %min3A_140, %min3A_141 : f32
        %min3A_146 = arith.minimumf %min3A_142, %min3A_143 : f32
        %min3A_147 = arith.minimumf %min3A_144, %min3A_145 : f32
        %min3A_148 = arith.minimumf %min3A_146, %min3A_147 : f32
        %eq3A_149 = vector.broadcast %min3A_148 : f32 to vector<16xf32>
        %eq3A_150 = arith.cmpf oeq, %scan3A_103#0, %eq3A_149 : vector<16xf32>
        %select_n3A_151 = arith.select %eq3A_150, %scan3A_103#1, %broadcast_in_dim3A_5 : vector<16xi1>, vector<16xi32>
        %slice3A_152 = vector.extract_strided_slice %select_n3A_151 {offsets = [0], sizes = [1], strides = [1]} : vector<16xi32> to vector<1xi32>
        %squeeze3A_153 = vector.extract %slice3A_152[0] : i32 from vector<1xi32>
        %slice3A_154 = vector.extract_strided_slice %select_n3A_151 {offsets = [1], sizes = [1], strides = [1]} : vector<16xi32> to vector<1xi32>
        %squeeze3A_155 = vector.extract %slice3A_154[0] : i32 from vector<1xi32>
        %slice3A_156 = vector.extract_strided_slice %select_n3A_151 {offsets = [2], sizes = [1], strides = [1]} : vector<16xi32> to vector<1xi32>
        %squeeze3A_157 = vector.extract %slice3A_156[0] : i32 from vector<1xi32>
        %slice3A_158 = vector.extract_strided_slice %select_n3A_151 {offsets = [3], sizes = [1], strides = [1]} : vector<16xi32> to vector<1xi32>
        %squeeze3A_159 = vector.extract %slice3A_158[0] : i32 from vector<1xi32>
        %slice3A_160 = vector.extract_strided_slice %select_n3A_151 {offsets = [4], sizes = [1], strides = [1]} : vector<16xi32> to vector<1xi32>
        %squeeze3A_161 = vector.extract %slice3A_160[0] : i32 from vector<1xi32>
        %slice3A_162 = vector.extract_strided_slice %select_n3A_151 {offsets = [5], sizes = [1], strides = [1]} : vector<16xi32> to vector<1xi32>
        %squeeze3A_163 = vector.extract %slice3A_162[0] : i32 from vector<1xi32>
        %slice3A_164 = vector.extract_strided_slice %select_n3A_151 {offsets = [6], sizes = [1], strides = [1]} : vector<16xi32> to vector<1xi32>
        %squeeze3A_165 = vector.extract %slice3A_164[0] : i32 from vector<1xi32>
        %slice3A_166 = vector.extract_strided_slice %select_n3A_151 {offsets = [7], sizes = [1], strides = [1]} : vector<16xi32> to vector<1xi32>
        %squeeze3A_167 = vector.extract %slice3A_166[0] : i32 from vector<1xi32>
        %slice3A_168 = vector.extract_strided_slice %select_n3A_151 {offsets = [8], sizes = [1], strides = [1]} : vector<16xi32> to vector<1xi32>
        %squeeze3A_169 = vector.extract %slice3A_168[0] : i32 from vector<1xi32>
        %slice3A_170 = vector.extract_strided_slice %select_n3A_151 {offsets = [9], sizes = [1], strides = [1]} : vector<16xi32> to vector<1xi32>
        %squeeze3A_171 = vector.extract %slice3A_170[0] : i32 from vector<1xi32>
        %slice3A_172 = vector.extract_strided_slice %select_n3A_151 {offsets = [10], sizes = [1], strides = [1]} : vector<16xi32> to vector<1xi32>
        %squeeze3A_173 = vector.extract %slice3A_172[0] : i32 from vector<1xi32>
        %slice3A_174 = vector.extract_strided_slice %select_n3A_151 {offsets = [11], sizes = [1], strides = [1]} : vector<16xi32> to vector<1xi32>
        %squeeze3A_175 = vector.extract %slice3A_174[0] : i32 from vector<1xi32>
        %slice3A_176 = vector.extract_strided_slice %select_n3A_151 {offsets = [12], sizes = [1], strides = [1]} : vector<16xi32> to vector<1xi32>
        %squeeze3A_177 = vector.extract %slice3A_176[0] : i32 from vector<1xi32>
        %slice3A_178 = vector.extract_strided_slice %select_n3A_151 {offsets = [13], sizes = [1], strides = [1]} : vector<16xi32> to vector<1xi32>
        %squeeze3A_179 = vector.extract %slice3A_178[0] : i32 from vector<1xi32>
        %slice3A_180 = vector.extract_strided_slice %select_n3A_151 {offsets = [14], sizes = [1], strides = [1]} : vector<16xi32> to vector<1xi32>
        %squeeze3A_181 = vector.extract %slice3A_180[0] : i32 from vector<1xi32>
        %slice3A_182 = vector.extract_strided_slice %select_n3A_151 {offsets = [15], sizes = [1], strides = [1]} : vector<16xi32> to vector<1xi32>
        %squeeze3A_183 = vector.extract %slice3A_182[0] : i32 from vector<1xi32>
        %min3A_184 = arith.minsi %squeeze3A_153, %squeeze3A_155 : i32
        %min3A_185 = arith.minsi %squeeze3A_157, %squeeze3A_159 : i32
        %min3A_186 = arith.minsi %squeeze3A_161, %squeeze3A_163 : i32
        %min3A_187 = arith.minsi %squeeze3A_165, %squeeze3A_167 : i32
        %min3A_188 = arith.minsi %squeeze3A_169, %squeeze3A_171 : i32
        %min3A_189 = arith.minsi %squeeze3A_173, %squeeze3A_175 : i32
        %min3A_190 = arith.minsi %squeeze3A_177, %squeeze3A_179 : i32
        %min3A_191 = arith.minsi %squeeze3A_181, %squeeze3A_183 : i32
        %min3A_192 = arith.minsi %min3A_184, %min3A_185 : i32
        %min3A_193 = arith.minsi %min3A_186, %min3A_187 : i32
        %min3A_194 = arith.minsi %min3A_188, %min3A_189 : i32
        %min3A_195 = arith.minsi %min3A_190, %min3A_191 : i32
        %min3A_196 = arith.minsi %min3A_192, %min3A_193 : i32
        %min3A_197 = arith.minsi %min3A_194, %min3A_195 : i32
        %min3A_198 = arith.minsi %min3A_196, %min3A_197 : i32
        %scan3A_199 = arith.constant 0 : i32
        %mul3A_200 = arith.constant 16 : i32
        %mul3A_201 = arith.muli %min3A_198, %mul3A_200 : i32
        %add3A_202 = arith.addi %mul3A_201, %scan3A_199 : i32
        %mul3A_203 = arith.constant 16 : i32
        %mul3A_204 = arith.muli %add3A_202, %mul3A_203 : i32
        %add3A_205 = arith.addi %mul3A_43, %mul3A_204 : i32
        %get3A = arith.index_cast %add3A_205 : i32 to index
        %get3A_206 = tpu.vector_load %arg4[%get3A] {strides = array<i32>} : memref<16384xf32, #tpu.memory_space<vmem>>, vector<16xf32>,
        %get3A_207 = vector.shape_cast %get3A_206 : vector<16xf32> to vector<16xf32>
        %eq3A_208 = vector.broadcast %min3A_148 : f32 to vector<16xf32>
        %eq3A_209 = arith.cmpf oeq, %get3A_207, %eq3A_208 : vector<16xf32>
        %add3A_210 = vector.broadcast %mul3A_204 : i32 to vector<16xi32>
        %add3A_211 = arith.addi %add3A_210, %iota3A : vector<16xi32>
        %broadcast_in_dim3A_212 = vector.broadcast %scan3A_15 : i32 to vector<16xi32>
        %select_n3A_213 = arith.select %eq3A_209, %add3A_211, %broadcast_in_dim3A_212 : vector<16xi1>, vector<16xi32>
        %min3A_214 = arith.minsi %broadcast_in_dim3A_5, %select_n3A_213 : vector<16xi32>
        %max3A = arith.maximumf %broadcast_in_dim3A_3, %get3A_207 : vector<16xf32>
        %min3A_215 = arith.minimumf %broadcast_in_dim3A_3, %max3A : vector<16xf32>
        %min3A_216 = arith.minimumf %broadcast_in_dim3A_3, %get3A_207 : vector<16xf32>
        %scan3A_217 = arith.constant 1 : i32
        %mul3A_218 = arith.constant 16 : i32
        %mul3A_219 = arith.muli %min3A_198, %mul3A_218 : i32
        %add3A_220 = arith.addi %mul3A_219, %scan3A_217 : i32
        %mul3A_221 = arith.constant 16 : i32
        %mul3A_222 = arith.muli %add3A_220, %mul3A_221 : i32
        %add3A_223 = arith.addi %mul3A_43, %mul3A_222 : i32
        %get3A_224 = arith.index_cast %add3A_223 : i32 to index
        %get3A_225 = tpu.vector_load %arg4[%get3A_224] {strides = array<i32>} : memref<16384xf32, #tpu.memory_space<vmem>>, vector<16xf32>,
        %get3A_226 = vector.shape_cast %get3A_225 : vector<16xf32> to vector<16xf32>
        %eq3A_227 = vector.broadcast %min3A_148 : f32 to vector<16xf32>
        %eq3A_228 = arith.cmpf oeq, %get3A_226, %eq3A_227 : vector<16xf32>
        %add3A_229 = vector.broadcast %mul3A_222 : i32 to vector<16xi32>
        %add3A_230 = arith.addi %add3A_229, %iota3A : vector<16xi32>
        %broadcast_in_dim3A_231 = vector.broadcast %scan3A_15 : i32 to vector<16xi32>
        %select_n3A_232 = arith.select %eq3A_228, %add3A_230, %broadcast_in_dim3A_231 : vector<16xi1>, vector<16xi32>
        %min3A_233 = arith.minsi %min3A_214, %select_n3A_232 : vector<16xi32>
        %max3A_234 = arith.maximumf %min3A_216, %get3A_226 : vector<16xf32>
        %min3A_235 = arith.minimumf %min3A_215, %max3A_234 : vector<16xf32>
        %min3A_236 = arith.minimumf %min3A_216, %get3A_226 : vector<16xf32>
        %scan3A_237 = arith.constant 2 : i32
        %mul3A_238 = arith.constant 16 : i32
        %mul3A_239 = arith.muli %min3A_198, %mul3A_238 : i32
        %add3A_240 = arith.addi %mul3A_239, %scan3A_237 : i32
        %mul3A_241 = arith.constant 16 : i32
        %mul3A_242 = arith.muli %add3A_240, %mul3A_241 : i32
        %add3A_243 = arith.addi %mul3A_43, %mul3A_242 : i32
        %get3A_244 = arith.index_cast %add3A_243 : i32 to index
        %get3A_245 = tpu.vector_load %arg4[%get3A_244] {strides = array<i32>} : memref<16384xf32, #tpu.memory_space<vmem>>, vector<16xf32>,
        %get3A_246 = vector.shape_cast %get3A_245 : vector<16xf32> to vector<16xf32>
        %eq3A_247 = vector.broadcast %min3A_148 : f32 to vector<16xf32>
        %eq3A_248 = arith.cmpf oeq, %get3A_246, %eq3A_247 : vector<16xf32>
        %add3A_249 = vector.broadcast %mul3A_242 : i32 to vector<16xi32>
        %add3A_250 = arith.addi %add3A_249, %iota3A : vector<16xi32>
        %broadcast_in_dim3A_251 = vector.broadcast %scan3A_15 : i32 to vector<16xi32>
        %select_n3A_252 = arith.select %eq3A_248, %add3A_250, %broadcast_in_dim3A_251 : vector<16xi1>, vector<16xi32>
        %min3A_253 = arith.minsi %min3A_233, %select_n3A_252 : vector<16xi32>
        %max3A_254 = arith.maximumf %min3A_236, %get3A_246 : vector<16xf32>
        %min3A_255 = arith.minimumf %min3A_235, %max3A_254 : vector<16xf32>
        %min3A_256 = arith.minimumf %min3A_236, %get3A_246 : vector<16xf32>
        %scan3A_257 = arith.constant 3 : i32
        %mul3A_258 = arith.constant 16 : i32
        %mul3A_259 = arith.muli %min3A_198, %mul3A_258 : i32
        %add3A_260 = arith.addi %mul3A_259, %scan3A_257 : i32
        %mul3A_261 = arith.constant 16 : i32
        %mul3A_262 = arith.muli %add3A_260, %mul3A_261 : i32
        %add3A_263 = arith.addi %mul3A_43, %mul3A_262 : i32
        %get3A_264 = arith.index_cast %add3A_263 : i32 to index
        %get3A_265 = tpu.vector_load %arg4[%get3A_264] {strides = array<i32>} : memref<16384xf32, #tpu.memory_space<vmem>>, vector<16xf32>,
        %get3A_266 = vector.shape_cast %get3A_265 : vector<16xf32> to vector<16xf32>
        %eq3A_267 = vector.broadcast %min3A_148 : f32 to vector<16xf32>
        %eq3A_268 = arith.cmpf oeq, %get3A_266, %eq3A_267 : vector<16xf32>
        %add3A_269 = vector.broadcast %mul3A_262 : i32 to vector<16xi32>
        %add3A_270 = arith.addi %add3A_269, %iota3A : vector<16xi32>
        %broadcast_in_dim3A_271 = vector.broadcast %scan3A_15 : i32 to vector<16xi32>
        %select_n3A_272 = arith.select %eq3A_268, %add3A_270, %broadcast_in_dim3A_271 : vector<16xi1>, vector<16xi32>
        %min3A_273 = arith.minsi %min3A_253, %select_n3A_272 : vector<16xi32>
        %max3A_274 = arith.maximumf %min3A_256, %get3A_266 : vector<16xf32>
        %min3A_275 = arith.minimumf %min3A_255, %max3A_274 : vector<16xf32>
        %min3A_276 = arith.minimumf %min3A_256, %get3A_266 : vector<16xf32>
        %scan3A_277 = arith.constant 4 : i32
        %mul3A_278 = arith.constant 16 : i32
        %mul3A_279 = arith.muli %min3A_198, %mul3A_278 : i32
        %add3A_280 = arith.addi %mul3A_279, %scan3A_277 : i32
        %mul3A_281 = arith.constant 16 : i32
        %mul3A_282 = arith.muli %add3A_280, %mul3A_281 : i32
        %add3A_283 = arith.addi %mul3A_43, %mul3A_282 : i32
        %get3A_284 = arith.index_cast %add3A_283 : i32 to index
        %get3A_285 = tpu.vector_load %arg4[%get3A_284] {strides = array<i32>} : memref<16384xf32, #tpu.memory_space<vmem>>, vector<16xf32>,
        %get3A_286 = vector.shape_cast %get3A_285 : vector<16xf32> to vector<16xf32>
        %eq3A_287 = vector.broadcast %min3A_148 : f32 to vector<16xf32>
        %eq3A_288 = arith.cmpf oeq, %get3A_286, %eq3A_287 : vector<16xf32>
        %add3A_289 = vector.broadcast %mul3A_282 : i32 to vector<16xi32>
        %add3A_290 = arith.addi %add3A_289, %iota3A : vector<16xi32>
        %broadcast_in_dim3A_291 = vector.broadcast %scan3A_15 : i32 to vector<16xi32>
        %select_n3A_292 = arith.select %eq3A_288, %add3A_290, %broadcast_in_dim3A_291 : vector<16xi1>, vector<16xi32>
        %min3A_293 = arith.minsi %min3A_273, %select_n3A_292 : vector<16xi32>
        %max3A_294 = arith.maximumf %min3A_276, %get3A_286 : vector<16xf32>
        %min3A_295 = arith.minimumf %min3A_275, %max3A_294 : vector<16xf32>
        %min3A_296 = arith.minimumf %min3A_276, %get3A_286 : vector<16xf32>
        %scan3A_297 = arith.constant 5 : i32
        %mul3A_298 = arith.constant 16 : i32
        %mul3A_299 = arith.muli %min3A_198, %mul3A_298 : i32
        %add3A_300 = arith.addi %mul3A_299, %scan3A_297 : i32
        %mul3A_301 = arith.constant 16 : i32
        %mul3A_302 = arith.muli %add3A_300, %mul3A_301 : i32
        %add3A_303 = arith.addi %mul3A_43, %mul3A_302 : i32
        %get3A_304 = arith.index_cast %add3A_303 : i32 to index
        %get3A_305 = tpu.vector_load %arg4[%get3A_304] {strides = array<i32>} : memref<16384xf32, #tpu.memory_space<vmem>>, vector<16xf32>,
        %get3A_306 = vector.shape_cast %get3A_305 : vector<16xf32> to vector<16xf32>
        %eq3A_307 = vector.broadcast %min3A_148 : f32 to vector<16xf32>
        %eq3A_308 = arith.cmpf oeq, %get3A_306, %eq3A_307 : vector<16xf32>
        %add3A_309 = vector.broadcast %mul3A_302 : i32 to vector<16xi32>
        %add3A_310 = arith.addi %add3A_309, %iota3A : vector<16xi32>
        %broadcast_in_dim3A_311 = vector.broadcast %scan3A_15 : i32 to vector<16xi32>
        %select_n3A_312 = arith.select %eq3A_308, %add3A_310, %broadcast_in_dim3A_311 : vector<16xi1>, vector<16xi32>
        %min3A_313 = arith.minsi %min3A_293, %select_n3A_312 : vector<16xi32>
        %max3A_314 = arith.maximumf %min3A_296, %get3A_306 : vector<16xf32>
        %min3A_315 = arith.minimumf %min3A_295, %max3A_314 : vector<16xf32>
        %min3A_316 = arith.minimumf %min3A_296, %get3A_306 : vector<16xf32>
        %scan3A_317 = arith.constant 6 : i32
        %mul3A_318 = arith.constant 16 : i32
        %mul3A_319 = arith.muli %min3A_198, %mul3A_318 : i32
        %add3A_320 = arith.addi %mul3A_319, %scan3A_317 : i32
        %mul3A_321 = arith.constant 16 : i32
        %mul3A_322 = arith.muli %add3A_320, %mul3A_321 : i32
        %add3A_323 = arith.addi %mul3A_43, %mul3A_322 : i32
        %get3A_324 = arith.index_cast %add3A_323 : i32 to index
        %get3A_325 = tpu.vector_load %arg4[%get3A_324] {strides = array<i32>} : memref<16384xf32, #tpu.memory_space<vmem>>, vector<16xf32>,
        %get3A_326 = vector.shape_cast %get3A_325 : vector<16xf32> to vector<16xf32>
        %eq3A_327 = vector.broadcast %min3A_148 : f32 to vector<16xf32>
        %eq3A_328 = arith.cmpf oeq, %get3A_326, %eq3A_327 : vector<16xf32>
        %add3A_329 = vector.broadcast %mul3A_322 : i32 to vector<16xi32>
        %add3A_330 = arith.addi %add3A_329, %iota3A : vector<16xi32>
        %broadcast_in_dim3A_331 = vector.broadcast %scan3A_15 : i32 to vector<16xi32>
        %select_n3A_332 = arith.select %eq3A_328, %add3A_330, %broadcast_in_dim3A_331 : vector<16xi1>, vector<16xi32>
        %min3A_333 = arith.minsi %min3A_313, %select_n3A_332 : vector<16xi32>
        %max3A_334 = arith.maximumf %min3A_316, %get3A_326 : vector<16xf32>
        %min3A_335 = arith.minimumf %min3A_315, %max3A_334 : vector<16xf32>
        %min3A_336 = arith.minimumf %min3A_316, %get3A_326 : vector<16xf32>
        %scan3A_337 = arith.constant 7 : i32
        %mul3A_338 = arith.constant 16 : i32
        %mul3A_339 = arith.muli %min3A_198, %mul3A_338 : i32
        %add3A_340 = arith.addi %mul3A_339, %scan3A_337 : i32
        %mul3A_341 = arith.constant 16 : i32
        %mul3A_342 = arith.muli %add3A_340, %mul3A_341 : i32
        %add3A_343 = arith.addi %mul3A_43, %mul3A_342 : i32
        %get3A_344 = arith.index_cast %add3A_343 : i32 to index
        %get3A_345 = tpu.vector_load %arg4[%get3A_344] {strides = array<i32>} : memref<16384xf32, #tpu.memory_space<vmem>>, vector<16xf32>,
        %get3A_346 = vector.shape_cast %get3A_345 : vector<16xf32> to vector<16xf32>
        %eq3A_347 = vector.broadcast %min3A_148 : f32 to vector<16xf32>
        %eq3A_348 = arith.cmpf oeq, %get3A_346, %eq3A_347 : vector<16xf32>
        %add3A_349 = vector.broadcast %mul3A_342 : i32 to vector<16xi32>
        %add3A_350 = arith.addi %add3A_349, %iota3A : vector<16xi32>
        %broadcast_in_dim3A_351 = vector.broadcast %scan3A_15 : i32 to vector<16xi32>
        %select_n3A_352 = arith.select %eq3A_348, %add3A_350, %broadcast_in_dim3A_351 : vector<16xi1>, vector<16xi32>
        %min3A_353 = arith.minsi %min3A_333, %select_n3A_352 : vector<16xi32>
        %max3A_354 = arith.maximumf %min3A_336, %get3A_346 : vector<16xf32>
        %min3A_355 = arith.minimumf %min3A_335, %max3A_354 : vector<16xf32>
        %min3A_356 = arith.minimumf %min3A_336, %get3A_346 : vector<16xf32>
        %scan3A_357 = arith.constant 8 : i32
        %mul3A_358 = arith.constant 16 : i32
        %mul3A_359 = arith.muli %min3A_198, %mul3A_358 : i32
        %add3A_360 = arith.addi %mul3A_359, %scan3A_357 : i32
        %mul3A_361 = arith.constant 16 : i32
        %mul3A_362 = arith.muli %add3A_360, %mul3A_361 : i32
        %add3A_363 = arith.addi %mul3A_43, %mul3A_362 : i32
        %get3A_364 = arith.index_cast %add3A_363 : i32 to index
        %get3A_365 = tpu.vector_load %arg4[%get3A_364] {strides = array<i32>} : memref<16384xf32, #tpu.memory_space<vmem>>, vector<16xf32>,
        %get3A_366 = vector.shape_cast %get3A_365 : vector<16xf32> to vector<16xf32>
        %eq3A_367 = vector.broadcast %min3A_148 : f32 to vector<16xf32>
        %eq3A_368 = arith.cmpf oeq, %get3A_366, %eq3A_367 : vector<16xf32>
        %add3A_369 = vector.broadcast %mul3A_362 : i32 to vector<16xi32>
        %add3A_370 = arith.addi %add3A_369, %iota3A : vector<16xi32>
        %broadcast_in_dim3A_371 = vector.broadcast %scan3A_15 : i32 to vector<16xi32>
        %select_n3A_372 = arith.select %eq3A_368, %add3A_370, %broadcast_in_dim3A_371 : vector<16xi1>, vector<16xi32>
        %min3A_373 = arith.minsi %min3A_353, %select_n3A_372 : vector<16xi32>
        %max3A_374 = arith.maximumf %min3A_356, %get3A_366 : vector<16xf32>
        %min3A_375 = arith.minimumf %min3A_355, %max3A_374 : vector<16xf32>
        %min3A_376 = arith.minimumf %min3A_356, %get3A_366 : vector<16xf32>
        %scan3A_377 = arith.constant 9 : i32
        %mul3A_378 = arith.constant 16 : i32
        %mul3A_379 = arith.muli %min3A_198, %mul3A_378 : i32
        %add3A_380 = arith.addi %mul3A_379, %scan3A_377 : i32
        %mul3A_381 = arith.constant 16 : i32
        %mul3A_382 = arith.muli %add3A_380, %mul3A_381 : i32
        %add3A_383 = arith.addi %mul3A_43, %mul3A_382 : i32
        %get3A_384 = arith.index_cast %add3A_383 : i32 to index
        %get3A_385 = tpu.vector_load %arg4[%get3A_384] {strides = array<i32>} : memref<16384xf32, #tpu.memory_space<vmem>>, vector<16xf32>,
        %get3A_386 = vector.shape_cast %get3A_385 : vector<16xf32> to vector<16xf32>
        %eq3A_387 = vector.broadcast %min3A_148 : f32 to vector<16xf32>
        %eq3A_388 = arith.cmpf oeq, %get3A_386, %eq3A_387 : vector<16xf32>
        %add3A_389 = vector.broadcast %mul3A_382 : i32 to vector<16xi32>
        %add3A_390 = arith.addi %add3A_389, %iota3A : vector<16xi32>
        %broadcast_in_dim3A_391 = vector.broadcast %scan3A_15 : i32 to vector<16xi32>
        %select_n3A_392 = arith.select %eq3A_388, %add3A_390, %broadcast_in_dim3A_391 : vector<16xi1>, vector<16xi32>
        %min3A_393 = arith.minsi %min3A_373, %select_n3A_392 : vector<16xi32>
        %max3A_394 = arith.maximumf %min3A_376, %get3A_386 : vector<16xf32>
        %min3A_395 = arith.minimumf %min3A_375, %max3A_394 : vector<16xf32>
        %min3A_396 = arith.minimumf %min3A_376, %get3A_386 : vector<16xf32>
        %scan3A_397 = arith.constant 10 : i32
        %mul3A_398 = arith.constant 16 : i32
        %mul3A_399 = arith.muli %min3A_198, %mul3A_398 : i32
        %add3A_400 = arith.addi %mul3A_399, %scan3A_397 : i32
        %mul3A_401 = arith.constant 16 : i32
        %mul3A_402 = arith.muli %add3A_400, %mul3A_401 : i32
        %add3A_403 = arith.addi %mul3A_43, %mul3A_402 : i32
        %get3A_404 = arith.index_cast %add3A_403 : i32 to index
        %get3A_405 = tpu.vector_load %arg4[%get3A_404] {strides = array<i32>} : memref<16384xf32, #tpu.memory_space<vmem>>, vector<16xf32>,
        %get3A_406 = vector.shape_cast %get3A_405 : vector<16xf32> to vector<16xf32>
        %eq3A_407 = vector.broadcast %min3A_148 : f32 to vector<16xf32>
        %eq3A_408 = arith.cmpf oeq, %get3A_406, %eq3A_407 : vector<16xf32>
        %add3A_409 = vector.broadcast %mul3A_402 : i32 to vector<16xi32>
        %add3A_410 = arith.addi %add3A_409, %iota3A : vector<16xi32>
        %broadcast_in_dim3A_411 = vector.broadcast %scan3A_15 : i32 to vector<16xi32>
        %select_n3A_412 = arith.select %eq3A_408, %add3A_410, %broadcast_in_dim3A_411 : vector<16xi1>, vector<16xi32>
        %min3A_413 = arith.minsi %min3A_393, %select_n3A_412 : vector<16xi32>
        %max3A_414 = arith.maximumf %min3A_396, %get3A_406 : vector<16xf32>
        %min3A_415 = arith.minimumf %min3A_395, %max3A_414 : vector<16xf32>
        %min3A_416 = arith.minimumf %min3A_396, %get3A_406 : vector<16xf32>
        %scan3A_417 = arith.constant 11 : i32
        %mul3A_418 = arith.constant 16 : i32
        %mul3A_419 = arith.muli %min3A_198, %mul3A_418 : i32
        %add3A_420 = arith.addi %mul3A_419, %scan3A_417 : i32
        %mul3A_421 = arith.constant 16 : i32
        %mul3A_422 = arith.muli %add3A_420, %mul3A_421 : i32
        %add3A_423 = arith.addi %mul3A_43, %mul3A_422 : i32
        %get3A_424 = arith.index_cast %add3A_423 : i32 to index
        %get3A_425 = tpu.vector_load %arg4[%get3A_424] {strides = array<i32>} : memref<16384xf32, #tpu.memory_space<vmem>>, vector<16xf32>,
        %get3A_426 = vector.shape_cast %get3A_425 : vector<16xf32> to vector<16xf32>
        %eq3A_427 = vector.broadcast %min3A_148 : f32 to vector<16xf32>
        %eq3A_428 = arith.cmpf oeq, %get3A_426, %eq3A_427 : vector<16xf32>
        %add3A_429 = vector.broadcast %mul3A_422 : i32 to vector<16xi32>
        %add3A_430 = arith.addi %add3A_429, %iota3A : vector<16xi32>
        %broadcast_in_dim3A_431 = vector.broadcast %scan3A_15 : i32 to vector<16xi32>
        %select_n3A_432 = arith.select %eq3A_428, %add3A_430, %broadcast_in_dim3A_431 : vector<16xi1>, vector<16xi32>
        %min3A_433 = arith.minsi %min3A_413, %select_n3A_432 : vector<16xi32>
        %max3A_434 = arith.maximumf %min3A_416, %get3A_426 : vector<16xf32>
        %min3A_435 = arith.minimumf %min3A_415, %max3A_434 : vector<16xf32>
        %min3A_436 = arith.minimumf %min3A_416, %get3A_426 : vector<16xf32>
        %scan3A_437 = arith.constant 12 : i32
        %mul3A_438 = arith.constant 16 : i32
        %mul3A_439 = arith.muli %min3A_198, %mul3A_438 : i32
        %add3A_440 = arith.addi %mul3A_439, %scan3A_437 : i32
        %mul3A_441 = arith.constant 16 : i32
        %mul3A_442 = arith.muli %add3A_440, %mul3A_441 : i32
        %add3A_443 = arith.addi %mul3A_43, %mul3A_442 : i32
        %get3A_444 = arith.index_cast %add3A_443 : i32 to index
        %get3A_445 = tpu.vector_load %arg4[%get3A_444] {strides = array<i32>} : memref<16384xf32, #tpu.memory_space<vmem>>, vector<16xf32>,
        %get3A_446 = vector.shape_cast %get3A_445 : vector<16xf32> to vector<16xf32>
        %eq3A_447 = vector.broadcast %min3A_148 : f32 to vector<16xf32>
        %eq3A_448 = arith.cmpf oeq, %get3A_446, %eq3A_447 : vector<16xf32>
        %add3A_449 = vector.broadcast %mul3A_442 : i32 to vector<16xi32>
        %add3A_450 = arith.addi %add3A_449, %iota3A : vector<16xi32>
        %broadcast_in_dim3A_451 = vector.broadcast %scan3A_15 : i32 to vector<16xi32>
        %select_n3A_452 = arith.select %eq3A_448, %add3A_450, %broadcast_in_dim3A_451 : vector<16xi1>, vector<16xi32>
        %min3A_453 = arith.minsi %min3A_433, %select_n3A_452 : vector<16xi32>
        %max3A_454 = arith.maximumf %min3A_436, %get3A_446 : vector<16xf32>
        %min3A_455 = arith.minimumf %min3A_435, %max3A_454 : vector<16xf32>
        %min3A_456 = arith.minimumf %min3A_436, %get3A_446 : vector<16xf32>
        %scan3A_457 = arith.constant 13 : i32
        %mul3A_458 = arith.constant 16 : i32
        %mul3A_459 = arith.muli %min3A_198, %mul3A_458 : i32
        %add3A_460 = arith.addi %mul3A_459, %scan3A_457 : i32
        %mul3A_461 = arith.constant 16 : i32
        %mul3A_462 = arith.muli %add3A_460, %mul3A_461 : i32
        %add3A_463 = arith.addi %mul3A_43, %mul3A_462 : i32
        %get3A_464 = arith.index_cast %add3A_463 : i32 to index
        %get3A_465 = tpu.vector_load %arg4[%get3A_464] {strides = array<i32>} : memref<16384xf32, #tpu.memory_space<vmem>>, vector<16xf32>,
        %get3A_466 = vector.shape_cast %get3A_465 : vector<16xf32> to vector<16xf32>
        %eq3A_467 = vector.broadcast %min3A_148 : f32 to vector<16xf32>
        %eq3A_468 = arith.cmpf oeq, %get3A_466, %eq3A_467 : vector<16xf32>
        %add3A_469 = vector.broadcast %mul3A_462 : i32 to vector<16xi32>
        %add3A_470 = arith.addi %add3A_469, %iota3A : vector<16xi32>
        %broadcast_in_dim3A_471 = vector.broadcast %scan3A_15 : i32 to vector<16xi32>
        %select_n3A_472 = arith.select %eq3A_468, %add3A_470, %broadcast_in_dim3A_471 : vector<16xi1>, vector<16xi32>
        %min3A_473 = arith.minsi %min3A_453, %select_n3A_472 : vector<16xi32>
        %max3A_474 = arith.maximumf %min3A_456, %get3A_466 : vector<16xf32>
        %min3A_475 = arith.minimumf %min3A_455, %max3A_474 : vector<16xf32>
        %min3A_476 = arith.minimumf %min3A_456, %get3A_466 : vector<16xf32>
        %scan3A_477 = arith.constant 14 : i32
        %mul3A_478 = arith.constant 16 : i32
        %mul3A_479 = arith.muli %min3A_198, %mul3A_478 : i32
        %add3A_480 = arith.addi %mul3A_479, %scan3A_477 : i32
        %mul3A_481 = arith.constant 16 : i32
        %mul3A_482 = arith.muli %add3A_480, %mul3A_481 : i32
        %add3A_483 = arith.addi %mul3A_43, %mul3A_482 : i32
        %get3A_484 = arith.index_cast %add3A_483 : i32 to index
        %get3A_485 = tpu.vector_load %arg4[%get3A_484] {strides = array<i32>} : memref<16384xf32, #tpu.memory_space<vmem>>, vector<16xf32>,
        %get3A_486 = vector.shape_cast %get3A_485 : vector<16xf32> to vector<16xf32>
        %eq3A_487 = vector.broadcast %min3A_148 : f32 to vector<16xf32>
        %eq3A_488 = arith.cmpf oeq, %get3A_486, %eq3A_487 : vector<16xf32>
        %add3A_489 = vector.broadcast %mul3A_482 : i32 to vector<16xi32>
        %add3A_490 = arith.addi %add3A_489, %iota3A : vector<16xi32>
        %broadcast_in_dim3A_491 = vector.broadcast %scan3A_15 : i32 to vector<16xi32>
        %select_n3A_492 = arith.select %eq3A_488, %add3A_490, %broadcast_in_dim3A_491 : vector<16xi1>, vector<16xi32>
        %min3A_493 = arith.minsi %min3A_473, %select_n3A_492 : vector<16xi32>
        %max3A_494 = arith.maximumf %min3A_476, %get3A_486 : vector<16xf32>
        %min3A_495 = arith.minimumf %min3A_475, %max3A_494 : vector<16xf32>
        %min3A_496 = arith.minimumf %min3A_476, %get3A_486 : vector<16xf32>
        %scan3A_497 = arith.constant 15 : i32
        %mul3A_498 = arith.constant 16 : i32
        %mul3A_499 = arith.muli %min3A_198, %mul3A_498 : i32
        %add3A_500 = arith.addi %mul3A_499, %scan3A_497 : i32
        %mul3A_501 = arith.constant 16 : i32
        %mul3A_502 = arith.muli %add3A_500, %mul3A_501 : i32
        %add3A_503 = arith.addi %mul3A_43, %mul3A_502 : i32
        %get3A_504 = arith.index_cast %add3A_503 : i32 to index
        %get3A_505 = tpu.vector_load %arg4[%get3A_504] {strides = array<i32>} : memref<16384xf32, #tpu.memory_space<vmem>>, vector<16xf32>,
        %get3A_506 = vector.shape_cast %get3A_505 : vector<16xf32> to vector<16xf32>
        %eq3A_507 = vector.broadcast %min3A_148 : f32 to vector<16xf32>
        %eq3A_508 = arith.cmpf oeq, %get3A_506, %eq3A_507 : vector<16xf32>
        %add3A_509 = vector.broadcast %mul3A_502 : i32 to vector<16xi32>
        %add3A_510 = arith.addi %add3A_509, %iota3A : vector<16xi32>
        %broadcast_in_dim3A_511 = vector.broadcast %scan3A_15 : i32 to vector<16xi32>
        %select_n3A_512 = arith.select %eq3A_508, %add3A_510, %broadcast_in_dim3A_511 : vector<16xi1>, vector<16xi32>
        %min3A_513 = arith.minsi %min3A_493, %select_n3A_512 : vector<16xi32>
        %max3A_514 = arith.maximumf %min3A_496, %get3A_506 : vector<16xf32>
        %min3A_515 = arith.minimumf %min3A_495, %max3A_514 : vector<16xf32>
        %min3A_516 = arith.minimumf %min3A_496, %get3A_506 : vector<16xf32>
        %scan3A_517 = arith.constant 16 : i32
        %slice3A_518 = vector.extract_strided_slice %min3A_513 {offsets = [0], sizes = [1], strides = [1]} : vector<16xi32> to vector<1xi32>
        %squeeze3A_519 = vector.extract %slice3A_518[0] : i32 from vector<1xi32>
        %slice3A_520 = vector.extract_strided_slice %min3A_513 {offsets = [1], sizes = [1], strides = [1]} : vector<16xi32> to vector<1xi32>
        %squeeze3A_521 = vector.extract %slice3A_520[0] : i32 from vector<1xi32>
        %slice3A_522 = vector.extract_strided_slice %min3A_513 {offsets = [2], sizes = [1], strides = [1]} : vector<16xi32> to vector<1xi32>
        %squeeze3A_523 = vector.extract %slice3A_522[0] : i32 from vector<1xi32>
        %slice3A_524 = vector.extract_strided_slice %min3A_513 {offsets = [3], sizes = [1], strides = [1]} : vector<16xi32> to vector<1xi32>
        %squeeze3A_525 = vector.extract %slice3A_524[0] : i32 from vector<1xi32>
        %slice3A_526 = vector.extract_strided_slice %min3A_513 {offsets = [4], sizes = [1], strides = [1]} : vector<16xi32> to vector<1xi32>
        %squeeze3A_527 = vector.extract %slice3A_526[0] : i32 from vector<1xi32>
        %slice3A_528 = vector.extract_strided_slice %min3A_513 {offsets = [5], sizes = [1], strides = [1]} : vector<16xi32> to vector<1xi32>
        %squeeze3A_529 = vector.extract %slice3A_528[0] : i32 from vector<1xi32>
        %slice3A_530 = vector.extract_strided_slice %min3A_513 {offsets = [6], sizes = [1], strides = [1]} : vector<16xi32> to vector<1xi32>
        %squeeze3A_531 = vector.extract %slice3A_530[0] : i32 from vector<1xi32>
        %slice3A_532 = vector.extract_strided_slice %min3A_513 {offsets = [7], sizes = [1], strides = [1]} : vector<16xi32> to vector<1xi32>
        %squeeze3A_533 = vector.extract %slice3A_532[0] : i32 from vector<1xi32>
        %slice3A_534 = vector.extract_strided_slice %min3A_513 {offsets = [8], sizes = [1], strides = [1]} : vector<16xi32> to vector<1xi32>
        %squeeze3A_535 = vector.extract %slice3A_534[0] : i32 from vector<1xi32>
        %slice3A_536 = vector.extract_strided_slice %min3A_513 {offsets = [9], sizes = [1], strides = [1]} : vector<16xi32> to vector<1xi32>
        %squeeze3A_537 = vector.extract %slice3A_536[0] : i32 from vector<1xi32>
        %slice3A_538 = vector.extract_strided_slice %min3A_513 {offsets = [10], sizes = [1], strides = [1]} : vector<16xi32> to vector<1xi32>
        %squeeze3A_539 = vector.extract %slice3A_538[0] : i32 from vector<1xi32>
        %slice3A_540 = vector.extract_strided_slice %min3A_513 {offsets = [11], sizes = [1], strides = [1]} : vector<16xi32> to vector<1xi32>
        %squeeze3A_541 = vector.extract %slice3A_540[0] : i32 from vector<1xi32>
        %slice3A_542 = vector.extract_strided_slice %min3A_513 {offsets = [12], sizes = [1], strides = [1]} : vector<16xi32> to vector<1xi32>
        %squeeze3A_543 = vector.extract %slice3A_542[0] : i32 from vector<1xi32>
        %slice3A_544 = vector.extract_strided_slice %min3A_513 {offsets = [13], sizes = [1], strides = [1]} : vector<16xi32> to vector<1xi32>
        %squeeze3A_545 = vector.extract %slice3A_544[0] : i32 from vector<1xi32>
        %slice3A_546 = vector.extract_strided_slice %min3A_513 {offsets = [14], sizes = [1], strides = [1]} : vector<16xi32> to vector<1xi32>
        %squeeze3A_547 = vector.extract %slice3A_546[0] : i32 from vector<1xi32>
        %slice3A_548 = vector.extract_strided_slice %min3A_513 {offsets = [15], sizes = [1], strides = [1]} : vector<16xi32> to vector<1xi32>
        %squeeze3A_549 = vector.extract %slice3A_548[0] : i32 from vector<1xi32>
        %min3A_550 = arith.minsi %squeeze3A_519, %squeeze3A_521 : i32
        %min3A_551 = arith.minsi %squeeze3A_523, %squeeze3A_525 : i32
        %min3A_552 = arith.minsi %squeeze3A_527, %squeeze3A_529 : i32
        %min3A_553 = arith.minsi %squeeze3A_531, %squeeze3A_533 : i32
        %min3A_554 = arith.minsi %squeeze3A_535, %squeeze3A_537 : i32
        %min3A_555 = arith.minsi %squeeze3A_539, %squeeze3A_541 : i32
        %min3A_556 = arith.minsi %squeeze3A_543, %squeeze3A_545 : i32
        %min3A_557 = arith.minsi %squeeze3A_547, %squeeze3A_549 : i32
        %min3A_558 = arith.minsi %min3A_550, %min3A_551 : i32
        %min3A_559 = arith.minsi %min3A_552, %min3A_553 : i32
        %min3A_560 = arith.minsi %min3A_554, %min3A_555 : i32
        %min3A_561 = arith.minsi %min3A_556, %min3A_557 : i32
        %min3A_562 = arith.minsi %min3A_558, %min3A_559 : i32
        %min3A_563 = arith.minsi %min3A_560, %min3A_561 : i32
        %min3A_564 = arith.minsi %min3A_562, %min3A_563 : i32
        %and3A_565 = arith.constant 15 : i32
        %and3A_566 = arith.andi %min3A_564, %and3A_565 : i32
        %eq3A_567 = vector.broadcast %and3A_566 : i32 to vector<16xi32>
        %eq3A_568 = arith.cmpi eq, %iota3A, %eq3A_567 : vector<16xi32>
        %shift_right_arithmetic3A = arith.constant 4 : i32
        %shift_right_arithmetic3A_569 = arith.shrsi %min3A_564, %shift_right_arithmetic3A : i32
        %mul3A_570 = arith.constant 16 : i32
        %mul3A_571 = arith.muli %shift_right_arithmetic3A_569, %mul3A_570 : i32
        %add3A_572 = arith.addi %mul3A_43, %mul3A_571 : i32
        %get3A_573 = arith.index_cast %add3A_572 : i32 to index
        %get3A_574 = tpu.vector_load %arg4[%get3A_573] {strides = array<i32>} : memref<16384xf32, #tpu.memory_space<vmem>>, vector<16xf32>,
        %get3A_575 = vector.shape_cast %get3A_574 : vector<16xf32> to vector<16xf32>
        %broadcast_in_dim3A_576 = vector.broadcast %scan3A_16 : f32 to vector<16xf32>
        %select_n3A_577 = arith.select %eq3A_568, %broadcast_in_dim3A_576, %get3A_575 : vector<16xi1>, vector<16xf32>
        %add3A_578 = arith.addi %mul3A_43, %mul3A_571 : i32
        %swap3A = arith.index_cast %add3A_578 : i32 to index
        %swap3A_579 = tpu.vector_load %arg4[%swap3A] {strides = array<i32>} : memref<16384xf32, #tpu.memory_space<vmem>>, vector<16xf32>,
        %swap3A_580 = vector.shape_cast %swap3A_579 : vector<16xf32> to vector<16xf32>
        %swap3A_581 = vector.shape_cast %select_n3A_577 : vector<16xf32> to vector<16xf32>
        tpu.vector_store %arg4[%swap3A], %swap3A_581 {strides = array<i32>} : memref<16384xf32, #tpu.memory_space<vmem>>, vector<16xf32>,
        %select_n3A_582 = arith.select %eq3A_568, %min3A_515, %min3A_516 : vector<16xi1>, vector<16xf32>
        %mul3A_583 = arith.constant 16 : i32
        %mul3A_584 = arith.muli %min3A_198, %mul3A_583 : i32
        %swap3A_585 = arith.index_cast %mul3A_584 : i32 to index
        %swap3A_586 = tpu.vector_load %arg5[%swap3A_585] {strides = array<i32>} : memref<512xf32, #tpu.memory_space<vmem>>, vector<16xf32>,
        %swap3A_587 = vector.shape_cast %swap3A_586 : vector<16xf32> to vector<16xf32>
        %swap3A_588 = vector.shape_cast %select_n3A_582 : vector<16xf32> to vector<16xf32>
        tpu.vector_store %arg5[%swap3A_585], %swap3A_588 {strides = array<i32>} : memref<512xf32, #tpu.memory_space<vmem>>, vector<16xf32>,
        %shift_right_arithmetic3A_589 = arith.constant 4 : i32
        %shift_right_arithmetic3A_590 = arith.shrsi %scan3A_98, %shift_right_arithmetic3A_589 : i32
        %mul3A_591 = arith.constant 16 : i32
        %mul3A_592 = arith.muli %shift_right_arithmetic3A_590, %mul3A_591 : i32
        %get3A_593 = arith.index_cast %mul3A_592 : i32 to index
        %get3A_594 = tpu.vector_load %arg6[%get3A_593] {strides = array<i32>} : memref<32xi32, #tpu.memory_space<vmem>>, vector<16xi32>,
        %get3A_595 = vector.shape_cast %get3A_594 : vector<16xi32> to vector<16xi32>
        %and3A_596 = arith.constant 15 : i32
        %and3A_597 = arith.andi %scan3A_98, %and3A_596 : i32
        %eq3A_598 = vector.broadcast %and3A_597 : i32 to vector<16xi32>
        %eq3A_599 = arith.cmpi eq, %iota3A, %eq3A_598 : vector<16xi32>
        %mul3A_600 = arith.constant 8192 : i32
        %mul3A_601 = arith.muli %select_n3A, %mul3A_600 : i32
        %add3A_602 = arith.addi %mul3A_601, %min3A_564 : i32
        %broadcast_in_dim3A_603 = vector.broadcast %add3A_602 : i32 to vector<16xi32>
        %select_n3A_604 = arith.select %eq3A_599, %broadcast_in_dim3A_603, %get3A_595 : vector<16xi1>, vector<16xi32>
        %shift_right_arithmetic3A_605 = arith.constant 4 : i32
        %shift_right_arithmetic3A_606 = arith.shrsi %scan3A_98, %shift_right_arithmetic3A_605 : i32
        %mul3A_607 = arith.constant 16 : i32
        %mul3A_608 = arith.muli %shift_right_arithmetic3A_606, %mul3A_607 : i32
        %swap3A_609 = arith.index_cast %mul3A_608 : i32 to index
        %swap3A_610 = tpu.vector_load %arg6[%swap3A_609] {strides = array<i32>} : memref<32xi32, #tpu.memory_space<vmem>>, vector<16xi32>,
        %swap3A_611 = vector.shape_cast %swap3A_610 : vector<16xi32> to vector<16xi32>
        %swap3A_612 = vector.shape_cast %select_n3A_604 : vector<16xi32> to vector<16xi32>
        tpu.vector_store %arg6[%swap3A_609], %swap3A_612 {strides = array<i32>} : memref<32xi32, #tpu.memory_space<vmem>>, vector<16xi32>,
      }
      %scan3A_95 = arith.constant 32 : i32
      %mul3A_96 = arith.constant 32 : i32
      %mul3A_97 = arith.muli %add3A_23, %mul3A_96 : i32
      "tpu.region"() ({
        %run_scoped3A = tpu.sem_alloc : memref<!tpu.dma_semaphore, #tpu.memory_space<semaphore_mem>>
        %dma_start3A_98 = tpu.memref_slice %arg3[%mul3A_97] : memref<262144xi32, #tpu.memory_space<hbm>> -> memref<32xi32, #tpu.memory_space<hbm>>
        %dma_start3A_99 = tpu.memref_slice %arg3[%mul3A_97] : memref<262144xi32, #tpu.memory_space<hbm>> -> memref<32xi32, #tpu.memory_space<hbm>>
        tpu.enqueue_dma source(%arg6 : memref<32xi32, #tpu.memory_space<vmem>>) target(%dma_start3A_99 : memref<32xi32, #tpu.memory_space<hbm>>) target_semaphore(%run_scoped3A : memref<!tpu.dma_semaphore, #tpu.memory_space<semaphore_mem>>)
        %dma_wait3A = tpu.memref_slice %arg3[%mul3A_97] : memref<262144xi32, #tpu.memory_space<hbm>> -> memref<32xi32, #tpu.memory_space<hbm>>
        %dma_wait3A_100 = tpu.memref_slice %arg3[%mul3A_97] : memref<262144xi32, #tpu.memory_space<hbm>> -> memref<32xi32, #tpu.memory_space<hbm>>
        tpu.wait_dma2 semaphore(%run_scoped3A : memref<!tpu.dma_semaphore, #tpu.memory_space<semaphore_mem>>) src(%arg6 : memref<32xi32, #tpu.memory_space<vmem>>) dst(%dma_wait3A_100 : memref<32xi32, #tpu.memory_space<hbm>>)
        tpu.yield
      }) : () -> ()
    }
    %scan3A_21 = arith.constant 256 : i32
    return
  }
}

#map = affine_map<(d0, d1) -> (0, 0)>
#map1 = affine_map<(d0, d1) -> (0)>
module attributes {stable_mosaic.version = 14 : i64} {
  func.func @_gather_body(%arg0: i32, %arg1: i32, %arg2: memref<32768x144xf32, #tpu.memory_space<hbm>>, %arg3: memref<262144xi32, #tpu.memory_space<hbm>>, %arg4: memref<262144x144xf32, #tpu.memory_space<hbm>>, %arg5: memref<128xi32, #tpu.memory_space<vmem>>, %arg6: memref<128x144xf32, #tpu.memory_space<vmem>>, %arg7: memref<!tpu.dma_semaphore, #tpu.memory_space<semaphore_mem>>) attributes {dimension_semantics = [#tpu.dimension_semantics<core_parallel>, #tpu.dimension_semantics<subcore_parallel>], iteration_bounds = array<i64: 2, 16>, scalar_prefetch = 0 : i64, scratch_operands = 3 : i64, tpu.core_type = #tpu.core_type<sc_vector_subcore>, window_params = [{transform_indices = #map}, {transform_indices = #map1}, {transform_indices = #map}]} {
    %mul3A = arith.constant 2 : i32
    %mul3A_0 = arith.muli %arg1, %mul3A : i32
    %add3A = arith.addi %mul3A_0, %arg0 : i32
    %mul3A_1 = arith.constant 8192 : i32
    %mul3A_2 = arith.muli %add3A, %mul3A_1 : i32
    %scan3A = arith.constant 0 : i32
    %scan3A_3 = arith.constant 0 : i32
    %scan3A_4 = arith.constant 64 : i32
    %scan3A_5 = arith.addi %scan3A_3, %scan3A_4 : i32
    %scan3A_6 = arith.constant 1 : i32
    scf.for %scan3A_8 = %scan3A_3 to %scan3A_5 step %scan3A_6  : i32 {
      %mul3A_9 = arith.constant 128 : i32
      %mul3A_10 = arith.muli %scan3A_8, %mul3A_9 : i32
      %add3A_11 = arith.addi %mul3A_2, %mul3A_10 : i32
      "tpu.region"() ({
        %run_scoped3A = tpu.sem_alloc : memref<!tpu.dma_semaphore, #tpu.memory_space<semaphore_mem>>
        %dma_start3A_16 = tpu.memref_slice %arg3[%add3A_11] : memref<262144xi32, #tpu.memory_space<hbm>> -> memref<128xi32, #tpu.memory_space<hbm>>
        %dma_start3A_17 = tpu.memref_slice %arg3[%add3A_11] : memref<262144xi32, #tpu.memory_space<hbm>> -> memref<128xi32, #tpu.memory_space<hbm>>
        tpu.enqueue_dma source(%dma_start3A_17 : memref<128xi32, #tpu.memory_space<hbm>>) target(%arg5 : memref<128xi32, #tpu.memory_space<vmem>>) target_semaphore(%run_scoped3A : memref<!tpu.dma_semaphore, #tpu.memory_space<semaphore_mem>>)
        %dma_wait3A_18 = tpu.memref_slice %arg3[%add3A_11] : memref<262144xi32, #tpu.memory_space<hbm>> -> memref<128xi32, #tpu.memory_space<hbm>>
        %dma_wait3A_19 = tpu.memref_slice %arg3[%add3A_11] : memref<262144xi32, #tpu.memory_space<hbm>> -> memref<128xi32, #tpu.memory_space<hbm>>
        tpu.wait_dma2 semaphore(%run_scoped3A : memref<!tpu.dma_semaphore, #tpu.memory_space<semaphore_mem>>) src(%dma_wait3A_19 : memref<128xi32, #tpu.memory_space<hbm>>) dst(%arg5 : memref<128xi32, #tpu.memory_space<vmem>>)
        tpu.yield
      }) : () -> ()
      %dma_start3A = arith.constant 0 : i32
      %dma_start3A_12 = arith.constant 0 : i32
      %dma_start3A_13 = tpu.memref_slice %arg2[%dma_start3A, %dma_start3A_12] : memref<32768x144xf32, #tpu.memory_space<hbm>> -> memref<32768x144xf32, #tpu.memory_space<hbm>>
      tpu.enqueue_indirect_dma source(%dma_start3A_13 : memref<32768x144xf32, #tpu.memory_space<hbm>>) target(%arg6 : memref<128x144xf32, #tpu.memory_space<vmem>>) offsets(%arg5 : memref<128xi32, #tpu.memory_space<vmem>>) semaphore(%arg7 : memref<!tpu.dma_semaphore, #tpu.memory_space<semaphore_mem>>)
      %dma_wait3A = arith.constant 0 : i32
      %dma_wait3A_14 = arith.constant 0 : i32
      %dma_wait3A_15 = tpu.memref_slice %arg2[%dma_wait3A, %dma_wait3A_14] : memref<32768x144xf32, #tpu.memory_space<hbm>> -> memref<32768x144xf32, #tpu.memory_space<hbm>>
      tpu.wait_indirect_dma semaphore(%arg7 : memref<!tpu.dma_semaphore, #tpu.memory_space<semaphore_mem>>) src(%dma_wait3A_15 : memref<32768x144xf32, #tpu.memory_space<hbm>>) dst(%arg6 : memref<128x144xf32, #tpu.memory_space<vmem>>)
      "tpu.region"() ({
        %run_scoped3A = tpu.sem_alloc : memref<!tpu.dma_semaphore, #tpu.memory_space<semaphore_mem>>
        %dma_start3A_16 = arith.constant 0 : i32
        %dma_start3A_17 = tpu.memref_slice %arg4[%add3A_11, %dma_start3A_16] : memref<262144x144xf32, #tpu.memory_space<hbm>> -> memref<128x144xf32, #tpu.memory_space<hbm>>
        %dma_start3A_18 = arith.constant 0 : i32
        %dma_start3A_19 = tpu.memref_slice %arg4[%add3A_11, %dma_start3A_18] : memref<262144x144xf32, #tpu.memory_space<hbm>> -> memref<128x144xf32, #tpu.memory_space<hbm>>
        tpu.enqueue_dma source(%arg6 : memref<128x144xf32, #tpu.memory_space<vmem>>) target(%dma_start3A_19 : memref<128x144xf32, #tpu.memory_space<hbm>>) target_semaphore(%run_scoped3A : memref<!tpu.dma_semaphore, #tpu.memory_space<semaphore_mem>>)
        %dma_wait3A_20 = arith.constant 0 : i32
        %dma_wait3A_21 = tpu.memref_slice %arg4[%add3A_11, %dma_wait3A_20] : memref<262144x144xf32, #tpu.memory_space<hbm>> -> memref<128x144xf32, #tpu.memory_space<hbm>>
        %dma_wait3A_22 = arith.constant 0 : i32
        %dma_wait3A_23 = tpu.memref_slice %arg4[%add3A_11, %dma_wait3A_22] : memref<262144x144xf32, #tpu.memory_space<hbm>> -> memref<128x144xf32, #tpu.memory_space<hbm>>
        tpu.wait_dma2 semaphore(%run_scoped3A : memref<!tpu.dma_semaphore, #tpu.memory_space<semaphore_mem>>) src(%arg6 : memref<128x144xf32, #tpu.memory_space<vmem>>) dst(%dma_wait3A_23 : memref<128x144xf32, #tpu.memory_space<hbm>>)
        tpu.yield
      }) : () -> ()
    }
    %scan3A_7 = arith.constant 64 : i32
    return
  }
}

module attributes {stable_mosaic.version = 14 : i64} {
  func.func @_table_body(%arg0: i32, %arg1: i32, %arg2: memref<1x128x1024xf32, #tpu.memory_space<vmem>>, %arg3: memref<1x3x1024xf32, #tpu.memory_space<vmem>>, %arg4: memref<1x1024x144xf32, #tpu.memory_space<vmem>>) attributes {dimension_semantics = [#tpu.dimension_semantics<arbitrary>, #tpu.dimension_semantics<arbitrary>], iteration_bounds = array<i64: 4, 8>, scalar_prefetch = 0 : i64, scratch_operands = 0 : i64, tpu.core_type = #tpu.core_type<tc>, window_params = [{transform_indices = @transform_0, window_bounds = array<i64: 1, 128, 1024>}, {transform_indices = @transform_1, window_bounds = array<i64: 1, 3, 1024>}, {transform_indices = @transform_2, window_bounds = array<i64: 1, 1024, 144>}]} {
    %get3A = arith.constant 0 : index
    %get3A_0 = arith.constant 0 : index
    %get3A_1 = arith.constant 0 : index
    %get3A_2 = vector.load %arg2[%get3A, %get3A_0, %get3A_1] : memref<1x128x1024xf32, #tpu.memory_space<vmem>>, vector<1x128x1024xf32>
    %get3A_3 = vector.shape_cast %get3A_2 : vector<1x128x1024xf32> to vector<128x1024xf32>
    %get3A_4 = arith.constant 0 : index
    %get3A_5 = arith.constant 0 : index
    %get3A_6 = arith.constant 0 : index
    %get3A_7 = vector.load %arg3[%get3A_4, %get3A_5, %get3A_6] : memref<1x3x1024xf32, #tpu.memory_space<vmem>>, vector<1x3x1024xf32>
    %get3A_8 = vector.shape_cast %get3A_7 : vector<1x3x1024xf32> to vector<3x1024xf32>
    %transpose3A = tpu.transpose %get3A_3, [1, 0] : vector<128x1024xf32> -> vector<1024x128xf32>
    %swap3A = arith.constant 0 : index
    %swap3A_9 = arith.constant 0 : index
    %swap3A_10 = arith.constant 0 : index
    %swap3A_11 = vector.load %arg4[%swap3A, %swap3A_9, %swap3A_10] : memref<1x1024x144xf32, #tpu.memory_space<vmem>>, vector<1x1024x128xf32>
    %swap3A_12 = vector.shape_cast %swap3A_11 : vector<1x1024x128xf32> to vector<1024x128xf32>
    %swap3A_13 = vector.shape_cast %transpose3A : vector<1024x128xf32> to vector<1x1024x128xf32>
    tpu.vector_store %arg4[%swap3A, %swap3A_9, %swap3A_10], %swap3A_13 {strides = array<i32>} : memref<1x1024x144xf32, #tpu.memory_space<vmem>>, vector<1x1024x128xf32>,
    %transpose3A_14 = tpu.transpose %get3A_8, [1, 0] : vector<3x1024xf32> -> vector<1024x3xf32>
    %swap3A_15 = arith.constant 0 : index
    %swap3A_16 = arith.constant 0 : index
    %swap3A_17 = arith.constant 128 : index
    %swap3A_18 = vector.load %arg4[%swap3A_15, %swap3A_16, %swap3A_17] : memref<1x1024x144xf32, #tpu.memory_space<vmem>>, vector<1x1024x3xf32>
    %swap3A_19 = vector.shape_cast %swap3A_18 : vector<1x1024x3xf32> to vector<1024x3xf32>
    %swap3A_20 = vector.shape_cast %transpose3A_14 : vector<1024x3xf32> to vector<1x1024x3xf32>
    tpu.vector_store %arg4[%swap3A_15, %swap3A_16, %swap3A_17], %swap3A_20 {strides = array<i32>} : memref<1x1024x144xf32, #tpu.memory_space<vmem>>, vector<1x1024x3xf32>,
    return
  }
  func.func @transform_0(%arg0: i32, %arg1: i32) -> (i32, i32, i32) {
    %c0_i32 = arith.constant 0 : i32
    %c0_i32_0 = arith.constant 0 : i32
    return %arg0, %c0_i32, %arg1 : i32, i32, i32
  }
  func.func @transform_1(%arg0: i32, %arg1: i32) -> (i32, i32, i32) {
    %c0_i32 = arith.constant 0 : i32
    %c0_i32_0 = arith.constant 0 : i32
    return %arg0, %c0_i32, %arg1 : i32, i32, i32
  }
  func.func @transform_2(%arg0: i32, %arg1: i32) -> (i32, i32, i32) {
    %c0_i32 = arith.constant 0 : i32
    %c0_i32_0 = arith.constant 0 : i32
    return %arg0, %arg1, %c0_i32 : i32, i32, i32
  }
}

module attributes {stable_mosaic.version = 14 : i64} {
  func.func @_dist_body(%arg0: i32, %arg1: i32, %arg2: memref<1x3x8192xf32, #tpu.memory_space<vmem>>, %arg3: memref<1x3x256xf32, #tpu.memory_space<vmem>>, %arg4: memref<1x256x8192xf32, #tpu.memory_space<vmem>>) attributes {dimension_semantics = [#tpu.dimension_semantics<arbitrary>, #tpu.dimension_semantics<arbitrary>], iteration_bounds = array<i64: 4, 8>, scalar_prefetch = 0 : i64, scratch_operands = 0 : i64, tpu.core_type = #tpu.core_type<tc>, window_params = [{transform_indices = @transform_0, window_bounds = array<i64: 1, 3, 8192>}, {transform_indices = @transform_1, window_bounds = array<i64: 1, 3, 256>}, {transform_indices = @transform_2, window_bounds = array<i64: 1, 256, 8192>}]} {
    %get3A = arith.constant 0 : index
    %get3A_0 = arith.constant 0 : index
    %get3A_1 = arith.constant 0 : index
    %get3A_2 = vector.load %arg3[%get3A, %get3A_0, %get3A_1] : memref<1x3x256xf32, #tpu.memory_space<vmem>>, vector<1x3x256xf32>
    %get3A_3 = vector.shape_cast %get3A_2 : vector<1x3x256xf32> to vector<3x256xf32>
    %mul3A = arith.mulf %get3A_3, %get3A_3 : vector<3x256xf32>
    %reduce_sum3A = arith.constant dense<0.000000e+00> : vector<256xf32>
    %reduce_sum3A_4 = vector.multi_reduction <add>, %mul3A, %reduce_sum3A [0] : vector<3x256xf32> to vector<256xf32>
    %scan3A = arith.constant 0 : i32
    %scan3A_5 = arith.constant 32 : i32
    %scan3A_6 = arith.addi %scan3A, %scan3A_5 : i32
    %scan3A_7 = arith.constant 1 : i32
    scf.for %scan3A_9 = %scan3A to %scan3A_6 step %scan3A_7  : i32 {
      %mul3A_10 = arith.constant 256 : i32
      %mul3A_11 = arith.muli %scan3A_9, %mul3A_10 : i32
      %get3A_12 = arith.constant 0 : index
      %get3A_13 = arith.constant 0 : index
      %get3A_14 = arith.index_cast %mul3A_11 : i32 to index
      %get3A_15 = vector.load %arg2[%get3A_12, %get3A_13, %get3A_14] : memref<1x3x8192xf32, #tpu.memory_space<vmem>>, vector<1x3x256xf32>
      %get3A_16 = vector.shape_cast %get3A_15 : vector<1x3x256xf32> to vector<3x256xf32>
      %dot_general3A = arith.constant dense<0.000000e+00> : vector<256x256xf32>
      %dot_general3A_17 = tpu.matmul %get3A_16, %get3A_3, %dot_general3A {dimension_numbers = #tpu.dot_dimension_numbers<[0], [0], [1], [1], [0, 1, 1, 1], [], []>, transpose_lhs_hint = false} : vector<3x256xf32>, vector<3x256xf32>, vector<256x256xf32> -> vector<256x256xf32>
      %mul3A_18 = arith.mulf %get3A_16, %get3A_16 : vector<3x256xf32>
      %reduce_sum3A_19 = arith.constant dense<0.000000e+00> : vector<256xf32>
      %reduce_sum3A_20 = vector.multi_reduction <add>, %mul3A_18, %reduce_sum3A_19 [0] : vector<3x256xf32> to vector<256xf32>
      %broadcast_in_dim3A = vector.shape_cast %reduce_sum3A_20 : vector<256xf32> to vector<256x1xf32>
      %mul3A_21 = arith.constant 2.000000e+00 : f32
      %mul3A_22 = vector.broadcast %mul3A_21 : f32 to vector<256x256xf32>
      %mul3A_23 = arith.mulf %mul3A_22, %dot_general3A_17 : vector<256x256xf32>
      %sub3A = vector.broadcast %broadcast_in_dim3A : vector<256x1xf32> to vector<256x256xf32>
      %sub3A_24 = arith.subf %sub3A, %mul3A_23 : vector<256x256xf32>
      %broadcast_in_dim3A_25 = vector.shape_cast %reduce_sum3A_4 : vector<256xf32> to vector<1x256xf32>
      %add3A = vector.broadcast %broadcast_in_dim3A_25 : vector<1x256xf32> to vector<256x256xf32>
      %add3A_26 = arith.addf %sub3A_24, %add3A : vector<256x256xf32>
      %transpose3A = tpu.transpose %add3A_26, [1, 0] : vector<256x256xf32> -> vector<256x256xf32>
      %mul3A_27 = arith.constant 256 : i32
      %mul3A_28 = arith.muli %scan3A_9, %mul3A_27 : i32
      %swap3A = arith.constant 0 : index
      %swap3A_29 = arith.constant 0 : index
      %swap3A_30 = arith.index_cast %mul3A_28 : i32 to index
      %swap3A_31 = vector.load %arg4[%swap3A, %swap3A_29, %swap3A_30] : memref<1x256x8192xf32, #tpu.memory_space<vmem>>, vector<1x256x256xf32>
      %swap3A_32 = vector.shape_cast %swap3A_31 : vector<1x256x256xf32> to vector<256x256xf32>
      %swap3A_33 = vector.shape_cast %transpose3A : vector<256x256xf32> to vector<1x256x256xf32>
      tpu.vector_store %arg4[%swap3A, %swap3A_29, %swap3A_30], %swap3A_33 {strides = array<i32>} : memref<1x256x8192xf32, #tpu.memory_space<vmem>>, vector<1x256x256xf32>,
    }
    %scan3A_8 = arith.constant 32 : i32
    return
  }
  func.func @transform_0(%arg0: i32, %arg1: i32) -> (i32, i32, i32) {
    %c0_i32 = arith.constant 0 : i32
    %c0_i32_0 = arith.constant 0 : i32
    %c0_i32_1 = arith.constant 0 : i32
    return %arg0, %c0_i32, %c0_i32_0 : i32, i32, i32
  }
  func.func @transform_1(%arg0: i32, %arg1: i32) -> (i32, i32, i32) {
    %c0_i32 = arith.constant 0 : i32
    %c0_i32_0 = arith.constant 0 : i32
    return %arg0, %c0_i32, %arg1 : i32, i32, i32
  }
  func.func @transform_2(%arg0: i32, %arg1: i32) -> (i32, i32, i32) {
    %c0_i32 = arith.constant 0 : i32
    %c0_i32_0 = arith.constant 0 : i32
    return %arg0, %arg1, %c0_i32 : i32, i32, i32
  }
}

module attributes {stable_mosaic.version = 14 : i64} {
  func.func @_finish_body(%arg0: i32, %arg1: i32, %arg2: memref<1x4096x144xf32, #tpu.memory_space<vmem>>, %arg3: memref<1x3x4096xf32, #tpu.memory_space<vmem>>, %arg4: memref<1x131x4096xf32, #tpu.memory_space<vmem>>) attributes {dimension_semantics = [#tpu.dimension_semantics<arbitrary>, #tpu.dimension_semantics<arbitrary>], iteration_bounds = array<i64: 4, 16>, scalar_prefetch = 0 : i64, scratch_operands = 0 : i64, tpu.core_type = #tpu.core_type<tc>, window_params = [{transform_indices = @transform_0, window_bounds = array<i64: 1, 4096, 144>}, {transform_indices = @transform_1, window_bounds = array<i64: 1, 3, 4096>}, {transform_indices = @transform_2, window_bounds = array<i64: 1, 131, 4096>}]} {
    %get3A = arith.constant 0 : index
    %get3A_0 = arith.constant 0 : index
    %get3A_1 = arith.constant 0 : index
    %get3A_2 = vector.load %arg2[%get3A, %get3A_0, %get3A_1] : memref<1x4096x144xf32, #tpu.memory_space<vmem>>, vector<1x4096x144xf32>
    %get3A_3 = vector.shape_cast %get3A_2 : vector<1x4096x144xf32> to vector<4096x144xf32>
    %transpose3A = tpu.transpose %get3A_3, [1, 0] : vector<4096x144xf32> -> vector<144x4096xf32>
    %slice3A = vector.extract_strided_slice %transpose3A {offsets = [128, 0], sizes = [3, 4096], strides = [1, 1]} : vector<144x4096xf32> to vector<3x4096xf32>
    %get3A_4 = arith.constant 0 : index
    %get3A_5 = arith.constant 0 : index
    %get3A_6 = arith.constant 0 : index
    %get3A_7 = vector.load %arg3[%get3A_4, %get3A_5, %get3A_6] : memref<1x3x4096xf32, #tpu.memory_space<vmem>>, vector<1x3x4096xf32>
    %get3A_8 = vector.shape_cast %get3A_7 : vector<1x3x4096xf32> to vector<3x4096xf32>
    %sub3A = arith.subf %slice3A, %get3A_8 : vector<3x4096xf32>
    %swap3A = arith.constant 0 : index
    %swap3A_9 = arith.constant 0 : index
    %swap3A_10 = arith.constant 0 : index
    %swap3A_11 = vector.load %arg4[%swap3A, %swap3A_9, %swap3A_10] : memref<1x131x4096xf32, #tpu.memory_space<vmem>>, vector<1x3x4096xf32>
    %swap3A_12 = vector.shape_cast %swap3A_11 : vector<1x3x4096xf32> to vector<3x4096xf32>
    %swap3A_13 = vector.shape_cast %sub3A : vector<3x4096xf32> to vector<1x3x4096xf32>
    tpu.vector_store %arg4[%swap3A, %swap3A_9, %swap3A_10], %swap3A_13 {strides = array<i32>} : memref<1x131x4096xf32, #tpu.memory_space<vmem>>, vector<1x3x4096xf32>,
    %slice3A_14 = vector.extract_strided_slice %transpose3A {offsets = [0, 0], sizes = [128, 4096], strides = [1, 1]} : vector<144x4096xf32> to vector<128x4096xf32>
    %swap3A_15 = arith.constant 0 : index
    %swap3A_16 = arith.constant 3 : index
    %swap3A_17 = arith.constant 0 : index
    %swap3A_18 = vector.load %arg4[%swap3A_15, %swap3A_16, %swap3A_17] : memref<1x131x4096xf32, #tpu.memory_space<vmem>>, vector<1x128x4096xf32>
    %swap3A_19 = vector.shape_cast %swap3A_18 : vector<1x128x4096xf32> to vector<128x4096xf32>
    %swap3A_20 = vector.shape_cast %slice3A_14 : vector<128x4096xf32> to vector<1x128x4096xf32>
    tpu.vector_store %arg4[%swap3A_15, %swap3A_16, %swap3A_17], %swap3A_20 {strides = array<i32>} : memref<1x131x4096xf32, #tpu.memory_space<vmem>>, vector<1x128x4096xf32>,
    return
  }
  func.func @transform_0(%arg0: i32, %arg1: i32) -> (i32, i32, i32) {
    %c0_i32 = arith.constant 0 : i32
    %c0_i32_0 = arith.constant 0 : i32
    return %arg0, %arg1, %c0_i32 : i32, i32, i32
  }
  func.func @transform_1(%arg0: i32, %arg1: i32) -> (i32, i32, i32) {
    %c0_i32 = arith.constant 0 : i32
    %c0_i32_0 = arith.constant 0 : i32
    return %arg0, %c0_i32, %arg1 : i32, i32, i32
  }
  func.func @transform_2(%arg0: i32, %arg1: i32) -> (i32, i32, i32) {
    %c0_i32 = arith.constant 0 : i32
    %c0_i32_0 = arith.constant 0 : i32
    return %arg0, %c0_i32, %arg1 : i32, i32, i32
  }
}

</mosaic_0001>

<sc_bundles>
// kernel: kernel.10.cloned.1.call-start
scs
__scs_entry_jumppad:
0x0: {  	(pc) =	sbr.rel $0x88, $3  }
0x1: {  	(tag) =	ssettag $0x0;
	lr =	simm.s32 $0x1  }
0x2: {  	[smem:$0x3F9E] =	sst lr;
	_ =	strace $0xD0000000  }
0x3: {  	_ = 	snop  }
0x4: {  	_ = 	snop  }
0x5: {  	_ = 	snop  }
0x6: {  	_ = 	snop  }
0x7: {  	_ = 	snop  }
__scs_overlays_trampoline_lowered:
0x8: {  	[smem:$0x3FAD] =	sst s0  }
0x9: {  	[smem:$0x3FAE] =	sst s1  }
0xa: {  	[smem:$0x3FAF] =	sst s2  }
0xb: {  	[smem:$0x3FB0] =	sst s3  }
0xc: {  	[smem:$0x3FB1] =	sst s4  }
0xd: {  	[smem:$0x3FB2] =	sst s5  }
0xe: {  	[smem:$0x3FB3] =	sst s6  }
0xf: {  	[smem:$0x3FB4] =	sst s7  }
0x10: {  	[smem:$0x3FB5] =	sst s8  }
0x11: {  	[smem:$0x3FB6] =	sst s9;
	s0 =	simm.s32 @!p0 $0x0  }
0x12: {  	s1 =	sld [smem:$0x3F9C];
	s0 =	simm.s32 @p0 $0x1  }
0x13: {  	[smem:$0x3FB7] =	sst s0;
	s0 =	simm.s32 @!p1 $0x0  }
0x14: {  	s2 =	sld [smem:$0x3F9B];
	s0 =	simm.s32 @p1 $0x1  }
0x15: {  	[smem:$0x3FB8] =	sst s0;
	s0 =	simm.s32 @!p2 $0x0  }
0x16: {  	s3 =	sld [smem:$0x3FDB];
	s0 =	simm.s32 @p2 $0x1  }
0x17: {  	s4 =	simm.s32 $0x1BF5;
	[smem:$0x3FBA] =	sst s0  }
0x18: {  	s0 =	sld [smem:$0x3F9D];
	_ =	swait.ge [sflag:s4], $0x0  }
0x19: {  	s7 =	sld [smem:$0x3F9E]  }
0x1a: {  	s8 =	sadd.s32 $0xFFFFE003, lr  }
0x1b: {  	s9 =	sadd.s32 $0xFFFFFEF7, lr;
	s5 =	simm.s32 $0xFFFFFFFF;
	p2 =	slt.u32 s8, $0xFFFFF086  }
0x1c: {  	p1 =	slt.u32 s9, $0xF7A;
	s5 =	simm.s32 @!p2 $0x0  }
0x1d: {  	s5 =	simm.s32 @p1 $0x1;
	p0 =	seq.s32 s7, s2  }
0x1e: {  	s7 =	smul.u32 @!p0 $0xF7A, s2;
	p2 =	seq.s32 @!p0 s5, $0x0  }
0x1f: {  	s9 =	smul.u32 $0xF7A, s1;
	s8 =	simm.s32 @!p0 $0x1BF5;
	p2 =	por !p2, p0  }
0x20: {  	[sflag:s8] =	ssyncset.s32 @!p0 $0xFFFFF086;
	s6 =	sadd.s32 @!p0 s3, s7;
	s7 =	simm.s32 @!p0 $0x108  }
0x21: {  	s3 =	sadd.s32 s3, s9;
	s6 =	sadd.s32 @!p0 $0x88, s6;
	s7 =	simm.s32 @p2 $0x1082  }
0x22: {  	[simem:s7], [sflag:s8] =	dma.local @!p0 [hbm:s6], $0xF7A  }
0x23: {  	s9 =	sor.u32 $0xD0000000, s2;
	s6 =	simm.s32 $0x108;
	_ =	swait.ge @!p0 [sflag:s8], $0x0  }
0x24: {  	s3 =	sadd.s32 $0x88, s3;
	s6 =	simm.s32 @!p1 $0x1082;
	[sflag:s4] =	ssyncset.s32 $0xFFFFF086  }
0x25: {  	[simem:s6], [sflag:s4] =	dma.local [hbm:s3], $0xF7A  }
0x26: {  	[smem:$0x3F9E] =	sst s1;
	(tag) =	ssettag s2;
	_ =	strace s9  }
0x27: {  	s1 =	sld [smem:$0x3FAE]  }
0x28: {  	s2 =	sld [smem:$0x3FAF]  }
0x29: {  	s4 =	sld [smem:$0x3FB1]  }
0x2a: {  	p0 =	seq.s32 s5, $0x0;
	s5 =	sld [smem:$0x3FB2]  }
0x2b: {  	s6 =	sld [smem:$0x3FB3]  }
0x2c: {  	s7 =	sld [smem:$0x3FB4]  }
0x2d: {  	s3 =	simm.s32 $0x108;
	s8 =	sld [smem:$0x3FB5]  }
0x2e: {  	s3 =	simm.s32 @!p0 $0x1082;
	s9 =	sld [smem:$0x3FB6]  }
0x2f: {  	lr =	sadd.s32 s0, s3;
	s0 =	sld [smem:$0x3FAD]  }
0x30: {  	s3 =	sld [smem:$0x3FB0]  }
0x31: {  	[smem:$0x3FB9] =	sst s10  }
0x32: {  	s10 =	sld [smem:$0x3FB7];
	_ =	sdelay $0x3  }
0x33: {  	p0 =	seq.s32 s10, $0x1;
	s10 =	sld [smem:$0x3FB9];
	_ =	sdelay $0x3  }
0x34: {  	[smem:$0x3FB9] =	sst s10  }
0x35: {  	s10 =	sld [smem:$0x3FB8];
	_ =	sdelay $0x3  }
0x36: {  	p1 =	seq.s32 s10, $0x1;
	s10 =	sld [smem:$0x3FB9];
	_ =	sdelay $0x3  }
0x37: {  	[smem:$0x3FB9] =	sst s10  }
0x38: {  	s10 =	sld [smem:$0x3FBA]  }
0x39: {  	_ = 	snop;
	(pc) =	sbr.ind lr, $3  }
0x3a: {  	_ = 	snop  }
0x3b: {  	_ = 	snop  }
0x3c: {  	p2 =	seq.s32 s10, $0x1;
	s10 =	sld [smem:$0x3FB9]  }
0x3d: {  	_ =	shalt  }
0x3e: {  	_ =	shalt  }
0x3f: {  	_ =	shalt  }
0x40: {  	_ =	shalt  }
0x41: {  	_ =	shalt  }
0x42: {  	_ =	shalt  }
0x43: {  	_ =	shalt  }
0x44: {  	_ =	shalt  }
0x45: {  	_ =	shalt  }
0x46: {  	_ =	shalt  }
0x47: {  	_ =	shalt  }
0x48: {  	_ =	shalt  }
0x49: {  	_ =	shalt  }
0x4a: {  	_ =	shalt  }
0x4b: {  	_ =	shalt  }
0x4c: {  	_ =	shalt  }
0x4d: {  	_ =	shalt  }
0x4e: {  	_ =	shalt  }
0x4f: {  	_ =	shalt  }
0x50: {  	_ =	shalt  }
0x51: {  	_ =	shalt  }
0x52: {  	_ =	shalt  }
0x53: {  	_ =	shalt  }
0x54: {  	_ =	shalt  }
0x55: {  	_ =	shalt  }
0x56: {  	_ =	shalt  }
0x57: {  	_ =	shalt  }
0x58: {  	_ =	shalt  }
0x59: {  	_ =	shalt  }
0x5a: {  	_ =	shalt  }
0x5b: {  	_ =	shalt  }
0x5c: {  	_ =	shalt  }
0x5d: {  	_ =	shalt  }
0x5e: {  	_ =	shalt  }
0x5f: {  	_ =	shalt  }
0x60: {  	_ =	shalt  }
0x61: {  	_ =	shalt  }
0x62: {  	_ =	shalt  }
0x63: {  	_ =	shalt  }
0x64: {  	_ =	shalt  }
0x65: {  	_ =	shalt  }
0x66: {  	_ =	shalt  }
0x67: {  	_ =	shalt  }
0x68: {  	_ =	shalt  }
0x69: {  	_ =	shalt  }
0x6a: {  	_ =	shalt  }
0x6b: {  	_ =	shalt  }
0x6c: {  	_ =	shalt  }
0x6d: {  	_ =	shalt  }
0x6e: {  	_ =	shalt  }
0x6f: {  	_ =	shalt  }
0x70: {  	_ =	shalt  }
0x71: {  	_ =	shalt  }
0x72: {  	_ =	shalt  }
0x73: {  	_ =	shalt  }
0x74: {  	_ =	shalt  }
0x75: {  	_ =	shalt  }
0x76: {  	_ =	shalt  }
0x77: {  	_ =	shalt  }
0x78: {  	_ =	shalt  }
0x79: {  	_ =	shalt  }
0x7a: {  	_ =	shalt  }
0x7b: {  	_ =	shalt  }
0x7c: {  	_ =	shalt  }
0x7d: {  	_ =	shalt  }
0x7e: {  	_ =	shalt  }
0x7f: {  	_ =	shalt  }
0x80: {  	_ =	shalt  }
0x81: {  	_ =	shalt  }
0x82: {  	_ =	shalt  }
0x83: {  	_ =	shalt  }
0x84: {  	_ =	shalt  }
0x85: {  	_ =	shalt  }
0x86: {  	_ =	shalt  }
0x87: {  	_ =	shalt  }
.Lfunc_end0:
.L_simem_size_0:
called_computation.2_lowered:
.L_overlay_start_0:
0x88: {  	s2 =	sld [smem:$0x3FD9]  }
0x89: {  	s3 =	sld [smem:$0x3FFE];
	_ =	sdelay $0x1  }
0x8a: {  	s1 =	srdreg.scid  }
0x8b: {  	s0 =	sand.u32 $0x1, s1  }
0x8c: {  	s16 =	sshll.u32 s0, $0xA;
	s2 =	sadd.s32 s3, s2  }
0x8d: {  	s2 =	sadd.s32 s2, s16  }
0x8e: {  	[smem:$0x3FC5] =	sst s2  }
0x8f: {  	_ = 	snop  }
0x90: {  	(tm) =	ssettm $0x1  }
0x91: {  	s17 =	sld [smem:$0x3FFB];
	_ =	sdelay $0x3  }
0x92: {  	_ =	strace s17  }
0x93: {  	s2 =	sld [smem:$0x3FFC];
	_ =	sdelay $0x3  }
0x94: {  	_ =	strace s2  }
0x95: {  	s2 =	sld [smem:$0x3FFD];
	_ =	sdelay $0x3  }
0x96: {  	_ =	strace s2  }
0x97: {  	_ =	strace $0x8FFFFFFF  }
0x98: {  	s18 =	sld [smem:$0x3FDB];
	_ =	sdelay $0x1  }
0x99: {  	s19 =	simm.s32 $_scs_section_size  }
0x9a: {  	s4 =	simm.s32 $_size__tile_overlayer_lowered;
	s5 =	simm.s32 $_tile_overlayer_lowered  }
0x9b: {  	s22 =	simm.s32 $0x1BFF;
	s21 =	sshll.u32 s5, $0x1;
	s2 =	sadd.s32 s19, s18  }
0x9c: {  	s6 =	simm.s32 $0x0;
	s20 =	sshll.u32 s4, $0x1;
	s4 =	sadd.s32 s21, s2  }
0x9d: {  	[timem:s6], [sflag:s22] =	dma.local [hbm:s4], s20  }
0x9e: {  	_ =	swait.ge [sflag:s22], s20  }
0x9f: {  	s3 =	ssub.s32 $0x0, s20;
	[sflag:s22] =	ssyncset.done $0x0  }
0xa0: {  	[sflag:s22] =	ssyncadd.s32 s3;
	_ =	sdelay $0x1  }
0xa1: {  	s23 =	simm.s32 $0x1B8B  }
0xa2: {  	_ =	swait.ge [sflag:s23], $0x1  }
0xa3: {  	[sflag:s23] =	ssyncset.done $0x0  }
0xa4: {  	s25 =	simm.s32 $0x1B8E;
	s24 =	sld [smem:$0x3FFE];
	[sflag:s23] =	ssyncadd.s32 $0xFFFFFFFF  }
0xa5: {  	s26 =	simm.s32 $execute0_lowered;
	[smem:$0x3FD2] =	sst s25  }
0xa6: {  	s4 =	sshll.u32 s26, $0x1;
	_ =	strace $0x80000049;
	[dreg:$0x1] =	wrdreg $0xFFFFFFFF  }
0xa7: {  	s28 =	simm.s32 $_size_execute0_lowered;
	s2 =	sadd.s32 s2, s4;
	[dreg:$0x0] =	wrdreg $0x0  }
0xa8: {  	s4 =	sshll.u32 s28, $0x1;
	[dreg:$0x2] =	wrdreg s2  }
0xa9: {  	[dreg:$0x3] =	wrdreg s4  }
0xaa: {  	[dreg:$0x4] =	wrdreg $0xC0  }
0xab: {  	_ =	task [dreg:s6], $0x5FFFF  }
0xac: {  	[dreg:$0x1] =	wrdreg $0xFFFFFFFF  }
0xad: {  	[dreg:$0x0] =	wrdreg $0x60  }
0xae: {  	[dreg:$0x2] =	wrdreg s24  }
0xaf: {  	[dreg:$0x3] =	wrdreg $0x9  }
0xb0: {  	_ =	task.clear_ibuf [dreg:s6], $0x4FFFF;
	_ =	strace $0x90000049  }
0xb1: {  	s29 =	simm.s32 $0x9;
	_ =	strace $0x8000004B  }
0xb2: {  	_ =	swait.ge [sflag:s29], $0x1  }
0xb3: {  	[sflag:s29] =	ssyncadd.s32 $0xFFFFFFFF  }
0xb4: {  	_ =	strace $0x9000004B  }
0xb5: {  	_ =	sfence  }
0xb6: {  	s30 =	sld [smem:$0x0];
	_ =	sdelay $0x2  }
0xb7: {  	s31 =	sshll.u32 s1, $0xD;
	s1 =	sshrl.u32 s1, $0x2  }
0xb8: {  	s3 =	sand.u32 $0x4000, s31;
	s1 =	sadd.s32 s1, s30  }
0xb9: {  	s0 =	sor.u32 s3, s0;
	s1 =	sshll.u32 s1, $0x11  }
0xba: {  	s0 =	sor.u32 s1, s0  }
0xbb: {  	s0 =	sadd.s32 $0x8F2B, s0  }
0xbc: {  	[sflag:s0] =	ssyncadd.remote.s32 $0x1  }
0xbd: {  	_ =	sfence.sel $0xFFFF  }
0xbe: {  	[dreg:$0x0] =	wrdreg $0xFFFFFFFF;
	(pc) =	sbr.abs _section_cstart, $3  }
0xbf: {  	[dreg:$0x1] =	wrdreg $0xFFFFFFFF  }
0xc0: {  	_ =	task.clear_ibuf [dreg:s6], $0x2FFFF;
	_ =	strace $0x9FFFFFFF  }
0xc1: {  	(tm) =	ssettm $0x7FFFFFFF  }
tec
execute0_lowered:
.L_overlay_start_1:
0x0: {  	(tag) =	ssettag $0x1  }
0x1: {  	s4 =	rddreg [dreg:$0x0]  }
0x2: {  	s0 =	rddreg [dreg:$0x1];
	s2 =	simm.s32 $0x0;
	s5 =	srdreg.scid  }
0x3: {  	s1 =	stileid.u32;
	s10 =	simm.s32 $0x0;
	[smem:$0x7FF] =	sst s2  }
0x4: {  	s3 =	sadd.s32 $0x809400, s4;
	s5 =	sand.u32 $0x1, s5;
	s6 =	sshll.u32 s1, $0xE  }
0x5: {  	s8 =	smul.u32 $0x48000, s1;
	_ =	strace $0x8000004A;
	s7 =	sshll.u32 s5, $0xD  }
0x6: {  	s9 =	ssub.s32 $0x2, s5;
	s5 =	smul.u32 $0x24000, s5;
	s6 =	sor.u32 s7, s6  }
0x7: {  	s30 =	sshrl.u32 s9, $0x1;
	s8 =	sadd.s32 s8, s4;
	s6 =	sshrl.u32 s6, $0x3  }
0x8: {  	s7 =	ssub.s32 s9, s30;
	s31 =	sadd.s32 s5, s8;
	s8 =	simm.s32 $0x80  }
0x9: {  	s9 =	simm.s32 $0x1;
	s6 =	sadd.s32 s6, s4;
	s4 =	smax.u32 s7, $0x1  }
0xa: {  	s7 =	simm.s32 $0x2;
	s5 =	sadd.s32 $0x801400, s6;
	s6 =	sadd.s32 $0x1400, s31  }
.LBB2_1:
0xb: {  	s11 =	sadd.s32 $0x0, s5  }
0xc: {  	[tilespmem:s2], [sflag:$0x2] =	stream.linear.gather [hbm4b:s11+s2], $0x80, $0x38;
	[tilespmem:$0x4880] =	vst v63  }
0xd: {  	_ =	swait.ge [sflag:s7], $0x80  }
0xe: {  	[sflag:s7] =	ssyncset.done $0x0  }
0xf: {  	[sflag:s7] =	ssyncadd.s32 $0xFFFFFF80  }
0x10: {  	[tilespmem:s8], [sflag:$0x1] =	stream.indirect.gather [hbm4b:s3+s8], $0x90, s2, s8, $0xb8;
	[tilespmem:$0x4880] =	vst v63  }
0x11: {  	_ =	swait.ge [sflag:s9], $0x4800  }
0x12: {  	[sflag:s9] =	ssyncset.done $0x0  }
0x13: {  	[sflag:s9] =	ssyncadd.s32 $0xFFFFB800  }
0x14: {  	[hbm4b:s6+s2] =	stream.linear.scatter [tilespmem:s8], [sflag:$0x2], $0x4800, $0x38;
	[tilespmem:$0x4880] =	vst v63  }
0x15: {  	s12 =	simm.s32 $0x10;
	_ =	swait.ge [sflag:s7], $0x4800  }
0x16: {  	s13 =	simm.s32 $0x20;
	s11 =	sadd.s32 $0x900, s6;
	[sflag:s7] =	ssyncset.done $0x0  }
.LBB2_2:
0x17: {  	s14 =	sadd.s32 s12, s5  }
0x18: {  	[sflag:s7] =	ssyncadd.s32 $0xFFFFB800;
	s12 =	smov.u32 s13;
	s15 =	sadd.s32 $0x10, s13  }
0x19: {  	[tilespmem:s2], [sflag:$0x2] =	stream.linear.gather [hbm4b:s14+s2], $0x80, $0x38;
	[tilespmem:$0x4880] =	vst v63  }
0x1a: {  	p0 =	sne.s32 s13, $0x3F0;
	_ =	swait.ge [sflag:s7], $0x80  }
0x1b: {  	[sflag:s7] =	ssyncset.done $0x0  }
0x1c: {  	[sflag:s7] =	ssyncadd.s32 $0xFFFFFF80  }
0x1d: {  	[tilespmem:s8], [sflag:$0x1] =	stream.indirect.gather [hbm4b:s3+s8], $0x90, s2, s8, $0xb8;
	[tilespmem:$0x4880] =	vst v63  }
0x1e: {  	_ =	swait.ge [sflag:s9], $0x4800  }
.Ltmp0:
0x1f: {  	[sflag:s9] =	ssyncset.done $0x0;
	(pc) =	sbr.rel @p0 .LBB2_2-.Ltmp0, $4  }
0x20: {  	[sflag:s9] =	ssyncadd.s32 $0xFFFFB800  }
0x21: {  	[hbm4b:s11+s2] =	stream.linear.scatter [tilespmem:s8], [sflag:$0x2], $0x4800, $0x38;
	[tilespmem:$0x4880] =	vst v63  }
0x22: {  	_ =	swait.ge [sflag:s7], $0x4800  }
0x23: {  	s13 =	smov.u32 s15;
	s11 =	sadd.s32 $0x900, s11;
	[sflag:s7] =	ssyncset.done $0x0  }
0x24: {  	s12 =	sadd.s32 s12, s5;
	[sflag:s7] =	ssyncadd.s32 $0xFFFFB800  }
0x25: {  	[tilespmem:s2], [sflag:$0x2] =	stream.linear.gather [hbm4b:s12+s2], $0x80, $0x38;
	[tilespmem:$0x4880] =	vst v63  }
0x26: {  	_ =	swait.ge [sflag:s7], $0x80  }
0x27: {  	[sflag:s7] =	ssyncset.done $0x0  }
0x28: {  	[sflag:s7] =	ssyncadd.s32 $0xFFFFFF80  }
0x29: {  	[tilespmem:s8], [sflag:$0x1] =	stream.indirect.gather [hbm4b:s3+s8], $0x90, s2, s8, $0xb8;
	[tilespmem:$0x4880] =	vst v63  }
0x2a: {  	s10 =	sadd.s32 $0x1, s10;
	_ =	swait.ge [sflag:s9], $0x4800  }
0x2b: {  	p0 =	sne.s32 s10, s4;
	[sflag:s9] =	ssyncset.done $0x0  }
.Ltmp1:
0x2c: {  	[sflag:s9] =	ssyncadd.s32 $0xFFFFB800;
	(pc) =	sbr.rel @p0 .LBB2_1-.Ltmp1, $4  }
0x2d: {  	[hbm4b:s11+s2] =	stream.linear.scatter [tilespmem:s8], [sflag:$0x2], $0x4800, $0x38;
	[tilespmem:$0x4880] =	vst v63  }
0x2e: {  	_ =	swait.ge [sflag:s7], $0x4800  }
0x2f: {  	[sflag:s7] =	ssyncset.done $0x0  }
0x30: {  	[sflag:s7] =	ssyncadd.s32 $0xFFFFB800  }
0x31: {  	_ =	sfence.sel $0x180000  }
0x32: {  	[bflag:$0x0] =	sbarrier.arrive $0xFFFF  }
0x33: {  	p0 =	sne.s32 s1, $0x0;
	_ =	strace $0x9000004A  }
0x34: {  	s0 =	sadd.s32 @!p0 $0x100000, s0;
	[bflag:$0x2] =	sbarrier.arrive $0xFFFF  }
0x35: {  	[sflag:s0] =	ssyncadd.tile.s32 @!p0 $0x1;
	_ =	shalt  }
.Lfunc_end2:
_tile_overlayer_lowered:
.L_overlay_start_2:
0x36: {  	(tag) =	ssettag $0x2  }
0x37: {  	s0 =	rddreg [dreg:$0x0];
	s2 =	stileid.u32  }
0x38: {  	s1 =	rddreg [dreg:$0x1];
	p0 =	sne.s32 s2, $0x0  }
0x39: {  	s3 =	rddreg [dreg:$0x2];
	[bflag:$0x3] =	sbarrier.arrive $0xFFFF;
	s2 =	simm.s32 @!p0 $0x1C02  }
0x3a: {  	[timem:s3], [sflag:s2] =	dma.local @!p0 [hbm:s0], s1  }
0x3b: {  	s0 =	simm.s32 @!p0 $0x2  }
0x3c: {  	_ =	swait.ge @!p0 [sflag:s0], s1  }
0x3d: {  	s1 =	ssub.s32 @!p0 $0x0, s1;
	[sflag:s0] =	ssyncset.done @!p0 $0x0  }
0x3e: {  	[sflag:s0] =	ssyncadd.s32 @!p0 s1  }
0x3f: {  	[bflag:$0x3] =	sbarrier.arrive $0xFFFF  }
0x40: {  	_ =	shalt  }

// kernel: kernel.7.cloned.1.call-start
scs
__scs_entry_jumppad:
0x0: {  	(pc) =	sbr.rel $0x88, $3  }
0x1: {  	(tag) =	ssettag $0x0;
	lr =	simm.s32 $0x1  }
0x2: {  	[smem:$0x3F9E] =	sst lr;
	_ =	strace $0xD0000000  }
0x3: {  	_ = 	snop  }
0x4: {  	_ = 	snop  }
0x5: {  	_ = 	snop  }
0x6: {  	_ = 	snop  }
0x7: {  	_ = 	snop  }
__scs_overlays_trampoline_lowered:
0x8: {  	[smem:$0x3FAD] =	sst s0  }
0x9: {  	[smem:$0x3FAE] =	sst s1  }
0xa: {  	[smem:$0x3FAF] =	sst s2  }
0xb: {  	[smem:$0x3FB0] =	sst s3  }
0xc: {  	[smem:$0x3FB1] =	sst s4  }
0xd: {  	[smem:$0x3FB2] =	sst s5  }
0xe: {  	[smem:$0x3FB3] =	sst s6  }
0xf: {  	[smem:$0x3FB4] =	sst s7  }
0x10: {  	[smem:$0x3FB5] =	sst s8  }
0x11: {  	[smem:$0x3FB6] =	sst s9;
	s0 =	simm.s32 @!p0 $0x0  }
0x12: {  	s1 =	sld [smem:$0x3F9C];
	s0 =	simm.s32 @p0 $0x1  }
0x13: {  	[smem:$0x3FB7] =	sst s0;
	s0 =	simm.s32 @!p1 $0x0  }
0x14: {  	s2 =	sld [smem:$0x3F9B];
	s0 =	simm.s32 @p1 $0x1  }
0x15: {  	[smem:$0x3FB8] =	sst s0;
	s0 =	simm.s32 @!p2 $0x0  }
0x16: {  	s3 =	sld [smem:$0x3FDB];
	s0 =	simm.s32 @p2 $0x1  }
0x17: {  	s4 =	simm.s32 $0x1BF5;
	[smem:$0x3FBA] =	sst s0  }
0x18: {  	s0 =	sld [smem:$0x3F9D];
	_ =	swait.ge [sflag:s4], $0x0  }
0x19: {  	s7 =	sld [smem:$0x3F9E]  }
0x1a: {  	s8 =	sadd.s32 $0xFFFFE003, lr  }
0x1b: {  	s9 =	sadd.s32 $0xFFFFFEF7, lr;
	s5 =	simm.s32 $0xFFFFFFFF;
	p2 =	slt.u32 s8, $0xFFFFF086  }
0x1c: {  	p1 =	slt.u32 s9, $0xF7A;
	s5 =	simm.s32 @!p2 $0x0  }
0x1d: {  	s5 =	simm.s32 @p1 $0x1;
	p0 =	seq.s32 s7, s2  }
0x1e: {  	s7 =	smul.u32 @!p0 $0xF7A, s2;
	p2 =	seq.s32 @!p0 s5, $0x0  }
0x1f: {  	s9 =	smul.u32 $0xF7A, s1;
	s8 =	simm.s32 @!p0 $0x1BF5;
	p2 =	por !p2, p0  }
0x20: {  	[sflag:s8] =	ssyncset.s32 @!p0 $0xFFFFF086;
	s6 =	sadd.s32 @!p0 s3, s7;
	s7 =	simm.s32 @!p0 $0x108  }
0x21: {  	s3 =	sadd.s32 s3, s9;
	s6 =	sadd.s32 @!p0 $0x88, s6;
	s7 =	simm.s32 @p2 $0x1082  }
0x22: {  	[simem:s7], [sflag:s8] =	dma.local @!p0 [hbm:s6], $0xF7A  }
0x23: {  	s9 =	sor.u32 $0xD0000000, s2;
	s6 =	simm.s32 $0x108;
	_ =	swait.ge @!p0 [sflag:s8], $0x0  }
0x24: {  	s3 =	sadd.s32 $0x88, s3;
	s6 =	simm.s32 @!p1 $0x1082;
	[sflag:s4] =	ssyncset.s32 $0xFFFFF086  }
0x25: {  	[simem:s6], [sflag:s4] =	dma.local [hbm:s3], $0xF7A  }
0x26: {  	[smem:$0x3F9E] =	sst s1;
	(tag) =	ssettag s2;
	_ =	strace s9  }
0x27: {  	s1 =	sld [smem:$0x3FAE]  }
0x28: {  	s2 =	sld [smem:$0x3FAF]  }
0x29: {  	s4 =	sld [smem:$0x3FB1]  }
0x2a: {  	p0 =	seq.s32 s5, $0x0;
	s5 =	sld [smem:$0x3FB2]  }
0x2b: {  	s6 =	sld [smem:$0x3FB3]  }
0x2c: {  	s7 =	sld [smem:$0x3FB4]  }
0x2d: {  	s3 =	simm.s32 $0x108;
	s8 =	sld [smem:$0x3FB5]  }
0x2e: {  	s3 =	simm.s32 @!p0 $0x1082;
	s9 =	sld [smem:$0x3FB6]  }
0x2f: {  	lr =	sadd.s32 s0, s3;
	s0 =	sld [smem:$0x3FAD]  }
0x30: {  	s3 =	sld [smem:$0x3FB0]  }
0x31: {  	[smem:$0x3FB9] =	sst s10  }
0x32: {  	s10 =	sld [smem:$0x3FB7];
	_ =	sdelay $0x3  }
0x33: {  	p0 =	seq.s32 s10, $0x1;
	s10 =	sld [smem:$0x3FB9];
	_ =	sdelay $0x3  }
0x34: {  	[smem:$0x3FB9] =	sst s10  }
0x35: {  	s10 =	sld [smem:$0x3FB8];
	_ =	sdelay $0x3  }
0x36: {  	p1 =	seq.s32 s10, $0x1;
	s10 =	sld [smem:$0x3FB9];
	_ =	sdelay $0x3  }
0x37: {  	[smem:$0x3FB9] =	sst s10  }
0x38: {  	s10 =	sld [smem:$0x3FBA]  }
0x39: {  	_ = 	snop;
	(pc) =	sbr.ind lr, $3  }
0x3a: {  	_ = 	snop  }
0x3b: {  	_ = 	snop  }
0x3c: {  	p2 =	seq.s32 s10, $0x1;
	s10 =	sld [smem:$0x3FB9]  }
0x3d: {  	_ =	shalt  }
0x3e: {  	_ =	shalt  }
0x3f: {  	_ =	shalt  }
0x40: {  	_ =	shalt  }
0x41: {  	_ =	shalt  }
0x42: {  	_ =	shalt  }
0x43: {  	_ =	shalt  }
0x44: {  	_ =	shalt  }
0x45: {  	_ =	shalt  }
0x46: {  	_ =	shalt  }
0x47: {  	_ =	shalt  }
0x48: {  	_ =	shalt  }
0x49: {  	_ =	shalt  }
0x4a: {  	_ =	shalt  }
0x4b: {  	_ =	shalt  }
0x4c: {  	_ =	shalt  }
0x4d: {  	_ =	shalt  }
0x4e: {  	_ =	shalt  }
0x4f: {  	_ =	shalt  }
0x50: {  	_ =	shalt  }
0x51: {  	_ =	shalt  }
0x52: {  	_ =	shalt  }
0x53: {  	_ =	shalt  }
0x54: {  	_ =	shalt  }
0x55: {  	_ =	shalt  }
0x56: {  	_ =	shalt  }
0x57: {  	_ =	shalt  }
0x58: {  	_ =	shalt  }
0x59: {  	_ =	shalt  }
0x5a: {  	_ =	shalt  }
0x5b: {  	_ =	shalt  }
0x5c: {  	_ =	shalt  }
0x5d: {  	_ =	shalt  }
0x5e: {  	_ =	shalt  }
0x5f: {  	_ =	shalt  }
0x60: {  	_ =	shalt  }
0x61: {  	_ =	shalt  }
0x62: {  	_ =	shalt  }
0x63: {  	_ =	shalt  }
0x64: {  	_ =	shalt  }
0x65: {  	_ =	shalt  }
0x66: {  	_ =	shalt  }
0x67: {  	_ =	shalt  }
0x68: {  	_ =	shalt  }
0x69: {  	_ =	shalt  }
0x6a: {  	_ =	shalt  }
0x6b: {  	_ =	shalt  }
0x6c: {  	_ =	shalt  }
0x6d: {  	_ =	shalt  }
0x6e: {  	_ =	shalt  }
0x6f: {  	_ =	shalt  }
0x70: {  	_ =	shalt  }
0x71: {  	_ =	shalt  }
0x72: {  	_ =	shalt  }
0x73: {  	_ =	shalt  }
0x74: {  	_ =	shalt  }
0x75: {  	_ =	shalt  }
0x76: {  	_ =	shalt  }
0x77: {  	_ =	shalt  }
0x78: {  	_ =	shalt  }
0x79: {  	_ =	shalt  }
0x7a: {  	_ =	shalt  }
0x7b: {  	_ =	shalt  }
0x7c: {  	_ =	shalt  }
0x7d: {  	_ =	shalt  }
0x7e: {  	_ =	shalt  }
0x7f: {  	_ =	shalt  }
0x80: {  	_ =	shalt  }
0x81: {  	_ =	shalt  }
0x82: {  	_ =	shalt  }
0x83: {  	_ =	shalt  }
0x84: {  	_ =	shalt  }
0x85: {  	_ =	shalt  }
0x86: {  	_ =	shalt  }
0x87: {  	_ =	shalt  }
.Lfunc_end0:
.L_simem_size_0:
called_computation.1_lowered:
.L_overlay_start_0:
0x88: {  	s2 =	sld [smem:$0x3FD9]  }
0x89: {  	s3 =	sld [smem:$0x3FFE];
	_ =	sdelay $0x1  }
0x8a: {  	s1 =	srdreg.scid  }
0x8b: {  	s0 =	sand.u32 $0x1, s1  }
0x8c: {  	s16 =	sshll.u32 s0, $0xA;
	s2 =	sadd.s32 s3, s2  }
0x8d: {  	s2 =	sadd.s32 s2, s16  }
0x8e: {  	[smem:$0x3FC5] =	sst s2  }
0x8f: {  	_ = 	snop  }
0x90: {  	(tm) =	ssettm $0x1  }
0x91: {  	s17 =	sld [smem:$0x3FFB];
	_ =	sdelay $0x3  }
0x92: {  	_ =	strace s17  }
0x93: {  	s2 =	sld [smem:$0x3FFC];
	_ =	sdelay $0x3  }
0x94: {  	_ =	strace s2  }
0x95: {  	s2 =	sld [smem:$0x3FFD];
	_ =	sdelay $0x3  }
0x96: {  	_ =	strace s2  }
0x97: {  	_ =	strace $0x8FFFFFFF  }
0x98: {  	s18 =	sld [smem:$0x3FDB];
	_ =	sdelay $0x1  }
0x99: {  	s19 =	simm.s32 $_scs_section_size  }
0x9a: {  	s4 =	simm.s32 $_size__tile_overlayer_lowered;
	s5 =	simm.s32 $_tile_overlayer_lowered  }
0x9b: {  	s22 =	simm.s32 $0x1BFF;
	s21 =	sshll.u32 s5, $0x1;
	s2 =	sadd.s32 s19, s18  }
0x9c: {  	s6 =	simm.s32 $0x0;
	s20 =	sshll.u32 s4, $0x1;
	s4 =	sadd.s32 s21, s2  }
0x9d: {  	[timem:s6], [sflag:s22] =	dma.local [hbm:s4], s20  }
0x9e: {  	_ =	swait.ge [sflag:s22], s20  }
0x9f: {  	s3 =	ssub.s32 $0x0, s20;
	[sflag:s22] =	ssyncset.done $0x0  }
0xa0: {  	[sflag:s22] =	ssyncadd.s32 s3;
	_ =	sdelay $0x1  }
0xa1: {  	s23 =	simm.s32 $0x1B8B  }
0xa2: {  	_ =	swait.ge [sflag:s23], $0x1  }
0xa3: {  	[sflag:s23] =	ssyncset.done $0x0  }
0xa4: {  	s25 =	simm.s32 $0x1B8E;
	s24 =	sld [smem:$0x3FFE];
	[sflag:s23] =	ssyncadd.s32 $0xFFFFFFFF  }
0xa5: {  	s26 =	simm.s32 $execute0_lowered;
	[smem:$0x3FD2] =	sst s25  }
0xa6: {  	s4 =	sshll.u32 s26, $0x1;
	_ =	strace $0x80000046;
	[dreg:$0x1] =	wrdreg $0xFFFFFFFF  }
0xa7: {  	s28 =	simm.s32 $_size_execute0_lowered;
	s2 =	sadd.s32 s2, s4;
	[dreg:$0x0] =	wrdreg $0x0  }
0xa8: {  	s4 =	sshll.u32 s28, $0x1;
	[dreg:$0x2] =	wrdreg s2  }
0xa9: {  	[dreg:$0x3] =	wrdreg s4  }
0xaa: {  	[dreg:$0x4] =	wrdreg $0xC0  }
0xab: {  	_ =	task [dreg:s6], $0x5FFFF  }
0xac: {  	[dreg:$0x1] =	wrdreg $0xFFFFFFFF  }
0xad: {  	[dreg:$0x0] =	wrdreg $0x60  }
0xae: {  	[dreg:$0x2] =	wrdreg s24  }
0xaf: {  	[dreg:$0x3] =	wrdreg $0x9  }
0xb0: {  	_ =	task.clear_ibuf [dreg:s6], $0x4FFFF;
	_ =	strace $0x90000046  }
0xb1: {  	s29 =	simm.s32 $0x9;
	_ =	strace $0x80000048  }
0xb2: {  	_ =	swait.ge [sflag:s29], $0x1  }
0xb3: {  	[sflag:s29] =	ssyncadd.s32 $0xFFFFFFFF  }
0xb4: {  	_ =	strace $0x90000048  }
0xb5: {  	_ =	sfence  }
0xb6: {  	s30 =	sld [smem:$0x0];
	_ =	sdelay $0x2  }
0xb7: {  	s31 =	sshll.u32 s1, $0xD;
	s1 =	sshrl.u32 s1, $0x2  }
0xb8: {  	s3 =	sand.u32 $0x4000, s31;
	s1 =	sadd.s32 s1, s30  }
0xb9: {  	s0 =	sor.u32 s3, s0;
	s1 =	sshll.u32 s1, $0x11  }
0xba: {  	s0 =	sor.u32 s1, s0  }
0xbb: {  	s0 =	sadd.s32 $0x8F2B, s0  }
0xbc: {  	[sflag:s0] =	ssyncadd.remote.s32 $0x1  }
0xbd: {  	_ =	sfence.sel $0xFFFF  }
0xbe: {  	[dreg:$0x0] =	wrdreg $0xFFFFFFFF;
	(pc) =	sbr.abs _section_cstart, $3  }
0xbf: {  	[dreg:$0x1] =	wrdreg $0xFFFFFFFF  }
0xc0: {  	_ =	task.clear_ibuf [dreg:s6], $0x2FFFF;
	_ =	strace $0x9FFFFFFF  }
0xc1: {  	(tm) =	ssettm $0x7FFFFFFF  }
tec
execute0_lowered:
.L_overlay_start_1:
0x0: {  	(tag) =	ssettag $0x1  }
0x1: {  	s4 =	rddreg [dreg:$0x0]  }
0x2: {  	s2 =	simm.s32 $0x0;
	s3 =	srdreg.scid;
	s0 =	stileid.u32  }
0x3: {  	s11 =	simm.s32 $0x4200;
	s12 =	simm.s32 $0x3;
	s5 =	sand.u32 $0x1, s3  }
0x4: {  	s13 =	simm.s32 $0x0;
	s6 =	sshll.u32 s0, $0x9;
	s7 =	sshll.u32 s5, $0x8  }
0x5: {  	[smem:$0x7FF] =	sst s2;
	s8 =	ssub.s32 $0x2, s5;
	s5 =	sor.u32 s7, s6  }
0x6: {  	s3 =	sadd.s32 $0x1400, s4;
	s29 =	sshrl.u32 s8, $0x1;
	s7 =	sshll.u32 s5, $0xA  }
0x7: {  	s9 =	sshll.u32 s0, $0xB;
	s8 =	ssub.s32 s8, s29;
	s30 =	sadd.s32 s3, s7  }
0x8: {  	_ =	strace $0x80000047;
	s31 =	smax.u32 s8, $0x1;
	[dreg:$0x2] =	wrdreg s30  }
0x9: {  	v0 =	vlaneseq.u32;
	s4 =	sadd.s32 $0x801400, s4;
	s7 =	sand.u32 $0x6000, s9;
	[dreg:$0x3] =	wrdreg s31  }
.LBB2_1:
0xa: {  	s0 =	rddreg [dreg:$0x2];
	s1 =	simm.s32 $0x80  }
0xb: {  	s6 =	simm.s32 $0x400;
	p0 =	por $0x0, $0x0;
	s15 =	simm.s32 $0x0  }
0xc: {  	[tilespmem:s2], [sflag:$0x1] =	stream.strided.gather [hbm4b:s0+s1], $0x2000, s6, s1, $0x38;
	[tilespmem:$0x4280] =	vst v63  }
.LBB2_2:
0xd: {  	s16 =	sand.u32 $0x1, s15  }
0xe: {  	p1 =	seq.s32 s16, $0x1  }
0xf: {  	s14 =	sor.u32 s5, s15;
	s17 =	sshll.u32 @!p1 s15, $0x4  }
0x10: {  	s18 =	sshll.u32 @!p1 s14, $0xA;
	s17 =	sand.u32 @!p1 $0x60, s17  }
0x11: {  	p2 =	seq.s32 s15, $0xFF;
	s18 =	sand.u32 @!p1 $0x7FE000, s18;
	s17 =	sadd.s32 @!p1 s17, s3  }
0x12: {  	s19 =	simm.s32 @!p1 $0x400;
	s20 =	simm.s32 @!p1 $0x2000;
	s17 =	sadd.s32 @!p1 s18, s17  }
0x13: {  	p2 =	por !p1, p2;
	s18 =	simm.s32 @!p1 $0x80;
	s17 =	sadd.s32 @!p1 $0x10, s17  }
0x14: {  	[tilespmem:s20], [sflag:$0x2] =	stream.strided.gather @!p1 [hbm4b:s17+s18], $0x2000, s19, s18, $0x38;
	[tilespmem:$0x4280] =	vst v63  }
0x15: {  	s17 =	sadd.s32 @!p2 $0x1, s14  }
0x16: {  	s15 =	sadd.s32 $0x1, s15;
	s18 =	sshll.u32 @!p2 s17, $0x4  }
0x17: {  	s31 =	sshll.u32 s15, $0xD;
	s17 =	sshll.u32 @!p2 s17, $0xA;
	s18 =	sand.u32 @!p2 $0x60, s18  }
0x18: {  	s19 =	sand.u32 $0x2000, s31;
	s17 =	sand.u32 @!p2 $0xFFFE000, s17;
	s18 =	sadd.s32 @!p2 s3, s18  }
0x19: {  	s20 =	simm.s32 @!p2 $0x400;
	s17 =	sadd.s32 @!p2 s17, s18;
	s18 =	simm.s32 @!p2 $0x80  }
0x1a: {  	[tilespmem:s19], [sflag:$0x1] =	stream.strided.gather @!p2 [hbm4b:s17+s18], $0x2000, s20, s18, $0x38;
	[tilespmem:$0x4280] =	vst v63  }
0x1b: {  	p2 =	sne.s32 s16, $0x0  }
0x1c: {  	s17 =	simm.s32 @!p2 $0x1  }
0x1d: {  	_ =	swait.ge @!p2 [sflag:s17], $0x2000  }
0x1e: {  	[sflag:s17] =	ssyncset.done @!p2 $0x0  }
0x1f: {  	s18 =	simm.s32 $0x1;
	[sflag:s17] =	ssyncadd.s32 @!p2 $0xFFFFE000;
	s17 =	simm.s32 @p1 $0x2  }
0x20: {  	s18 =	simm.s32 @!p0 $0x0;
	_ =	swait.ge @p1 [sflag:s17], $0x2000  }
0x21: {  	s18 =	sshll.u32 s18, $0xD;
	[sflag:s17] =	ssyncset.done @p1 $0x0  }
0x22: {  	s18 =	sor.u32 $0x200, s18;
	[sflag:s17] =	ssyncadd.s32 @p1 $0xFFFFE000  }
0x23: {  	v1 =	vld [tilespmem:s18+$0xFFFFFE10]  }
0x24: {  	v2 =	vld [tilespmem:s18+$0xFFFFFE00]  }
0x25: {  	v3 =	vld [tilespmem:s18+$0xFFFFFE20]  }
0x26: {  	v4 =	vld [tilespmem:s18+$0xFFFFFE30]  }
0x27: {  	v5 =	vld [tilespmem:s18+$0xFFFFFE40]  }
0x28: {  	v6 =	vld [tilespmem:s18+$0xFFFFFE50]  }
0x29: {  	v1 =	vmin.f32 v2, v1;
	v2 =	vld [tilespmem:s18+$0xFFFFFE60]  }
0x2a: {  	v1 =	vmin.f32 v1, v3;
	v3 =	vld [tilespmem:s18+$0xFFFFFE70]  }
0x2b: {  	v1 =	vmin.f32 v1, v4;
	v4 =	vld [tilespmem:s18+$0xFFFFFE80]  }
0x2c: {  	v1 =	vmin.f32 v1, v5;
	v5 =	vld [tilespmem:s18+$0xFFFFFE90]  }
0x2d: {  	v1 =	vmin.f32 v1, v6;
	v6 =	vld [tilespmem:s18+$0xFFFFFEA0]  }
0x2e: {  	v1 =	vmin.f32 v1, v2;
	v2 =	vld [tilespmem:s18+$0xFFFFFEB0]  }
0x2f: {  	v1 =	vmin.f32 v1, v3;
	v3 =	vld [tilespmem:s18+$0xFFFFFEC0]  }
0x30: {  	v1 =	vmin.f32 v1, v4;
	v4 =	vld [tilespmem:s18+$0xFFFFFED0]  }
0x31: {  	v1 =	vmin.f32 v1, v5;
	v5 =	vld [tilespmem:s18+$0xFFFFFEE0]  }
0x32: {  	v1 =	vmin.f32 v1, v6;
	v6 =	vld [tilespmem:s18+$0xFFFFFEF0]  }
0x33: {  	v1 =	vmin.f32 v1, v2  }
0x34: {  	v1 =	vmin.f32 v1, v3  }
0x35: {  	v1 =	vmin.f32 v1, v4  }
0x36: {  	v1 =	vmin.f32 v1, v5  }
0x37: {  	s19 =	simm.s32 $0x4020;
	v1 =	vmin.f32 v1, v6  }
0x38: {  	[tilespmem:s19+$0xFFFFFFE0] =	vst v1  }
0x39: {  	v1 =	vld [tilespmem:s18+$0xFFFFFF00]  }
0x3a: {  	v2 =	vld [tilespmem:s18+$0xFFFFFF10]  }
0x3b: {  	v3 =	vld [tilespmem:s18+$0xFFFFFF20]  }
0x3c: {  	v4 =	vld [tilespmem:s18+$0xFFFFFF30]  }
0x3d: {  	v5 =	vld [tilespmem:s18+$0xFFFFFF40]  }
0x3e: {  	v6 =	vld [tilespmem:s18+$0xFFFFFF50]  }
0x3f: {  	v1 =	vmin.f32 v1, v2;
	v2 =	vld [tilespmem:s18+$0xFFFFFF60]  }
0x40: {  	v1 =	vmin.f32 v1, v3;
	v3 =	vld [tilespmem:s18+$0xFFFFFF70]  }
0x41: {  	v1 =	vmin.f32 v1, v4;
	v4 =	vld [tilespmem:s18+$0xFFFFFF80]  }
0x42: {  	v1 =	vmin.f32 v1, v5;
	v5 =	vld [tilespmem:s18+$0xFFFFFF90]  }
0x43: {  	v1 =	vmin.f32 v1, v6;
	v6 =	vld [tilespmem:s18+$0xFFFFFFA0]  }
0x44: {  	v1 =	vmin.f32 v1, v2;
	v2 =	vld [tilespmem:s18+$0xFFFFFFB0]  }
0x45: {  	v1 =	vmin.f32 v1, v3;
	v3 =	vld [tilespmem:s18+$0xFFFFFFC0]  }
0x46: {  	v1 =	vmin.f32 v1, v4;
	v4 =	vld [tilespmem:s18+$0xFFFFFFD0]  }
0x47: {  	v1 =	vmin.f32 v1, v5;
	v5 =	vld [tilespmem:s18+$0xFFFFFFE0]  }
0x48: {  	v1 =	vmin.f32 v1, v6;
	v6 =	vld [tilespmem:s18+$0xFFFFFFF0]  }
0x49: {  	v1 =	vmin.f32 v1, v2  }
0x4a: {  	v1 =	vmin.f32 v1, v3  }
0x4b: {  	v1 =	vmin.f32 v1, v4  }
0x4c: {  	v1 =	vmin.f32 v1, v5  }
0x4d: {  	v1 =	vmin.f32 v1, v6  }
0x4e: {  	[tilespmem:s19+$0xFFFFFFF0] =	vst v1  }
0x4f: {  	v1 =	vld [tilespmem:s18+$0x0]  }
0x50: {  	v2 =	vld [tilespmem:s18+$0x10]  }
0x51: {  	v3 =	vld [tilespmem:s18+$0x20]  }
0x52: {  	v4 =	vld [tilespmem:s18+$0x30]  }
0x53: {  	v5 =	vld [tilespmem:s18+$0x40]  }
0x54: {  	v6 =	vld [tilespmem:s18+$0x50]  }
0x55: {  	v1 =	vmin.f32 v1, v2;
	v2 =	vld [tilespmem:s18+$0x60]  }
0x56: {  	v1 =	vmin.f32 v1, v3;
	v3 =	vld [tilespmem:s18+$0x70]  }
0x57: {  	v1 =	vmin.f32 v1, v4;
	v4 =	vld [tilespmem:s18+$0x80]  }
0x58: {  	v1 =	vmin.f32 v1, v5;
	v5 =	vld [tilespmem:s18+$0x90]  }
0x59: {  	v1 =	vmin.f32 v1, v6;
	v6 =	vld [tilespmem:s18+$0xA0]  }
0x5a: {  	v1 =	vmin.f32 v1, v2;
	v2 =	vld [tilespmem:s18+$0xB0]  }
0x5b: {  	v1 =	vmin.f32 v1, v3;
	v3 =	vld [tilespmem:s18+$0xC0]  }
0x5c: {  	v1 =	vmin.f32 v1, v4;
	v4 =	vld [tilespmem:s18+$0xD0]  }
0x5d: {  	v1 =	vmin.f32 v1, v5;
	v5 =	vld [tilespmem:s18+$0xE0]  }
0x5e: {  	v1 =	vmin.f32 v1, v6;
	v6 =	vld [tilespmem:s18+$0xF0]  }
0x5f: {  	v1 =	vmin.f32 v1, v2  }
0x60: {  	v1 =	vmin.f32 v1, v3  }
0x61: {  	v1 =	vmin.f32 v1, v4  }
0x62: {  	v1 =	vmin.f32 v1, v5  }
0x63: {  	v1 =	vmin.f32 v1, v6  }
0x64: {  	[tilespmem:s19+$0x0] =	vst v1  }
0x65: {  	v1 =	vld [tilespmem:s18+$0x100]  }
0x66: {  	v2 =	vld [tilespmem:s18+$0x110]  }
0x67: {  	v3 =	vld [tilespmem:s18+$0x120]  }
0x68: {  	v4 =	vld [tilespmem:s18+$0x130]  }
0x69: {  	v5 =	vld [tilespmem:s18+$0x140]  }
0x6a: {  	v6 =	vld [tilespmem:s18+$0x150]  }
0x6b: {  	v1 =	vmin.f32 v1, v2;
	v2 =	vld [tilespmem:s18+$0x160]  }
0x6c: {  	v1 =	vmin.f32 v1, v3;
	v3 =	vld [tilespmem:s18+$0x170]  }
0x6d: {  	v1 =	vmin.f32 v1, v4;
	v4 =	vld [tilespmem:s18+$0x180]  }
0x6e: {  	v1 =	vmin.f32 v1, v5;
	v5 =	vld [tilespmem:s18+$0x190]  }
0x6f: {  	v1 =	vmin.f32 v1, v6;
	v6 =	vld [tilespmem:s18+$0x1A0]  }
0x70: {  	v7 =	vld [tilespmem:s18+$0x1B0];
	v1 =	vmin.f32 v1, v2  }
0x71: {  	v2 =	vmin.f32 v1, v3  }
0x72: {  	v1 =	vld [tilespmem:s18+$0x1C0];
	v3 =	vmin.f32 v2, v4  }
0x73: {  	v2 =	vld [tilespmem:s18+$0x1D0];
	v4 =	vmin.f32 v3, v5  }
0x74: {  	v3 =	vld [tilespmem:s18+$0x1E0];
	v5 =	vmin.f32 v4, v6  }
0x75: {  	s21 =	simm.s32 $0x0;
	s16 =	sshll.u32 s16, $0xD;
	s20 =	simm.s32 $0x4020;
	v4 =	vld [tilespmem:s18+$0x1F0];
	v5 =	vmin.f32 v5, v7  }
.LBB2_3:
0x76: {  	s21 =	sadd.s32 $0x4, s21;
	s19 =	sadd.s32 $0x40, s19;
	s18 =	sadd.s32 $0x400, s18  }
0x77: {  	v1 =	vmin.f32 v5, v1;
	p1 =	slt.u32 s21, $0x1C  }
0x78: {  	v1 =	vmin.f32 v1, v2  }
0x79: {  	v1 =	vmin.f32 v1, v3  }
0x7a: {  	v1 =	vmin.f32 v1, v4  }
0x7b: {  	[tilespmem:s20+$0x10] =	vst v1;
	s20 =	smov.u32 s19  }
0x7c: {  	v1 =	vld [tilespmem:s18+$0xFFFFFE10]  }
0x7d: {  	v2 =	vld [tilespmem:s18+$0xFFFFFE00]  }
0x7e: {  	v3 =	vld [tilespmem:s18+$0xFFFFFE20]  }
0x7f: {  	v4 =	vld [tilespmem:s18+$0xFFFFFE30]  }
0x80: {  	v5 =	vld [tilespmem:s18+$0xFFFFFE40]  }
0x81: {  	v6 =	vld [tilespmem:s18+$0xFFFFFE50]  }
0x82: {  	v1 =	vmin.f32 v2, v1;
	v2 =	vld [tilespmem:s18+$0xFFFFFE60]  }
0x83: {  	v1 =	vmin.f32 v1, v3;
	v3 =	vld [tilespmem:s18+$0xFFFFFE70]  }
0x84: {  	v1 =	vmin.f32 v1, v4;
	v4 =	vld [tilespmem:s18+$0xFFFFFE80]  }
0x85: {  	v1 =	vmin.f32 v1, v5;
	v5 =	vld [tilespmem:s18+$0xFFFFFE90]  }
0x86: {  	v1 =	vmin.f32 v1, v6;
	v6 =	vld [tilespmem:s18+$0xFFFFFEA0]  }
0x87: {  	v1 =	vmin.f32 v1, v2;
	v2 =	vld [tilespmem:s18+$0xFFFFFEB0]  }
0x88: {  	v1 =	vmin.f32 v1, v3;
	v3 =	vld [tilespmem:s18+$0xFFFFFEC0]  }
0x89: {  	v1 =	vmin.f32 v1, v4;
	v4 =	vld [tilespmem:s18+$0xFFFFFED0]  }
0x8a: {  	v1 =	vmin.f32 v1, v5;
	v5 =	vld [tilespmem:s18+$0xFFFFFEE0]  }
0x8b: {  	v1 =	vmin.f32 v1, v6;
	v6 =	vld [tilespmem:s18+$0xFFFFFEF0]  }
0x8c: {  	v1 =	vmin.f32 v1, v2  }
0x8d: {  	v1 =	vmin.f32 v1, v3  }
0x8e: {  	v1 =	vmin.f32 v1, v4  }
0x8f: {  	v1 =	vmin.f32 v1, v5  }
0x90: {  	v1 =	vmin.f32 v1, v6  }
0x91: {  	[tilespmem:s19+$0xFFFFFFE0] =	vst v1  }
0x92: {  	v1 =	vld [tilespmem:s18+$0xFFFFFF00]  }
0x93: {  	v2 =	vld [tilespmem:s18+$0xFFFFFF10]  }
0x94: {  	v3 =	vld [tilespmem:s18+$0xFFFFFF20]  }
0x95: {  	v4 =	vld [tilespmem:s18+$0xFFFFFF30]  }
0x96: {  	v5 =	vld [tilespmem:s18+$0xFFFFFF40]  }
0x97: {  	v6 =	vld [tilespmem:s18+$0xFFFFFF50]  }
0x98: {  	v1 =	vmin.f32 v1, v2;
	v2 =	vld [tilespmem:s18+$0xFFFFFF60]  }
0x99: {  	v1 =	vmin.f32 v1, v3;
	v3 =	vld [tilespmem:s18+$0xFFFFFF70]  }
0x9a: {  	v1 =	vmin.f32 v1, v4;
	v4 =	vld [tilespmem:s18+$0xFFFFFF80]  }
0x9b: {  	v1 =	vmin.f32 v1, v5;
	v5 =	vld [tilespmem:s18+$0xFFFFFF90]  }
0x9c: {  	v1 =	vmin.f32 v1, v6;
	v6 =	vld [tilespmem:s18+$0xFFFFFFA0]  }
0x9d: {  	v1 =	vmin.f32 v1, v2;
	v2 =	vld [tilespmem:s18+$0xFFFFFFB0]  }
0x9e: {  	v1 =	vmin.f32 v1, v3;
	v3 =	vld [tilespmem:s18+$0xFFFFFFC0]  }
0x9f: {  	v1 =	vmin.f32 v1, v4;
	v4 =	vld [tilespmem:s18+$0xFFFFFFD0]  }
0xa0: {  	v1 =	vmin.f32 v1, v5;
	v5 =	vld [tilespmem:s18+$0xFFFFFFE0]  }
0xa1: {  	v1 =	vmin.f32 v1, v6;
	v6 =	vld [tilespmem:s18+$0xFFFFFFF0]  }
0xa2: {  	v1 =	vmin.f32 v1, v2  }
0xa3: {  	v1 =	vmin.f32 v1, v3  }
0xa4: {  	v1 =	vmin.f32 v1, v4  }
0xa5: {  	v1 =	vmin.f32 v1, v5  }
0xa6: {  	v1 =	vmin.f32 v1, v6  }
0xa7: {  	[tilespmem:s19+$0xFFFFFFF0] =	vst v1  }
0xa8: {  	v1 =	vld [tilespmem:s18+$0x0]  }
0xa9: {  	v2 =	vld [tilespmem:s18+$0x10]  }
0xaa: {  	v3 =	vld [tilespmem:s18+$0x20]  }
0xab: {  	v4 =	vld [tilespmem:s18+$0x30]  }
0xac: {  	v5 =	vld [tilespmem:s18+$0x40]  }
0xad: {  	v6 =	vld [tilespmem:s18+$0x50]  }
0xae: {  	v1 =	vmin.f32 v1, v2;
	v2 =	vld [tilespmem:s18+$0x60]  }
0xaf: {  	v1 =	vmin.f32 v1, v3;
	v3 =	vld [tilespmem:s18+$0x70]  }
0xb0: {  	v1 =	vmin.f32 v1, v4;
	v4 =	vld [tilespmem:s18+$0x80]  }
0xb1: {  	v1 =	vmin.f32 v1, v5;
	v5 =	vld [tilespmem:s18+$0x90]  }
0xb2: {  	v1 =	vmin.f32 v1, v6;
	v6 =	vld [tilespmem:s18+$0xA0]  }
0xb3: {  	v1 =	vmin.f32 v1, v2;
	v2 =	vld [tilespmem:s18+$0xB0]  }
0xb4: {  	v1 =	vmin.f32 v1, v3;
	v3 =	vld [tilespmem:s18+$0xC0]  }
0xb5: {  	v1 =	vmin.f32 v1, v4;
	v4 =	vld [tilespmem:s18+$0xD0]  }
0xb6: {  	v1 =	vmin.f32 v1, v5;
	v5 =	vld [tilespmem:s18+$0xE0]  }
0xb7: {  	v1 =	vmin.f32 v1, v6;
	v6 =	vld [tilespmem:s18+$0xF0]  }
0xb8: {  	v1 =	vmin.f32 v1, v2  }
0xb9: {  	v1 =	vmin.f32 v1, v3  }
0xba: {  	v1 =	vmin.f32 v1, v4  }
0xbb: {  	v1 =	vmin.f32 v1, v5  }
0xbc: {  	v1 =	vmin.f32 v1, v6  }
0xbd: {  	[tilespmem:s19+$0x0] =	vst v1  }
0xbe: {  	v1 =	vld [tilespmem:s18+$0x100]  }
0xbf: {  	v2 =	vld [tilespmem:s18+$0x110]  }
0xc0: {  	v3 =	vld [tilespmem:s18+$0x120]  }
0xc1: {  	v4 =	vld [tilespmem:s18+$0x130]  }
0xc2: {  	v5 =	vld [tilespmem:s18+$0x140]  }
0xc3: {  	v6 =	vld [tilespmem:s18+$0x150]  }
0xc4: {  	v1 =	vmin.f32 v1, v2;
	v2 =	vld [tilespmem:s18+$0x160]  }
0xc5: {  	v1 =	vmin.f32 v1, v3;
	v3 =	vld [tilespmem:s18+$0x170]  }
0xc6: {  	v1 =	vmin.f32 v1, v4;
	v4 =	vld [tilespmem:s18+$0x180]  }
0xc7: {  	v1 =	vmin.f32 v1, v5;
	v5 =	vld [tilespmem:s18+$0x190]  }
0xc8: {  	v1 =	vmin.f32 v1, v6;
	v6 =	vld [tilespmem:s18+$0x1A0]  }
0xc9: {  	v1 =	vmin.f32 v1, v2;
	v7 =	vld [tilespmem:s18+$0x1B0]  }
.Ltmp0:
0xca: {  	v2 =	vmin.f32 v1, v3;
	v1 =	vld [tilespmem:s18+$0x1C0];
	(pc) =	sbr.rel @p1 .LBB2_3-.Ltmp0, $4  }
0xcb: {  	v3 =	vmin.f32 v2, v4;
	v2 =	vld [tilespmem:s18+$0x1D0]  }
0xcc: {  	v4 =	vmin.f32 v3, v5;
	v3 =	vld [tilespmem:s18+$0x1E0]  }
0xcd: {  	v5 =	vmin.f32 v4, v6;
	v4 =	vld [tilespmem:s18+$0x1F0]  }
0xce: {  	s17 =	simm.s32 $0x0;
	v5 =	vmin.f32 v5, v7  }
0xcf: {  	v1 =	vmin.f32 v5, v1  }
0xd0: {  	v1 =	vmin.f32 v1, v2  }
0xd1: {  	v1 =	vmin.f32 v1, v3  }
0xd2: {  	v1 =	vmin.f32 v1, v4  }
0xd3: {  	s18 =	simm.s32 $0x0;
	[tilespmem:s20+$0x10] =	vst v1  }
.LBB2_5:
0xd4: {  	s19 =	simm.s32 $0x4040  }
0xd5: {  	v4 =	vld [tilespmem:s19+$0x10]  }
0xd6: {  	v2 =	vld [tilespmem:s19+$0xFFFFFFC0]  }
0xd7: {  	v3 =	vld [tilespmem:s19+$0xFFFFFFD0]  }
0xd8: {  	v5 =	vld [tilespmem:s19+$0xFFFFFFE0]  }
0xd9: {  	v6 =	vld [tilespmem:s19+$0xFFFFFFF0]  }
0xda: {  	v7 =	vimm.f32 $+Inf;
	s20 =	simm.s32 $0x40C0;
	v8 =	vld [tilespmem:s19+$0x0]  }
0xdb: {  	v9 =	vimm.s32 $0x40000000;
	v1 =	vld [tilespmem:s20+$0x10];
	vm0 =	vlt.f32 v2, v7;
	v2 =	vmin.f32 v7, v2  }
0xdc: {  	s21 =	simm.s32 $0x1;
	v7 =	vsel vm0, s17, v9;
	vm0 =	vlt.f32 v3, v2;
	v2 =	vmin.f32 v2, v3;
	v9 =	vld [tilespmem:s19+$0x20]  }
0xdd: {  	s28 =	simm.s32 $0x2;
	v10 =	vld [tilespmem:s19+$0x30];
	v3 =	vsel vm0, s21, v7;
	vm0 =	vlt.f32 v5, v2;
	v2 =	vmin.f32 v2, v5  }
0xde: {  	s29 =	simm.s32 $0x3;
	v5 =	vld [tilespmem:s20+$0xFFFFFFC0];
	v3 =	vsel vm0, s28, v3;
	vm0 =	vlt.f32 v6, v2;
	v6 =	vmin.f32 v2, v6  }
0xdf: {  	s30 =	simm.s32 $0x4;
	v2 =	vld [tilespmem:s20+$0xFFFFFFD0];
	v7 =	vsel vm0, s29, v3;
	vm0 =	vlt.f32 v8, v6;
	v6 =	vmin.f32 v6, v8  }
0xe0: {  	s31 =	simm.s32 $0x5;
	v3 =	vld [tilespmem:s20+$0xFFFFFFE0];
	v7 =	vsel vm0, s30, v7;
	vm0 =	vlt.f32 v4, v6;
	v6 =	vmin.f32 v6, v4  }
0xe1: {  	s23 =	simm.s32 $0x6;
	s22 =	simm.s32 $0x4140;
	v4 =	vld [tilespmem:s20+$0xFFFFFFF0];
	v7 =	vsel vm0, s31, v7;
	vm0 =	vlt.f32 v9, v6;
	v8 =	vmin.f32 v6, v9  }
0xe2: {  	s19 =	simm.s32 $0x8;
	s21 =	simm.s32 $0x10;
	v6 =	vld [tilespmem:s20+$0x0];
	v7 =	vsel vm0, s23, v7;
	vm0 =	vlt.f32 v10, v8;
	s23 =	simm.s32 $0x7;
	v8 =	vmin.f32 v8, v10  }
.LBB2_6:
0xe3: {  	v9 =	vld [tilespmem:s22+$0x10];
	p1 =	slt.u32 s21, $0x18;
	vm1 =	vlt.f32 v5, v8;
	v5 =	vmin.f32 v8, v5;
	v7 =	vsel vm0, s23, v7;
	s24 =	smov.u32 s21;
	s21 =	sadd.s32 $0x8, s21  }
0xe4: {  	s23 =	sadd.s32 $0x1, s19;
	v7 =	vsel vm1, s19, v7;
	vm0 =	vlt.f32 v2, v5;
	v2 =	vmin.f32 v5, v2;
	v8 =	vld [tilespmem:s20+$0x20]  }
0xe5: {  	v7 =	vsel vm0, s23, v7;
	vm0 =	vlt.f32 v3, v2;
	s23 =	sadd.s32 $0x2, s19;
	v2 =	vmin.f32 v2, v3;
	v10 =	vld [tilespmem:s20+$0x30];
	s20 =	smov.u32 s22  }
.Ltmp1:
0xe6: {  	v5 =	vld [tilespmem:s22+$0xFFFFFFC0];
	v3 =	vsel vm0, s23, v7;
	vm0 =	vlt.f32 v4, v2;
	s23 =	sadd.s32 $0x3, s19;
	v4 =	vmin.f32 v2, v4;
	(pc) =	sbr.rel @p1 .LBB2_6-.Ltmp1, $4  }
0xe7: {  	v2 =	vld [tilespmem:s22+$0xFFFFFFD0];
	v7 =	vsel vm0, s23, v3;
	vm0 =	vlt.f32 v6, v4;
	s23 =	sadd.s32 $0x4, s19;
	v4 =	vmin.f32 v4, v6  }
0xe8: {  	v3 =	vld [tilespmem:s22+$0xFFFFFFE0];
	v6 =	vsel vm0, s23, v7;
	vm0 =	vlt.f32 v1, v4;
	s23 =	sadd.s32 $0x5, s19;
	v7 =	vmin.f32 v4, v1;
	v1 =	vmovc v9  }
0xe9: {  	v4 =	vld [tilespmem:s22+$0xFFFFFFF0];
	v9 =	vsel vm0, s23, v6;
	vm0 =	vlt.f32 v8, v7;
	s23 =	sadd.s32 $0x6, s19;
	v8 =	vmin.f32 v7, v8  }
0xea: {  	s22 =	sadd.s32 $0x80, s22;
	v6 =	vld [tilespmem:s20+$0x0];
	v7 =	vsel vm0, s23, v9;
	vm0 =	vlt.f32 v10, v8;
	s23 =	sadd.s32 $0x7, s19;
	v8 =	vmin.f32 v8, v10;
	s19 =	smov.u32 s24  }
0xeb: {  	v9 =	vmin.f32 v8, v5  }
0xec: {  	v11 =	vld [tilespmem:s20+$0x20];
	v10 =	vmin.f32 v9, v2  }
0xed: {  	v13 =	vld [tilespmem:s20+$0x30];
	v12 =	vmin.f32 v10, v3  }
0xee: {  	v14 =	vmin.f32 v12, v4  }
0xef: {  	v15 =	vmin.f32 v14, v6  }
0xf0: {  	v16 =	vmin.f32 v15, v1  }
0xf1: {  	v17 =	vmin.f32 v16, v11  }
0xf2: {  	v18 =	vmin.f32 v17, v13  }
0xf3: {  	(v2sf) =	vpush v18, $0x0  }
0xf4: {  	(v2sf) =	vpush v18, $0x1  }
0xf5: {  	(v2sf) =	vpush v18, $0x2  }
0xf6: {  	(v2sf) =	vpush v18, $0x3  }
0xf7: {  	(v2sf) =	vpush v18, $0x4  }
0xf8: {  	(v2sf) =	vpush v18, $0x5  }
0xf9: {  	(v2sf) =	vpush v18, $0x6  }
0xfa: {  	(v2sf) =	vpush v18, $0x7  }
0xfb: {  	(v2sf) =	vpush v18, $0x8  }
0xfc: {  	(v2sf) =	vpush v18, $0x9  }
0xfd: {  	(v2sf) =	vpush v18, $0xA  }
0xfe: {  	(v2sf) =	vpush v18, $0xB  }
0xff: {  	(v2sf) =	vpush v18, $0xC  }
0x100: {  	(v2sf) =	vpush v18, $0xD  }
0x101: {  	(v2sf) =	vpush v18, $0xE  }
0x102: {  	s20 =	spop (v2sf);
	(v2sf) =	vpush v18, $0xF  }
0x103: {  	s21 =	spop (v2sf)  }
0x104: {  	s22 =	spop (v2sf)  }
0x105: {  	s24 =	spop (v2sf)  }
0x106: {  	s25 =	spop (v2sf)  }
0x107: {  	s26 =	spop (v2sf)  }
0x108: {  	s28 =	spop (v2sf)  }
0x109: {  	s29 =	spop (v2sf)  }
0x10a: {  	s20 =	smin.f32 s20, s21;
	s30 =	spop (v2sf)  }
0x10b: {  	v7 =	vsel vm0, s23, v7;
	s23 =	smin.f32 s22, s24;
	s31 =	spop (v2sf)  }
0x10c: {  	s22 =	smin.f32 s20, s23;
	s0 =	spop (v2sf)  }
0x10d: {  	s26 =	smin.f32 s25, s26;
	s1 =	spop (v2sf)  }
0x10e: {  	vm13 =	vlt.f32 v5, v8;
	s28 =	smin.f32 s28, s29;
	s9 =	spop (v2sf)  }
0x10f: {  	v5 =	vsel vm13, s19, v7;
	vm14 =	vlt.f32 v2, v9;
	s24 =	sadd.s32 $0x1, s19;
	s23 =	smin.f32 s26, s28;
	s10 =	spop (v2sf)  }
0x110: {  	vm15 =	vlt.f32 v3, v10;
	v2 =	vsel vm14, s24, v5;
	s29 =	sadd.s32 $0x2, s19;
	s30 =	smin.f32 s30, s31;
	s6 =	spop (v2sf)  }
0x111: {  	vm4 =	vlt.f32 v4, v12;
	v2 =	vsel vm15, s29, v2;
	s31 =	sadd.s32 $0x3, s19;
	s0 =	smin.f32 s0, s1;
	s8 =	spop (v2sf)  }
0x112: {  	vm5 =	vlt.f32 v6, v14;
	v2 =	vsel vm4, s31, v2;
	s9 =	smin.f32 s9, s10;
	s10 =	sadd.s32 $0x4, s19;
	s6 =	smin.f32 s6, s8  }
0x113: {  	vm6 =	vlt.f32 v1, v15;
	s24 =	sadd.s32 $0x5, s19;
	s0 =	smin.f32 s30, s0;
	v2 =	vsel vm5, s10, v2;
	s6 =	smin.f32 s9, s6  }
0x114: {  	vm7 =	vlt.f32 v11, v16;
	s25 =	sadd.s32 $0x6, s19;
	v1 =	vsel vm6, s24, v2;
	s8 =	smin.f32 s22, s23;
	s0 =	smin.f32 s0, s6  }
0x115: {  	vm8 =	vlt.f32 v13, v17;
	s26 =	sadd.s32 $0x7, s19;
	v1 =	vsel vm7, s25, v1;
	s20 =	smin.f32 s8, s0  }
0x116: {  	v1 =	vsel vm8, s26, v1;
	vm9 =	veq.f32 v18, s20  }
0x117: {  	v1 =	vnsel vm9, $0x40000000, v1  }
0x118: {  	(v2sf) =	vpush v1, $0x0  }
0x119: {  	(v2sf) =	vpush v1, $0x1  }
0x11a: {  	(v2sf) =	vpush v1, $0x2  }
0x11b: {  	(v2sf) =	vpush v1, $0x3  }
0x11c: {  	(v2sf) =	vpush v1, $0x4  }
0x11d: {  	(v2sf) =	vpush v1, $0x5  }
0x11e: {  	(v2sf) =	vpush v1, $0x6  }
0x11f: {  	(v2sf) =	vpush v1, $0x7  }
0x120: {  	(v2sf) =	vpush v1, $0x8  }
0x121: {  	(v2sf) =	vpush v1, $0x9  }
0x122: {  	(v2sf) =	vpush v1, $0xA  }
0x123: {  	(v2sf) =	vpush v1, $0xB  }
0x124: {  	(v2sf) =	vpush v1, $0xC  }
0x125: {  	(v2sf) =	vpush v1, $0xD  }
0x126: {  	(v2sf) =	vpush v1, $0xE  }
0x127: {  	s0 =	spop (v2sf);
	(v2sf) =	vpush v1, $0xF  }
0x128: {  	s1 =	spop (v2sf)  }
0x129: {  	s6 =	spop (v2sf)  }
0x12a: {  	s8 =	spop (v2sf)  }
0x12b: {  	s9 =	spop (v2sf)  }
0x12c: {  	s10 =	spop (v2sf)  }
0x12d: {  	s21 =	spop (v2sf)  }
0x12e: {  	s22 =	spop (v2sf)  }
0x12f: {  	s23 =	spop (v2sf)  }
0x130: {  	p1 =	slt.s32 s0, s1;
	s24 =	spop (v2sf)  }
0x131: {  	s1 =	smov.u32 @p1 s0;
	p1 =	slt.s32 s6, s8;
	s25 =	spop (v2sf)  }
0x132: {  	s8 =	smov.u32 @p1 s6;
	p2 =	slt.s32 s9, s10;
	s26 =	spop (v2sf)  }
0x133: {  	s10 =	smov.u32 @p2 s9;
	p1 =	slt.s32 s21, s22;
	s28 =	spop (v2sf)  }
0x134: {  	s22 =	smov.u32 @p1 s21;
	p1 =	slt.s32 s23, s24;
	s29 =	spop (v2sf)  }
0x135: {  	s24 =	smov.u32 @p1 s23;
	p2 =	slt.s32 s25, s26;
	s30 =	spop (v2sf)  }
0x136: {  	s26 =	smov.u32 @p2 s25;
	p1 =	slt.s32 s28, s29;
	s19 =	spop (v2sf)  }
0x137: {  	p2 =	slt.s32 s1, s8;
	s29 =	smov.u32 @p1 s28;
	p1 =	slt.s32 s30, s19  }
0x138: {  	s8 =	smov.u32 @p2 s1;
	s19 =	smov.u32 @p1 s30;
	p1 =	slt.s32 s10, s22  }
0x139: {  	s22 =	smov.u32 @p1 s10;
	p1 =	slt.s32 s24, s26;
	p2 =	slt.s32 s29, s19  }
0x13a: {  	s26 =	smov.u32 @p1 s24;
	s19 =	smov.u32 @p2 s29  }
0x13b: {  	p1 =	slt.s32 s8, s22;
	p2 =	slt.s32 s26, s19  }
0x13c: {  	s22 =	smov.u32 @p1 s8;
	s19 =	smov.u32 @p2 s26  }
0x13d: {  	p1 =	slt.s32 s22, s19  }
0x13e: {  	s19 =	smov.u32 @p1 s22  }
0x13f: {  	s21 =	sshll.u32 s19, $0x8  }
0x140: {  	s28 =	sadd.s32 s21, s16  }
0x141: {  	s29 =	sor.u32 $0x10, s21;
	v1 =	vld [tilespmem:s28+$0x0]  }
0x142: {  	s31 =	sor.u32 $0x20, s21;
	s30 =	sadd.s32 s29, s16  }
0x143: {  	s8 =	sadd.s32 s31, s16;
	v28 =	vld [tilespmem:s30+$0x0]  }
0x144: {  	v3 =	vor.u32 s21, v0;
	s9 =	sor.u32 $0x30, s21;
	v2 =	vld [tilespmem:s8+$0x0]  }
0x145: {  	vm10 =	vlt.s32 v3, $0x40000000;
	s10 =	sadd.s32 s9, s16  }
0x146: {  	s22 =	sor.u32 $0x40, s21;
	v29 =	vnsel vm10, $0x40000000, v3;
	v3 =	vld [tilespmem:s10+$0x0];
	vm1 =	veq.f32 v1, s20  }
0x147: {  	v31 =	vor.u32 s29, v0;
	s23 =	sadd.s32 s22, s16;
	v30 =	vnsel vm1, $0x40000000, v29  }
0x148: {  	s24 =	sor.u32 $0x50, s21;
	v33 =	vor.u32 s31, v0;
	v32 =	vld [tilespmem:s23+$0x0];
	vm1 =	vlt.s32 v30, v31  }
0x149: {  	s25 =	sadd.s32 s24, s16;
	vm11 =	veq.f32 v28, s20;
	vm12 =	veq.f32 v2, s20;
	v7 =	vsel vm1, v30, v31  }
0x14a: {  	s26 =	sor.u32 $0x60, s21;
	v34 =	vld [tilespmem:s25+$0x0];
	v8 =	vnsel vm12, $0x40000000, v33;
	v7 =	vsel vm11, v7, v30  }
0x14b: {  	v35 =	vor.u32 s9, v0;
	s28 =	sadd.s32 s26, s16;
	vm13 =	veq.f32 v3, s20;
	vm0 =	vlt.s32 v7, v8  }
0x14c: {  	s29 =	sor.u32 $0x70, s21;
	v36 =	vld [tilespmem:s28+$0x0];
	v9 =	vnsel vm13, $0x40000000, v35;
	v8 =	vsel vm0, v7, v8  }
0x14d: {  	v37 =	vor.u32 s22, v0;
	s30 =	sadd.s32 s29, s16;
	vm14 =	veq.f32 v32, s20;
	vm0 =	vlt.s32 v8, v9  }
0x14e: {  	s31 =	sor.u32 $0x80, s21;
	v38 =	vld [tilespmem:s30+$0x0];
	v10 =	vnsel vm14, $0x40000000, v37;
	v9 =	vsel vm0, v8, v9  }
0x14f: {  	v39 =	vor.u32 s24, v0;
	s9 =	sadd.s32 s31, s16;
	vm15 =	veq.f32 v34, s20;
	vm0 =	vlt.s32 v9, v10  }
0x150: {  	s10 =	sor.u32 $0x90, s21;
	v40 =	vld [tilespmem:s9+$0x0];
	v11 =	vnsel vm15, $0x40000000, v39;
	v10 =	vsel vm0, v9, v10  }
0x151: {  	v41 =	vor.u32 s26, v0;
	s22 =	sadd.s32 s10, s16;
	vm4 =	veq.f32 v36, s20;
	vm0 =	vlt.s32 v10, v11  }
0x152: {  	s23 =	sor.u32 $0xA0, s21;
	v42 =	vld [tilespmem:s22+$0x0];
	v12 =	vnsel vm4, $0x40000000, v41;
	v11 =	vsel vm0, v10, v11  }
0x153: {  	v43 =	vor.u32 s29, v0;
	s24 =	sadd.s32 s23, s16;
	vm5 =	veq.f32 v38, s20;
	vm0 =	vlt.s32 v11, v12  }
0x154: {  	s25 =	sor.u32 $0xB0, s21;
	v44 =	vld [tilespmem:s24+$0x0];
	v13 =	vnsel vm5, $0x40000000, v43;
	v12 =	vsel vm0, v11, v12  }
0x155: {  	v45 =	vor.u32 s31, v0;
	s26 =	sadd.s32 s25, s16;
	vm6 =	veq.f32 v40, s20;
	vm0 =	vlt.s32 v12, v13  }
0x156: {  	s28 =	sor.u32 $0xC0, s21;
	v46 =	vld [tilespmem:s26+$0x0];
	v14 =	vnsel vm6, $0x40000000, v45;
	v13 =	vsel vm0, v12, v13  }
0x157: {  	v47 =	vor.u32 s10, v0;
	s29 =	sadd.s32 s28, s16;
	vm7 =	veq.f32 v42, s20;
	vm0 =	vlt.s32 v13, v14  }
0x158: {  	s30 =	sor.u32 $0xD0, s21;
	v48 =	vld [tilespmem:s29+$0x0];
	v15 =	vnsel vm7, $0x40000000, v47;
	v14 =	vsel vm0, v13, v14  }
0x159: {  	v49 =	vor.u32 s23, v0;
	s31 =	sadd.s32 s30, s16;
	vm8 =	veq.f32 v44, s20;
	vm0 =	vlt.s32 v14, v15  }
0x15a: {  	s9 =	sor.u32 $0xE0, s21;
	v50 =	vld [tilespmem:s31+$0x0];
	v16 =	vnsel vm8, $0x40000000, v49;
	v15 =	vsel vm0, v14, v15  }
0x15b: {  	v51 =	vor.u32 s25, v0;
	s10 =	sadd.s32 s9, s16;
	vm9 =	veq.f32 v46, s20;
	vm0 =	vlt.s32 v15, v16  }
0x15c: {  	s21 =	sor.u32 $0xF0, s21;
	v52 =	vld [tilespmem:s10+$0x0];
	v17 =	vnsel vm9, $0x40000000, v51;
	v16 =	vsel vm0, v15, v16  }
0x15d: {  	v53 =	vor.u32 s28, v0;
	s22 =	sadd.s32 s21, s16;
	vm10 =	veq.f32 v48, s20;
	vm0 =	vlt.s32 v16, v17  }
0x15e: {  	v54 =	vld [tilespmem:s22+$0x0];
	v18 =	vnsel vm10, $0x40000000, v53;
	v17 =	vsel vm0, v16, v17  }
0x15f: {  	v19 =	vor.u32 s30, v0;
	vm11 =	veq.f32 v50, s20;
	vm0 =	vlt.s32 v17, v18  }
0x160: {  	v55 =	vnsel vm11, $0x40000000, v19;
	v17 =	vsel vm0, v17, v18  }
0x161: {  	v56 =	vor.u32 s9, v0;
	vm12 =	veq.f32 v52, s20;
	vm0 =	vlt.s32 v17, v55  }
0x162: {  	v57 =	vnsel vm12, $0x40000000, v56;
	v17 =	vsel vm0, v17, v55  }
0x163: {  	v58 =	vor.u32 s21, v0;
	vm13 =	veq.f32 v54, s20;
	vm0 =	vlt.s32 v17, v57  }
0x164: {  	v59 =	vnsel vm13, $0x40000000, v58;
	v17 =	vsel vm0, v17, v57  }
0x165: {  	vm0 =	vlt.s32 v17, v59  }
0x166: {  	v17 =	vsel vm0, v17, v59  }
0x167: {  	(v2sf) =	vpush v17, $0x0  }
0x168: {  	(v2sf) =	vpush v17, $0x1  }
0x169: {  	(v2sf) =	vpush v17, $0x2  }
0x16a: {  	(v2sf) =	vpush v17, $0x3  }
0x16b: {  	(v2sf) =	vpush v17, $0x4  }
0x16c: {  	(v2sf) =	vpush v17, $0x5  }
0x16d: {  	(v2sf) =	vpush v17, $0x6  }
0x16e: {  	(v2sf) =	vpush v17, $0x7  }
0x16f: {  	(v2sf) =	vpush v17, $0x8  }
0x170: {  	(v2sf) =	vpush v17, $0x9  }
0x171: {  	(v2sf) =	vpush v17, $0xA  }
0x172: {  	(v2sf) =	vpush v17, $0xB  }
0x173: {  	(v2sf) =	vpush v17, $0xC  }
0x174: {  	(v2sf) =	vpush v17, $0xD  }
0x175: {  	(v2sf) =	vpush v17, $0xE  }
0x176: {  	s0 =	spop (v2sf);
	(v2sf) =	vpush v17, $0xF  }
0x177: {  	s1 =	spop (v2sf)  }
0x178: {  	s6 =	spop (v2sf)  }
0x179: {  	s8 =	spop (v2sf)  }
0x17a: {  	s9 =	spop (v2sf)  }
0x17b: {  	s10 =	spop (v2sf)  }
0x17c: {  	s21 =	spop (v2sf)  }
0x17d: {  	s22 =	spop (v2sf)  }
0x17e: {  	s23 =	spop (v2sf)  }
0x17f: {  	p1 =	slt.s32 s0, s1;
	s24 =	spop (v2sf)  }
0x180: {  	s1 =	smov.u32 @p1 s0;
	p1 =	slt.s32 s6, s8;
	s25 =	spop (v2sf)  }
0x181: {  	s8 =	smov.u32 @p1 s6;
	p2 =	slt.s32 s9, s10;
	s26 =	spop (v2sf)  }
0x182: {  	s10 =	smov.u32 @p2 s9;
	p1 =	slt.s32 s21, s22;
	s28 =	spop (v2sf)  }
0x183: {  	s22 =	smov.u32 @p1 s21;
	p1 =	slt.s32 s23, s24;
	s29 =	spop (v2sf)  }
0x184: {  	s24 =	smov.u32 @p1 s23;
	p2 =	slt.s32 s25, s26;
	s30 =	spop (v2sf)  }
0x185: {  	s26 =	smov.u32 @p2 s25;
	p1 =	slt.s32 s28, s29;
	s20 =	spop (v2sf)  }
0x186: {  	v60 =	vmax.f32 v1, v28;
	v5 =	vmin.f32 v1, v28;
	v1 =	vmax.f32 v1, $+Inf;
	p2 =	slt.s32 s1, s8;
	s29 =	smov.u32 @p1 s28;
	p1 =	slt.s32 s30, s20  }
0x187: {  	v1 =	vmin.f32 v1, v60;
	v61 =	vmax.f32 v5, v2;
	v2 =	vmin.f32 v5, v2;
	s8 =	smov.u32 @p2 s1;
	s20 =	smov.u32 @p1 s30;
	p1 =	slt.s32 s10, s22  }
0x188: {  	v1 =	vmin.f32 v1, v61;
	v5 =	vmax.f32 v2, v3;
	v2 =	vmin.f32 v2, v3;
	s22 =	smov.u32 @p1 s10;
	p1 =	slt.s32 s24, s26;
	p2 =	slt.s32 s29, s20  }
0x189: {  	v1 =	vmin.f32 v1, v5;
	v3 =	vmax.f32 v2, v32;
	v2 =	vmin.f32 v2, v32;
	s26 =	smov.u32 @p1 s24;
	s20 =	smov.u32 @p2 s29  }
0x18a: {  	v1 =	vmin.f32 v1, v3;
	v3 =	vmax.f32 v2, v34;
	v2 =	vmin.f32 v2, v34;
	p1 =	slt.s32 s8, s22;
	p2 =	slt.s32 s26, s20  }
0x18b: {  	v1 =	vmin.f32 v1, v3;
	v3 =	vmax.f32 v2, v36;
	v2 =	vmin.f32 v2, v36;
	s22 =	smov.u32 @p1 s8;
	s20 =	smov.u32 @p2 s26  }
0x18c: {  	v1 =	vmin.f32 v1, v3;
	v3 =	vmax.f32 v2, v38;
	v2 =	vmin.f32 v2, v38;
	p1 =	slt.s32 s22, s20  }
0x18d: {  	v1 =	vmin.f32 v1, v3;
	v3 =	vmax.f32 v2, v40;
	v2 =	vmin.f32 v2, v40;
	s20 =	smov.u32 @p1 s22  }
0x18e: {  	v1 =	vmin.f32 v1, v3;
	v3 =	vmax.f32 v2, v42;
	v2 =	vmin.f32 v2, v42;
	s23 =	sadd.s32 s16, s20  }
0x18f: {  	v1 =	vmin.f32 v1, v3;
	v3 =	vmax.f32 v2, v44;
	v2 =	vmin.f32 v2, v44;
	s24 =	sand.u32 $0x70, s20;
	s0 =	sand.u32 $0xFFFFFF80, s23  }
0x190: {  	v1 =	vmin.f32 v1, v3;
	v3 =	vmax.f32 v2, v46;
	v2 =	vmin.f32 v2, v46;
	s0 =	sor.u32 s24, s0  }
0x191: {  	v1 =	vmin.f32 v1, v3;
	v3 =	vmax.f32 v2, v48;
	v2 =	vmin.f32 v2, v48;
	v62 =	vld [tilespmem:s0+$0x0]  }
0x192: {  	v1 =	vmin.f32 v1, v3;
	v3 =	vmax.f32 v2, v50  }
0x193: {  	v2 =	vmin.f32 v2, v50;
	v1 =	vmin.f32 v1, v3;
	s25 =	sand.u32 $0xF, s20  }
0x194: {  	v3 =	vmax.f32 v2, v52;
	v2 =	vmin.f32 v2, v52;
	v63 =	vmov s25  }
0x195: {  	v1 =	vmin.f32 v1, v3;
	v3 =	vmax.f32 v2, v54;
	vm14 =	veq.s32 v63, v0  }
0x196: {  	v2 =	vmin.f32 v2, v54;
	v1 =	vmin.f32 v1, v3;
	s26 =	sshll.u32 s19, $0x6;
	v3 =	vsel vm14, $0x7F800000, v62  }
0x197: {  	s28 =	sshra.s32 s26, $0x2;
	v1 =	vsel vm14, v1, v2;
	[tilespmem:s0+$0x0] =	vst v3  }
0x198: {  	s29 =	sand.u32 $0x10, s18;
	[tilespmem:s28+$0x4000] =	vst v1  }
0x199: {  	s30 =	sand.u32 $0xF, s18;
	s18 =	sadd.s32 $0x1, s18;
	v1 =	vld [tilespmem:s29+$0x4200]  }
0x19a: {  	p1 =	sne.s32 s18, $0x20  }
.Ltmp2:
0x19b: {  	_ = 	snop;
	(pc) =	sbr.rel @p1 .LBB2_5-.Ltmp2, $4  }
0x19c: {  	v2 =	vmov s30  }
0x19d: {  	s31 =	sadd.s32 s7, s20;
	vm15 =	veq.s32 v2, v0  }
0x19e: {  	v1 =	vsel vm15, s31, v1  }
0x19f: {  	[tilespmem:s29+$0x4200] =	vst v1  }
0x1a0: {  	s0 =	sshll.u32 s14, $0x2;
	p1 =	sne.s32 s15, $0x100  }
.Ltmp3:
0x1a1: {  	s0 =	sadd.s32 s4, s0;
	(pc) =	sbr.rel @p1 .LBB2_2-.Ltmp3, $4  }
0x1a2: {  	[hbm4b:s0+s2] =	stream.linear.scatter [tilespmem:s11], [sflag:$0x3], $0x20, $0x38;
	[tilespmem:$0x4280] =	vst v63  }
0x1a3: {  	_ =	swait.ge [sflag:s12], $0x20  }
0x1a4: {  	[sflag:s12] =	ssyncset.done $0x0  }
0x1a5: {  	p0 =	por !p0, !p0;
	[sflag:s12] =	ssyncadd.s32 $0xFFFFFFE0  }
0x1a6: {  	s13 =	sadd.s32 $0x1, s13;
	s0 =	rddreg [dreg:$0x3]  }
0x1a7: {  	p0 =	sne.s32 s13, s0  }
.Ltmp4:
0x1a8: {  	_ = 	snop;
	(pc) =	sbr.rel @p0 .LBB2_1-.Ltmp4, $1  }
0x1a9: {  	_ =	sdelay $0x3  }
0x1aa: {  	_ =	sfence.sel $0x180000  }
0x1ab: {  	[bflag:$0x0] =	sbarrier.arrive $0xFFFF  }
0x1ac: {  	_ =	strace $0x90000047  }
0x1ad: {  	s0 =	stileid.u32;
	[bflag:$0x2] =	sbarrier.arrive $0xFFFF  }
0x1ae: {  	p0 =	sne.s32 s0, $0x0;
	s0 =	rddreg [dreg:$0x1]  }
0x1af: {  	s0 =	sadd.s32 @!p0 $0x100000, s0  }
0x1b0: {  	[sflag:s0] =	ssyncadd.tile.s32 @!p0 $0x1;
	_ =	shalt  }
.Lfunc_end2:
_tile_overlayer_lowered:
.L_overlay_start_2:
0x1b1: {  	(tag) =	ssettag $0x2  }
0x1b2: {  	s0 =	rddreg [dreg:$0x0];
	s2 =	stileid.u32  }
0x1b3: {  	s1 =	rddreg [dreg:$0x1];
	p0 =	sne.s32 s2, $0x0  }
0x1b4: {  	s3 =	rddreg [dreg:$0x2];
	[bflag:$0x3] =	sbarrier.arrive $0xFFFF;
	s2 =	simm.s32 @!p0 $0x1C03  }
0x1b5: {  	[timem:s3], [sflag:s2] =	dma.local @!p0 [hbm:s0], s1  }
0x1b6: {  	s0 =	simm.s32 @!p0 $0x3  }
0x1b7: {  	_ =	swait.ge @!p0 [sflag:s0], s1  }
0x1b8: {  	s1 =	ssub.s32 @!p0 $0x0, s1;
	[sflag:s0] =	ssyncset.done @!p0 $0x0  }
0x1b9: {  	[sflag:s0] =	ssyncadd.s32 @!p0 s1  }
0x1ba: {  	[bflag:$0x3] =	sbarrier.arrive $0xFFFF  }
0x1bb: {  	_ =	shalt  }

// kernel: sparse-core-data-format-call.cloned.1.call-start
scs
called_computation_lowered:
.L_overlay_start_0:
0x0: {  	s2 =	sld [smem:$0x3FD9]  }
0x1: {  	s3 =	sld [smem:$0x3FFE];
	_ =	sdelay $0x1  }
0x2: {  	s1 =	srdreg.scid  }
0x3: {  	s0 =	sand.u32 $0x1, s1  }
0x4: {  	s18 =	sshll.u32 s0, $0xA;
	s2 =	sadd.s32 s3, s2  }
0x5: {  	s2 =	sadd.s32 s2, s18  }
0x6: {  	[smem:$0x3FC5] =	sst s2  }
0x7: {  	_ = 	snop  }
0x8: {  	s2 =	sld [smem:$0x3FD0];
	(tm) =	ssettm $0x1  }
0x9: {  	s19 =	sld [smem:$0x3FFB];
	_ =	sdelay $0x3  }
0xa: {  	_ =	strace s19  }
0xb: {  	s3 =	sld [smem:$0x3FFC];
	_ =	sdelay $0x3  }
0xc: {  	_ =	strace s3  }
0xd: {  	s3 =	sld [smem:$0x3FFD];
	_ =	sdelay $0x3  }
0xe: {  	_ =	strace s3  }
0xf: {  	_ =	strace $0x8FFFFFFF  }
0x10: {  	s20 =	sld [smem:$0x3FDB];
	_ =	sdelay $0x1  }
0x11: {  	s4 =	simm.s32 $_scs_section_size  }
0x12: {  	s5 =	simm.s32 $_size__tile_overlayer_lowered;
	s6 =	simm.s32 $_tile_overlayer_lowered  }
0x13: {  	s23 =	simm.s32 $0x1BFF;
	s22 =	sshll.u32 s6, $0x1;
	s3 =	sadd.s32 s4, s20  }
0x14: {  	s7 =	simm.s32 $0x0;
	s21 =	sshll.u32 s5, $0x1;
	s5 =	sadd.s32 s22, s3  }
0x15: {  	[timem:s7], [sflag:s23] =	dma.local [hbm:s5], s21  }
0x16: {  	_ =	swait.ge [sflag:s23], s21  }
0x17: {  	s4 =	ssub.s32 $0x0, s21;
	[sflag:s23] =	ssyncset.done $0x0  }
0x18: {  	[sflag:s23] =	ssyncadd.s32 s4;
	_ =	sdelay $0x1  }
0x19: {  	s24 =	simm.s32 $0x1B8B  }
0x1a: {  	_ =	swait.ge [sflag:s24], $0x1  }
0x1b: {  	[sflag:s24] =	ssyncset.done $0x0  }
0x1c: {  	s26 =	simm.s32 $0x1B8E;
	s25 =	sld [smem:$0x3FFE];
	[sflag:s24] =	ssyncadd.s32 $0xFFFFFFFF  }
0x1d: {  	s27 =	simm.s32 $execute0_lowered;
	[smem:$0x3FD2] =	sst s26  }
0x1e: {  	s5 =	sshll.u32 s27, $0x1;
	_ =	strace $0x8000004C;
	[dreg:$0x1] =	wrdreg $0xFFFFFFFF  }
0x1f: {  	s28 =	simm.s32 $_size_execute0_lowered;
	s3 =	sadd.s32 s3, s5;
	[dreg:$0x0] =	wrdreg $0x0  }
0x20: {  	s5 =	sshll.u32 s28, $0x1;
	[dreg:$0x2] =	wrdreg s3  }
0x21: {  	[dreg:$0x3] =	wrdreg s5  }
0x22: {  	[dreg:$0x4] =	wrdreg $0xC0  }
0x23: {  	_ =	task [dreg:s7], $0x5FFFF  }
0x24: {  	[dreg:$0x1] =	wrdreg $0xFFFFFFFF  }
0x25: {  	[dreg:$0x0] =	wrdreg $0x60  }
0x26: {  	[dreg:$0x2] =	wrdreg s25  }
0x27: {  	[dreg:$0x3] =	wrdreg s2  }
0x28: {  	[dreg:$0x4] =	wrdreg $0x9  }
0x29: {  	_ =	task.clear_ibuf [dreg:s7], $0x5FFFF;
	_ =	strace $0x9000004C  }
0x2a: {  	s29 =	simm.s32 $0x9;
	_ =	strace $0x8000004E  }
0x2b: {  	_ =	swait.ge [sflag:s29], $0x1  }
0x2c: {  	[sflag:s29] =	ssyncadd.s32 $0xFFFFFFFF  }
0x2d: {  	_ =	strace $0x9000004E  }
0x2e: {  	_ =	sfence  }
0x2f: {  	s30 =	sld [smem:$0x0];
	_ =	sdelay $0x2  }
0x30: {  	s31 =	sshll.u32 s1, $0xD;
	s1 =	sshrl.u32 s1, $0x2  }
0x31: {  	s3 =	sand.u32 $0x4000, s31;
	s1 =	sadd.s32 s1, s30  }
0x32: {  	s0 =	sor.u32 s3, s0;
	s1 =	sshll.u32 s1, $0x11  }
0x33: {  	s0 =	sor.u32 s1, s0  }
0x34: {  	s0 =	sadd.s32 $0x8F2B, s0  }
0x35: {  	[sflag:s0] =	ssyncadd.remote.s32 $0x1  }
0x36: {  	_ =	sfence.sel $0xFFFF  }
0x37: {  	[dreg:$0x0] =	wrdreg $0xFFFFFFFF;
	(pc) =	sbr.abs _section_cstart, $3  }
0x38: {  	[dreg:$0x1] =	wrdreg $0xFFFFFFFF  }
0x39: {  	_ =	task.clear_ibuf [dreg:s7], $0x2FFFF;
	_ =	strace $0x9FFFFFFF  }
0x3a: {  	(tm) =	ssettm $0x7FFFFFFF  }
0x3b: {  	_ =	shalt  }
tec
execute0_lowered:
.L_overlay_start_1:
0x0: {  	(tag) =	ssettag $0x1  }
0x1: {  	s0 =	stileid.u32;
	s4 =	rddreg [dreg:$0x0]  }
0x2: {  	s1 =	srdreg.scid;
	s3 =	rddreg [dreg:$0x1]  }
0x3: {  	_ =	strace $0x8000004D;
	s7 =	simm.s32 $0x1;
	s31 =	simm.s32 $0x2  }
0x4: {  	s19 =	simm.s32 $0x0;
	s9 =	simm.s32 $0x10000;
	s21 =	simm.s32 $0x0  }
0x5: {  	s20 =	simm.s32 $0x0;
	s2 =	sshll.u32 s0, $0x5;
	s1 =	sshll.u32 s1, $0x9  }
0x6: {  	s22 =	simm.s32 $0x0;
	s10 =	simm.s32 $0x0;
	s1 =	sor.u32 s2, s1  }
0x7: {  	s11 =	simm.s32 $0x0;
	s12 =	simm.s32 $0x0;
	s2 =	sand.u32 $0x380, s1  }
0x8: {  	s13 =	simm.s32 $0x0;
	s14 =	simm.s32 $0x0;
	s5 =	ssub.s32 $0x800, s2  }
0x9: {  	s15 =	simm.s32 $0x0;
	s18 =	simm.s32 $0x0;
	s6 =	sand.u32 $0x380, s5  }
.Ltmp0:
0xa: {  	s4 =	sadd.s32 $0x441400, s4;
	p0 =	sne.s32 s6, $0x0;
	(pc) =	sbr.rel .LBB1_1-.Ltmp0, $4  }
0xb: {  	s16 =	smov.u32 s2;
	s8 =	sshrl.u32 s5, $0xA;
	s7 =	simm.s32 @!p0 $0x0  }
0xc: {  	s5 =	sand.u32 $0x3, s0;
	s6 =	simm.s32 $0x1;
	s7 =	sadd.s32 s7, s8  }
0xd: {  	s17 =	smov.u32 s5;
	[sflag:s6] =	ssyncpa.u1 $0x0;
	s7 =	sshll.u32 s7, $0x6  }
0xe: {  	p0 =	por $0x0, $0x0;
	[sflag:s31] =	ssyncpa.u1 $0x0;
	s8 =	sor.u32 $0x1, s7  }
.LBB1_4:
0xf: {  	p1 =	sgt.s32 s13, $0x3;
	s28 =	smov.u32 s13;
	s29 =	sshra.s32 s13, $0x1F;
	[tilespmem:s25+$0x2040 ss:$0x81] =	vst.msk $0xffff, v4  }
0x10: {  	s27 =	sshra.s32 s27, $0x2;
	[tilespmem:s25+$0x2850 ss:$0x81] =	vst.msk $0xffff, v3;
	s28 =	simm.s32 @!p1 $0x3;
	s29 =	sand.u32 s29, s13  }
0x11: {  	s30 =	smov.u32 s12;
	s31 =	sshra.s32 s12, $0x1F;
	[tilespmem:s25+$0x3060 ss:$0x81] =	vst.msk $0xffff, v2;
	s28 =	ssub.s32 s28, s29  }
0x12: {  	s1 =	sshra.s32 s11, $0x1F;
	[tilespmem:s25+$0x0 ss:$0x81] =	vst.msk $0xffff, v0;
	s25 =	sshll.u32 s12, $0x3;
	s29 =	sadd.s32 $0xFFFFFFFD, s28  }
0x13: {  	s26 =	sadd.s32 s27, s26;
	s28 =	ssub.s32 $0x4, s28;
	p1 =	sgt.s32 s29, $0x0  }
0x14: {  	s29 =	smov.u32 s10;
	s28 =	simm.s32 @p1 $0x0;
	p1 =	sgt.s32 s10, $0x3  }
0x15: {  	s27 =	sand.u32 s31, s12;
	s29 =	simm.s32 @!p1 $0x3;
	p1 =	sgt.s32 s12, $0x780  }
0x16: {  	s31 =	smov.u32 s11;
	s30 =	simm.s32 @!p1 $0x780;
	p1 =	sgt.s32 s11, $0x1F  }
0x17: {  	s1 =	sand.u32 s1, s11;
	s27 =	ssub.s32 s30, s27;
	s31 =	simm.s32 @!p1 $0x1F  }
0x18: {  	s30 =	sadd.s32 $0xFFFFF880, s27;
	s1 =	ssub.s32 s31, s1;
	s31 =	sshra.s32 s10, $0x1F  }
0x19: {  	s27 =	ssub.s32 $0x800, s27;
	p1 =	sgt.s32 s30, $0x7F;
	s31 =	sand.u32 s31, s10  }
0x1a: {  	v5 =	vld [tilespmem:s24+$0xFFFFFFD0];
	s30 =	sshll.u32 s11, $0xB;
	s29 =	ssub.s32 s29, s31;
	s31 =	sadd.s32 $0xFFFFFFE1, s1  }
0x1b: {  	v58 =	vld [tilespmem:s24+$0xFFFFFFE0];
	s27 =	simm.s32 @p1 $0x0;
	s30 =	sand.u32 $0xC000, s30;
	s1 =	ssub.s32 $0x20, s1  }
0x1c: {  	v59 =	vld [tilespmem:s24+$0xFFFFFFF0];
	p1 =	sgt.s32 s31, $0x0;
	s31 =	sand.u32 $0x78, s12;
	s27 =	smul.u32 s28, s27  }
0x1d: {  	v60 =	vld [tilespmem:s24+$0x0];
	s28 =	sadd.s32 $0xFFFFFFFD, s29;
	s29 =	ssub.s32 $0x83, s29;
	s1 =	simm.s32 @p1 $0x0  }
0x1e: {  	v61 =	vld [tilespmem:s24+$0x10];
	[tilespmem:s26+$0x3870 ss:$0x81] =	vst.msk $0xffff, v1;
	p1 =	sgt.s32 s28, $0x7F;
	s28 =	sand.u32 $0xFC00, s25;
	s25 =	sand.u32 $0x400, s25  }
0x1f: {  	v62 =	vld [tilespmem:s24+$0x20];
	[tilespmem:s26+$0x810 ss:$0x81] =	vst.msk $0xffff, v5;
	s1 =	smul.u32 s1, s27;
	s27 =	sshll.u32 s11, $0x7;
	s25 =	sor.u32 s31, s25  }
0x20: {  	v63 =	vld [tilespmem:s24+$0xFFFFFFC0];
	[tilespmem:s26+$0x1020 ss:$0x81] =	vst.msk $0xffff, v58;
	s31 =	smul.u32 $0x106000, s13;
	s28 =	sadd.s32 s28, s30;
	s27 =	sand.u32 $0x380, s27  }
0x21: {  	[tilespmem:s26+$0x1830 ss:$0x81] =	vst.msk $0xffff, v59;
	s29 =	simm.s32 @p1 $0x0;
	s28 =	sshrl.u32 s28, $0x3;
	s24 =	sor.u32 s27, s25  }
0x22: {  	[tilespmem:s26+$0x2040 ss:$0x81] =	vst.msk $0xffff, v60;
	s1 =	smul.u32 s29, s1;
	s29 =	sshll.u32 s10, $0xD;
	s25 =	sadd.s32 s3, s31  }
0x23: {  	[tilespmem:s26+$0x2850 ss:$0x81] =	vst.msk $0xffff, v61;
	s30 =	sand.u32 $0x7, s12;
	s28 =	sand.u32 $0x1F00, s28;
	s25 =	sadd.s32 s29, s25  }
0x24: {  	[tilespmem:s26+$0x3060 ss:$0x81] =	vst.msk $0xffff, v62;
	s27 =	sshll.u32 s30, $0x12;
	s24 =	sshrl.u32 s24, $0x3;
	s25 =	sadd.s32 s28, s25  }
0x25: {  	[tilespmem:s26+$0x0 ss:$0x81] =	vst.msk $0xffff, v63;
	s31 =	sor.u32 $0x80, s27;
	s1 =	sand.u32 $0x3FFFFFFF, s1;
	s24 =	sadd.s32 s24, s25  }
0x26: {  	[hbm4b:s24+s31] =	stream.strided.scatter [tilespmem:s23], [sflag:$0x2], s1, s9, s31, $0x20;
	[tilespmem:$0x10100] =	vst v63  }
.LBB1_5:
0x27: {  	p1 =	slt.u32 s18, $0x2  }
0x28: {  	s1 =	smov.u32 s22;
	p2 =	sgt.s32 @!p1 s22, $0x3  }
0x29: {  	s24 =	sadd.s32 $0x80, s14;
	s23 =	sshra.s32 @!p1 s22, $0x1F;
	p2 =	por !p2, p1  }
0x2a: {  	s25 =	smov.u32 s16;
	s22 =	sand.u32 @!p1 s23, s22;
	s1 =	simm.s32 @p2 $0x3  }
0x2b: {  	s26 =	smov.u32 s17;
	p0 =	por !p0, !p0;
	s1 =	ssub.s32 @!p1 s1, s22  }
0x2c: {  	p3 =	sgt.s32 @!p1 s21, $0x1F;
	s23 =	sshra.s32 @!p1 s21, $0x1F;
	s22 =	sadd.s32 @!p1 $0xFFFFFFFD, s1  }
0x2d: {  	s1 =	ssub.s32 @!p1 $0x4, s1;
	p2 =	sgt.s32 @!p1 s22, $0x0;
	s22 =	smov.u32 s21  }
0x2e: {  	s21 =	sand.u32 @!p1 s23, s21;
	s23 =	sshra.s32 @!p1 s19, $0x1F;
	p2 =	por !p2, p1  }
0x2f: {  	s23 =	sand.u32 @!p1 s23, s19;
	s1 =	simm.s32 @!p2 $0x0;
	p2 =	por !p3, p1  }
0x30: {  	p3 =	sgt.s32 @!p1 s19, $0x3;
	s22 =	simm.s32 @p2 $0x1F;
	p2 =	sgt.s32 @!p1 s20, $0x780  }
0x31: {  	s21 =	ssub.s32 @!p1 s22, s21;
	s22 =	sshra.s32 @!p1 s20, $0x1F;
	p2 =	por !p2, p1  }
0x32: {  	p3 =	por !p3, p1;
	s22 =	sand.u32 @!p1 s22, s20;
	s20 =	simm.s32 @p2 $0x780  }
0x33: {  	s19 =	simm.s32 @p3 $0x3;
	s20 =	ssub.s32 @!p1 s20, s22;
	s22 =	sadd.s32 @!p1 $0xFFFFFFE1, s21  }
0x34: {  	s19 =	ssub.s32 @!p1 s19, s23;
	p2 =	sgt.s32 @!p1 s22, $0x0;
	s22 =	sadd.s32 @!p1 $0xFFFFF880, s20  }
0x35: {  	s23 =	sadd.s32 @!p1 $0xFFFFFFFD, s19;
	s21 =	ssub.s32 @!p1 $0x20, s21;
	p3 =	sgt.s32 @!p1 s22, $0x7F  }
0x36: {  	s20 =	ssub.s32 @!p1 $0x800, s20;
	p2 =	por !p2, p1;
	p3 =	por !p3, p1  }
0x37: {  	s21 =	simm.s32 @!p2 $0x0;
	p2 =	sgt.s32 s24, $0x82;
	s20 =	simm.s32 @!p3 $0x0  }
0x38: {  	p3 =	sgt.s32 @!p1 s23, $0x7F;
	s1 =	smul.u32 @!p1 s1, s20;
	s20 =	simm.s32 $0x1  }
0x39: {  	s19 =	ssub.s32 @!p1 $0x83, s19;
	p3 =	por !p3, p1;
	s20 =	simm.s32 @!p2 $0x0  }
0x3a: {  	s27 =	simm.s32 @!p1 $0x2;
	s19 =	simm.s32 @!p3 $0x0;
	s23 =	sadd.s32 s20, s15  }
0x3b: {  	s1 =	smul.u32 @!p1 s21, s1;
	s20 =	sadd.s32 $0x400, s16;
	p3 =	sgt.s32 s23, $0x1F  }
0x3c: {  	s22 =	smov.u32 s13;
	s24 =	simm.s32 @p2 $0x0;
	s25 =	smov.u32 @p3 s20  }
0x3d: {  	s1 =	smul.u32 @!p1 s19, s1;
	s19 =	sadd.s32 $0x4, s17;
	p2 =	sgt.s32 s25, $0x7FF  }
0x3e: {  	s13 =	smov.u32 s17;
	s21 =	smov.u32 s11;
	s26 =	smov.u32 @p2 s19  }
0x3f: {  	s11 =	smov.u32 s15;
	s25 =	smov.u32 @p2 s2;
	p2 =	sgt.s32 s26, $0x3  }
0x40: {  	s23 =	simm.s32 @p3 $0x0;
	s26 =	smov.u32 @p2 s5;
	p2 =	sne.s32 s18, s8  }
.Ltmp1:
0x41: {  	s20 =	smov.u32 s12;
	s12 =	smov.u32 s16;
	(pc) =	sbr.rel @!p2 .LBB1_6-.Ltmp1, $4  }
0x42: {  	s15 =	smov.u32 s23;
	s1 =	sand.u32 @!p1 $0x3FFFFFFF, s1;
	s19 =	smov.u32 s10  }
0x43: {  	s10 =	smov.u32 s14;
	s14 =	smov.u32 s24;
	_ =	swait.ge @!p1 [sflag:s27], s1  }
0x44: {  	s1 =	ssub.s32 @!p1 $0x0, s1;
	s16 =	smov.u32 s25;
	[sflag:s27] =	ssyncset.done @!p1 $0x0  }
0x45: {  	s18 =	sadd.s32 $0x1, s18;
	[sflag:s27] =	ssyncadd.s32 @!p1 s1;
	s17 =	smov.u32 s26  }
.LBB1_1:
0x46: {  	p1 =	sge.u32 s18, s7;
	s31 =	sadd.s32 $0xFFFFFFFF, s18  }
0x47: {  	s23 =	sxor.u32 @!p1 $0xFFFFFFFF, s18;
	s24 =	sand.u32 @!p1 $0x78, s14;
	s25 =	sshll.u32 @!p1 s15, $0x8  }
0x48: {  	s26 =	sshll.u32 @!p1 s14, $0x3;
	s27 =	sshll.u32 @!p1 s15, $0x7;
	s23 =	sshll.u32 @!p1 s23, $0xE  }
0x49: {  	s25 =	sand.u32 @!p1 $0x1800, s25;
	s26 =	sand.u32 @!p1 $0x1C00, s26;
	s23 =	sand.u32 @!p1 $0x4000, s23  }
0x4a: {  	s25 =	sadd.s32 @!p1 s25, s26;
	s26 =	sand.u32 @!p1 $0x300, s27;
	s27 =	sand.u32 @!p1 $0x80, s27  }
0x4b: {  	s25 =	sor.u32 @!p1 s26, s25;
	s24 =	sor.u32 @!p1 s24, s27;
	s26 =	sshll.u32 @!p1 s17, $0x15  }
0x4c: {  	s27 =	sshll.u32 @!p1 s16, $0xA;
	s25 =	sshrl.u32 @!p1 s25, $0x3;
	s26 =	sadd.s32 @!p1 s4, s26  }
0x4d: {  	s24 =	sshrl.u32 @!p1 s24, $0x3;
	s26 =	sadd.s32 @!p1 s27, s26;
	s27 =	sand.u32 @!p1 $0x7, s14  }
0x4e: {  	s25 =	sand.u32 @!p1 $0x3E0, s25;
	s24 =	sadd.s32 @!p1 s24, s26;
	s26 =	sshll.u32 @!p1 s27, $0x12  }
0x4f: {  	s24 =	sadd.s32 @!p1 s25, s24;
	s25 =	sor.u32 @!p1 $0x80, s26;
	s26 =	simm.s32 @!p1 $0x2000  }
0x50: {  	[tilespmem:s23], [sflag:$0x1] =	stream.strided.gather @!p1 [hbm4b:s24+s25], $0x4000, s26, s25, $0x38;
	[tilespmem:$0x10100] =	vst v63  }
0x51: {  	p1 =	sge.u32 s31, s7  }
.Ltmp2:
0x52: {  	_ = 	snop;
	(pc) =	sbr.rel @p1 .LBB1_5-.Ltmp2, $1  }
0x53: {  	_ =	sdelay $0x3  }
0x54: {  	s23 =	simm.s32 $0x1  }
0x55: {  	_ =	swait.ge [sflag:s6], $0x4000;
	s23 =	simm.s32 @!p0 $0x0  }
0x56: {  	[sflag:s6] =	ssyncset.done $0x0;
	s24 =	sshll.u32 s23, $0xE  }
0x57: {  	[sflag:s6] =	ssyncadd.s32 $0xFFFFC000;
	s24 =	sor.u32 $0x40, s24  }
0x58: {  	s23 =	smul.u32 $0x10200, s23;
	v0 =	vld [tilespmem:s24+$0x30]  }
0x59: {  	v1 =	vld [tilespmem:s24+$0xFFFFFFD0]  }
0x5a: {  	s23 =	sshrl.u32 s23, $0x2;
	v5 =	vld [tilespmem:s24+$0xFFFFFFE0]  }
0x5b: {  	v6 =	vld [tilespmem:s24+$0xFFFFFFF0];
	s26 =	sor.u32 $0x8000, s23  }
0x5c: {  	s31 =	sand.u32 $0x1, s18;
	v4 =	vld [tilespmem:s24+$0x0];
	s25 =	sadd.s32 $0x0, s26  }
0x5d: {  	v3 =	vld [tilespmem:s24+$0x10];
	s23 =	smul.u32 $0x10200, s31;
	[tilespmem:s25+$0x3870 ss:$0x81] =	vst.msk $0xffff, v0  }
0x5e: {  	v2 =	vld [tilespmem:s24+$0x20];
	[tilespmem:s25+$0x810 ss:$0x81] =	vst.msk $0xffff, v1  }
0x5f: {  	s23 =	sshrl.u32 s23, $0x2;
	v0 =	vld [tilespmem:s24+$0xFFFFFFC0];
	[tilespmem:s25+$0x1020 ss:$0x81] =	vst.msk $0xffff, v5;
	s24 =	sadd.s32 $0x80, s24  }
0x60: {  	s27 =	simm.s32 $0x4;
	s28 =	simm.s32 $0x8;
	s23 =	sor.u32 $0x8000, s23;
	[tilespmem:s25+$0x1830 ss:$0x81] =	vst.msk $0xffff, v6;
	v1 =	vld [tilespmem:s24+$0x30]  }
.LBB1_3:
0x61: {  	p1 =	sne.s32 s28, $0x1FC;
	v5 =	vld [tilespmem:s24+$0xFFFFFFD0];
	[tilespmem:s25+$0x2040 ss:$0x81] =	vst.msk $0xffff, v4  }
0x62: {  	v6 =	vld [tilespmem:s24+$0xFFFFFFE0];
	[tilespmem:s25+$0x2850 ss:$0x81] =	vst.msk $0xffff, v3  }
0x63: {  	s29 =	sshra.s32 s27, $0x2;
	s27 =	smov.u32 s28;
	v7 =	vld [tilespmem:s24+$0xFFFFFFF0];
	[tilespmem:s25+$0x3060 ss:$0x81] =	vst.msk $0xffff, v2  }
.Ltmp3:
0x64: {  	v4 =	vld [tilespmem:s24+$0x0];
	[tilespmem:s25+$0x0 ss:$0x81] =	vst.msk $0xffff, v0;
	s25 =	sadd.s32 s29, s26;
	(pc) =	sbr.rel @p1 .LBB1_3-.Ltmp3, $4  }
0x65: {  	v3 =	vld [tilespmem:s24+$0x10];
	[tilespmem:s25+$0x3870 ss:$0x81] =	vst.msk $0xffff, v1  }
0x66: {  	[tilespmem:s25+$0x810 ss:$0x81] =	vst.msk $0xffff, v5;
	v2 =	vld [tilespmem:s24+$0x20]  }
0x67: {  	v0 =	vld [tilespmem:s24+$0xFFFFFFC0];
	[tilespmem:s25+$0x1020 ss:$0x81] =	vst.msk $0xffff, v6;
	s24 =	sadd.s32 $0x80, s24  }
0x68: {  	s28 =	sadd.s32 $0x4, s28;
	v1 =	vld [tilespmem:s24+$0x30];
	[tilespmem:s25+$0x1830 ss:$0x81] =	vst.msk $0xffff, v7  }
.Ltmp4:
0x69: {  	_ = 	snop;
	(pc) =	sbr.rel .LBB1_4-.Ltmp4, $1  }
0x6a: {  	_ =	sdelay $0x3  }
.LBB1_6:
0x6b: {  	_ =	sfence.sel $0x180000  }
0x6c: {  	s1 =	simm.s32 $0x1;
	[bflag:$0x0] =	sbarrier.arrive $0xFFFF  }
0x6d: {  	s31 =	simm.s32 $0x2;
	[sflag:s1] =	ssyncpa.u1 $0x1  }
0x6e: {  	[sflag:s31] =	ssyncpa.u1 $0x1  }
0x6f: {  	_ =	strace $0x9000004D  }
0x70: {  	[bflag:$0x2] =	sbarrier.arrive $0xFFFF  }
0x71: {  	p0 =	sne.s32 s0, $0x0;
	s0 =	rddreg [dreg:$0x2]  }
0x72: {  	s0 =	sadd.s32 @!p0 $0x100000, s0  }
0x73: {  	[sflag:s0] =	ssyncadd.tile.s32 @!p0 $0x1;
	_ =	shalt  }
.Lfunc_end1:
_tile_overlayer_lowered:
.L_overlay_start_2:
0x74: {  	(tag) =	ssettag $0x2  }
0x75: {  	s0 =	rddreg [dreg:$0x0];
	s2 =	stileid.u32  }
0x76: {  	s1 =	rddreg [dreg:$0x1];
	p0 =	sne.s32 s2, $0x0  }
0x77: {  	s3 =	rddreg [dreg:$0x2];
	[bflag:$0x3] =	sbarrier.arrive $0xFFFF;
	s2 =	simm.s32 @!p0 $0x1C01  }
0x78: {  	[timem:s3], [sflag:s2] =	dma.local @!p0 [hbm:s0], s1  }
0x79: {  	s0 =	simm.s32 @!p0 $0x1  }
0x7a: {  	_ =	swait.ge @!p0 [sflag:s0], s1  }
0x7b: {  	s1 =	ssub.s32 @!p0 $0x0, s1;
	[sflag:s0] =	ssyncset.done @!p0 $0x0  }
0x7c: {  	[sflag:s0] =	ssyncadd.s32 @!p0 s1  }
0x7d: {  	[bflag:$0x3] =	sbarrier.arrive $0xFFFF  }
0x7e: {  	_ =	shalt  }

</sc_bundles>
